<compile_context>
chip_gen: v7x
topology: tpu7x:2x2x1
jax: 0.10.2.dev20260603
libtpu: 0.0.44.dev20260713+nightly
codegen_flags: <defaults>
</compile_context>

<pallas_src>
import jax
import jax.numpy as jnp
from jax import lax
from jax.experimental import pallas as pl
from jax.experimental.pallas import tpu as pltpu
from jax.experimental.pallas import tpu_sc as plsc

N_NODES = 10000
N_EDGES = 320000
D = 128
DH = D // 2

NC = 2
NS = 16
NW = NC * NS
CHUNK = 128
NCH = 80
EPT = NCH * CHUNK
E_PAD = NW * EPT
N_PAD = 10240
ROWS_PER_TILE = N_PAD // NS
ZROWS = 128


def _sc_body(row_hbm, col_hbm, val_hbm, xa_hbm, xb_hbm, out_hbm,
             rowi_v, coli_v, vals_v, rows_v, zbuf_v, acc_sh, sem):
    c = lax.axis_index("c")
    s = lax.axis_index("s")
    tbase = (c * NS + s) * NCH

    pltpu.sync_copy(row_hbm.at[pl.ds(tbase, NCH)], rowi_v)
    pltpu.sync_copy(col_hbm.at[pl.ds(tbase, NCH)], coli_v)
    pltpu.sync_copy(val_hbm.at[pl.ds(tbase, NCH)], vals_v)

    zero = jnp.zeros((16,), jnp.float32)

    def zrow(e, _):
        for j in range(DH // 16):
            zbuf_v[e, pl.ds(j * 16, 16)] = zero
        return 0

    lax.fori_loop(0, ZROWS, zrow, 0)

    for p, x_hbm in enumerate((xa_hbm, xb_hbm)):
        for k in range(ROWS_PER_TILE // ZROWS):
            pltpu.sync_copy(zbuf_v,
                            acc_sh.at[pl.ds(s * ROWS_PER_TILE + k * ZROWS, ZROWS)])
        plsc.subcore_barrier()

        def chunk_body(ci, _):
            pltpu.async_copy(x_hbm.at[coli_v.at[ci]], rows_v, sem).wait()

            def group_body(g, _):
                v16 = vals_v[ci, pl.ds(g * 16, 16)]
                base = g * 16
                for e16 in range(16):
                    v = v16[e16]
                    for j in range(DH // 16):
                        rows_v[base + e16, pl.ds(j * 16, 16)] = (
                            rows_v[base + e16, pl.ds(j * 16, 16)] * v)
                return 0

            lax.fori_loop(0, CHUNK // 16, group_body, 0)
            pltpu.sync_copy(rows_v, acc_sh.at[rowi_v.at[ci]], add=True)
            return 0

        lax.fori_loop(0, NCH, chunk_body, 0)

        plsc.subcore_barrier()
        pltpu.sync_copy(acc_sh.at[pl.ds(s * ROWS_PER_TILE, ROWS_PER_TILE)],
                        out_hbm.at[c, p, pl.ds(s * ROWS_PER_TILE, ROWS_PER_TILE)])
        plsc.subcore_barrier()


def _combine_body(p_ref, o_ref):
    o_ref[:, :DH] = p_ref[0, 0] + p_ref[1, 0]
    o_ref[:, DH:] = p_ref[0, 1] + p_ref[1, 1]


@jax.jit
def kernel(indices, values, x):
    pad = E_PAD - N_EDGES
    row = jnp.pad(indices[0].astype(jnp.int32), (0, pad)).reshape(E_PAD // CHUNK, CHUNK)
    col = jnp.pad(indices[1].astype(jnp.int32), (0, pad)).reshape(E_PAD // CHUNK, CHUNK)
    val = jnp.pad(values, (0, pad)).reshape(E_PAD // CHUNK, CHUNK)
    xa = x[:, :DH]
    xb = x[:, DH:]

    partials = pl.kernel(
        _sc_body,
        out_type=jax.ShapeDtypeStruct((NC, 2, N_PAD, DH), jnp.float32),
        mesh=plsc.VectorSubcoreMesh(core_axis_name="c", subcore_axis_name="s",
                                    num_cores=NC, num_subcores=NS),
        scratch_types=[
            pltpu.VMEM((NCH, CHUNK), jnp.int32),
            pltpu.VMEM((NCH, CHUNK), jnp.int32),
            pltpu.VMEM((NCH, CHUNK), jnp.float32),
            pltpu.VMEM((CHUNK, DH), jnp.float32),
            pltpu.VMEM((ZROWS, DH), jnp.float32),
            pltpu.VMEM_SHARED((N_PAD, DH), jnp.float32),
            pltpu.SemaphoreType.DMA,
        ],
        compiler_params=pltpu.CompilerParams(use_tc_tiling_on_sc=False),
    )(row, col, val, xa, xb)

    blk = 1000
    return pl.pallas_call(
        _combine_body,
        grid=(N_NODES // blk,),
        in_specs=[pl.BlockSpec((NC, 2, blk, DH), lambda i: (0, 0, i, 0))],
        out_specs=pl.BlockSpec((blk, D), lambda i: (i, 0)),
        out_shape=jax.ShapeDtypeStruct((N_NODES, D), jnp.float32),
    )(partials)

# --- scband reference (transcript-rebuilt; emitter-appended) ---
"""Pipeline reference for scband-simple-hypergraph-conv-27865747817132 (READ-ONLY COPY).

The authoritative reference and input builder live on the scoring server;
editing this copy changes nothing except your own understanding.
"""

import jax, jax.numpy as jnp
import numpy as np

N_NODES = 10000
N_EDGES = 320000
D_FEAT = 128


def setup_inputs(seed: int = 0) -> dict:
    key = jax.random.key(seed)
    k1, k2, k3 = jax.random.split(key, 3)
    indices = jax.random.randint(k1, (2, N_EDGES), 0, N_NODES)
    values = jax.random.uniform(k2, (N_EDGES,), dtype=jnp.float32)
    x = jax.random.normal(k3, (N_NODES, D_FEAT), dtype=jnp.float32)
    return {"indices": indices, "values": values, "x": x}


def reference(indices, values, x):
    # edge_dropout=0.0 -> identity in eval mode (no scaling, no masking)
    row = indices[0]
    col = indices[1]
    # sparse @ dense: gather rows of x by col, scale by nnz values, scatter-add by row
    gathered = jnp.take(x, col, axis=0) * values[:, None]
    out = jax.ops.segment_sum(gathered, row, num_segments=N_NODES)
    return out

if __name__ == "__main__":
    import jax
    _d = setup_inputs()
    print(jax.jit(kernel)(*tuple(_d.values())))

</pallas_src>

<mosaic_0001>
#map = affine_map<(d0, d1) -> (0, 0)>
#map1 = affine_map<(d0, d1) -> (0, 0, 0, 0)>
module attributes {stable_mosaic.version = 14 : i64} {
  func.func @_sc_body(%arg0: i32, %arg1: i32, %arg2: memref<2560x128xi32, #tpu.memory_space<hbm>>, %arg3: memref<2560x128xi32, #tpu.memory_space<hbm>>, %arg4: memref<2560x128xf32, #tpu.memory_space<hbm>>, %arg5: memref<10000x64xf32, #tpu.memory_space<hbm>>, %arg6: memref<10000x64xf32, #tpu.memory_space<hbm>>, %arg7: memref<2x2x10240x64xf32, #tpu.memory_space<hbm>>, %arg8: memref<80x128xi32, #tpu.memory_space<vmem>>, %arg9: memref<80x128xi32, #tpu.memory_space<vmem>>, %arg10: memref<80x128xf32, #tpu.memory_space<vmem>>, %arg11: memref<128x64xf32, #tpu.memory_space<vmem>>, %arg12: memref<128x64xf32, #tpu.memory_space<vmem>>, %arg13: memref<10240x64xf32, #tpu.memory_space<vmem_shared>>, %arg14: memref<!tpu.dma_semaphore, #tpu.memory_space<semaphore_mem>>) attributes {dimension_semantics = [#tpu.dimension_semantics<core_parallel>, #tpu.dimension_semantics<subcore_parallel>], iteration_bounds = array<i64: 2, 16>, scalar_prefetch = 0 : i64, scratch_operands = 7 : i64, tpu.core_type = #tpu.core_type<sc_vector_subcore>, window_params = [{transform_indices = #map}, {transform_indices = #map}, {transform_indices = #map}, {transform_indices = #map}, {transform_indices = #map}, {transform_indices = #map1}]} {
    %mul3A = arith.constant 16 : i32
    %mul3A_0 = arith.muli %arg0, %mul3A : i32
    %add3A = arith.addi %mul3A_0, %arg1 : i32
    %mul3A_1 = arith.constant 80 : i32
    %mul3A_2 = arith.muli %add3A, %mul3A_1 : i32
    "tpu.region"() ({
      %run_scoped3A_78 = tpu.sem_alloc : memref<!tpu.dma_semaphore, #tpu.memory_space<semaphore_mem>>
      %dma_start3A = arith.constant 0 : i32
      %dma_start3A_79 = tpu.memref_slice %arg2[%mul3A_2, %dma_start3A] : memref<2560x128xi32, #tpu.memory_space<hbm>> -> memref<80x128xi32, #tpu.memory_space<hbm>>
      %dma_start3A_80 = arith.constant 0 : i32
      %dma_start3A_81 = tpu.memref_slice %arg2[%mul3A_2, %dma_start3A_80] : memref<2560x128xi32, #tpu.memory_space<hbm>> -> memref<80x128xi32, #tpu.memory_space<hbm>>
      tpu.enqueue_dma source(%dma_start3A_81 : memref<80x128xi32, #tpu.memory_space<hbm>>) target(%arg8 : memref<80x128xi32, #tpu.memory_space<vmem>>) target_semaphore(%run_scoped3A_78 : memref<!tpu.dma_semaphore, #tpu.memory_space<semaphore_mem>>)
      %dma_wait3A = arith.constant 0 : i32
      %dma_wait3A_82 = tpu.memref_slice %arg2[%mul3A_2, %dma_wait3A] : memref<2560x128xi32, #tpu.memory_space<hbm>> -> memref<80x128xi32, #tpu.memory_space<hbm>>
      %dma_wait3A_83 = arith.constant 0 : i32
      %dma_wait3A_84 = tpu.memref_slice %arg2[%mul3A_2, %dma_wait3A_83] : memref<2560x128xi32, #tpu.memory_space<hbm>> -> memref<80x128xi32, #tpu.memory_space<hbm>>
      tpu.wait_dma2 semaphore(%run_scoped3A_78 : memref<!tpu.dma_semaphore, #tpu.memory_space<semaphore_mem>>) src(%dma_wait3A_84 : memref<80x128xi32, #tpu.memory_space<hbm>>) dst(%arg8 : memref<80x128xi32, #tpu.memory_space<vmem>>)
      tpu.yield
    }) : () -> ()
    "tpu.region"() ({
      %run_scoped3A_78 = tpu.sem_alloc : memref<!tpu.dma_semaphore, #tpu.memory_space<semaphore_mem>>
      %dma_start3A = arith.constant 0 : i32
      %dma_start3A_79 = tpu.memref_slice %arg3[%mul3A_2, %dma_start3A] : memref<2560x128xi32, #tpu.memory_space<hbm>> -> memref<80x128xi32, #tpu.memory_space<hbm>>
      %dma_start3A_80 = arith.constant 0 : i32
      %dma_start3A_81 = tpu.memref_slice %arg3[%mul3A_2, %dma_start3A_80] : memref<2560x128xi32, #tpu.memory_space<hbm>> -> memref<80x128xi32, #tpu.memory_space<hbm>>
      tpu.enqueue_dma source(%dma_start3A_81 : memref<80x128xi32, #tpu.memory_space<hbm>>) target(%arg9 : memref<80x128xi32, #tpu.memory_space<vmem>>) target_semaphore(%run_scoped3A_78 : memref<!tpu.dma_semaphore, #tpu.memory_space<semaphore_mem>>)
      %dma_wait3A = arith.constant 0 : i32
      %dma_wait3A_82 = tpu.memref_slice %arg3[%mul3A_2, %dma_wait3A] : memref<2560x128xi32, #tpu.memory_space<hbm>> -> memref<80x128xi32, #tpu.memory_space<hbm>>
      %dma_wait3A_83 = arith.constant 0 : i32
      %dma_wait3A_84 = tpu.memref_slice %arg3[%mul3A_2, %dma_wait3A_83] : memref<2560x128xi32, #tpu.memory_space<hbm>> -> memref<80x128xi32, #tpu.memory_space<hbm>>
      tpu.wait_dma2 semaphore(%run_scoped3A_78 : memref<!tpu.dma_semaphore, #tpu.memory_space<semaphore_mem>>) src(%dma_wait3A_84 : memref<80x128xi32, #tpu.memory_space<hbm>>) dst(%arg9 : memref<80x128xi32, #tpu.memory_space<vmem>>)
      tpu.yield
    }) : () -> ()
    "tpu.region"() ({
      %run_scoped3A_78 = tpu.sem_alloc : memref<!tpu.dma_semaphore, #tpu.memory_space<semaphore_mem>>
      %dma_start3A = arith.constant 0 : i32
      %dma_start3A_79 = tpu.memref_slice %arg4[%mul3A_2, %dma_start3A] : memref<2560x128xf32, #tpu.memory_space<hbm>> -> memref<80x128xf32, #tpu.memory_space<hbm>>
      %dma_start3A_80 = arith.constant 0 : i32
      %dma_start3A_81 = tpu.memref_slice %arg4[%mul3A_2, %dma_start3A_80] : memref<2560x128xf32, #tpu.memory_space<hbm>> -> memref<80x128xf32, #tpu.memory_space<hbm>>
      tpu.enqueue_dma source(%dma_start3A_81 : memref<80x128xf32, #tpu.memory_space<hbm>>) target(%arg10 : memref<80x128xf32, #tpu.memory_space<vmem>>) target_semaphore(%run_scoped3A_78 : memref<!tpu.dma_semaphore, #tpu.memory_space<semaphore_mem>>)
      %dma_wait3A = arith.constant 0 : i32
      %dma_wait3A_82 = tpu.memref_slice %arg4[%mul3A_2, %dma_wait3A] : memref<2560x128xf32, #tpu.memory_space<hbm>> -> memref<80x128xf32, #tpu.memory_space<hbm>>
      %dma_wait3A_83 = arith.constant 0 : i32
      %dma_wait3A_84 = tpu.memref_slice %arg4[%mul3A_2, %dma_wait3A_83] : memref<2560x128xf32, #tpu.memory_space<hbm>> -> memref<80x128xf32, #tpu.memory_space<hbm>>
      tpu.wait_dma2 semaphore(%run_scoped3A_78 : memref<!tpu.dma_semaphore, #tpu.memory_space<semaphore_mem>>) src(%dma_wait3A_84 : memref<80x128xf32, #tpu.memory_space<hbm>>) dst(%arg10 : memref<80x128xf32, #tpu.memory_space<vmem>>)
      tpu.yield
    }) : () -> ()
    %broadcast_in_dim3A = arith.constant 0.000000e+00 : f32
    %broadcast_in_dim3A_3 = vector.broadcast %broadcast_in_dim3A : f32 to vector<16xf32>
    %scan3A = arith.constant 0 : i32
    %scan3A_4 = arith.constant 0 : i32
    %scan3A_5 = arith.constant 128 : i32
    %scan3A_6 = arith.addi %scan3A_4, %scan3A_5 : i32
    %scan3A_7 = arith.constant 1 : i32
    %scan3A_8 = scf.for %scan3A_78 = %scan3A_4 to %scan3A_6 step %scan3A_7 iter_args(%scan3A_79 = %scan3A) -> (i32)  : i32 {
      %swap3A = arith.index_cast %scan3A_78 : i32 to index
      %swap3A_80 = arith.constant 0 : index
      %swap3A_81 = tpu.vector_load %arg12[%swap3A, %swap3A_80] {strides = array<i32>} : memref<128x64xf32, #tpu.memory_space<vmem>>, vector<1x16xf32>,
      %swap3A_82 = vector.shape_cast %swap3A_81 : vector<1x16xf32> to vector<16xf32>
      %swap3A_83 = vector.shape_cast %broadcast_in_dim3A_3 : vector<16xf32> to vector<1x16xf32>
      tpu.vector_store %arg12[%swap3A, %swap3A_80], %swap3A_83 {strides = array<i32>} : memref<128x64xf32, #tpu.memory_space<vmem>>, vector<1x16xf32>,
      %swap3A_84 = arith.index_cast %scan3A_78 : i32 to index
      %swap3A_85 = arith.constant 16 : index
      %swap3A_86 = tpu.vector_load %arg12[%swap3A_84, %swap3A_85] {strides = array<i32>} : memref<128x64xf32, #tpu.memory_space<vmem>>, vector<1x16xf32>,
      %swap3A_87 = vector.shape_cast %swap3A_86 : vector<1x16xf32> to vector<16xf32>
      %swap3A_88 = vector.shape_cast %broadcast_in_dim3A_3 : vector<16xf32> to vector<1x16xf32>
      tpu.vector_store %arg12[%swap3A_84, %swap3A_85], %swap3A_88 {strides = array<i32>} : memref<128x64xf32, #tpu.memory_space<vmem>>, vector<1x16xf32>,
      %swap3A_89 = arith.index_cast %scan3A_78 : i32 to index
      %swap3A_90 = arith.constant 32 : index
      %swap3A_91 = tpu.vector_load %arg12[%swap3A_89, %swap3A_90] {strides = array<i32>} : memref<128x64xf32, #tpu.memory_space<vmem>>, vector<1x16xf32>,
      %swap3A_92 = vector.shape_cast %swap3A_91 : vector<1x16xf32> to vector<16xf32>
      %swap3A_93 = vector.shape_cast %broadcast_in_dim3A_3 : vector<16xf32> to vector<1x16xf32>
      tpu.vector_store %arg12[%swap3A_89, %swap3A_90], %swap3A_93 {strides = array<i32>} : memref<128x64xf32, #tpu.memory_space<vmem>>, vector<1x16xf32>,
      %swap3A_94 = arith.index_cast %scan3A_78 : i32 to index
      %swap3A_95 = arith.constant 48 : index
      %swap3A_96 = tpu.vector_load %arg12[%swap3A_94, %swap3A_95] {strides = array<i32>} : memref<128x64xf32, #tpu.memory_space<vmem>>, vector<1x16xf32>,
      %swap3A_97 = vector.shape_cast %swap3A_96 : vector<1x16xf32> to vector<16xf32>
      %swap3A_98 = vector.shape_cast %broadcast_in_dim3A_3 : vector<16xf32> to vector<1x16xf32>
      tpu.vector_store %arg12[%swap3A_94, %swap3A_95], %swap3A_98 {strides = array<i32>} : memref<128x64xf32, #tpu.memory_space<vmem>>, vector<1x16xf32>,
      %scan3A_99 = arith.constant 0 : i32
      scf.yield %scan3A_99 : i32
    }
    %scan3A_9 = arith.constant 128 : i32
    %mul3A_10 = arith.constant 640 : i32
    %mul3A_11 = arith.muli %arg1, %mul3A_10 : i32
    %add3A_12 = arith.constant 0 : i32
    %add3A_13 = arith.addi %mul3A_11, %add3A_12 : i32
    "tpu.region"() ({
      %run_scoped3A_78 = tpu.sem_alloc : memref<!tpu.dma_semaphore, #tpu.memory_space<semaphore_mem>>
      %dma_start3A = arith.constant 0 : i32
      %dma_start3A_79 = tpu.memref_slice %arg13[%add3A_13, %dma_start3A] : memref<10240x64xf32, #tpu.memory_space<vmem_shared>> -> memref<128x64xf32, #tpu.memory_space<vmem_shared>>
      %dma_start3A_80 = arith.constant 0 : i32
      %dma_start3A_81 = tpu.memref_slice %arg13[%add3A_13, %dma_start3A_80] : memref<10240x64xf32, #tpu.memory_space<vmem_shared>> -> memref<128x64xf32, #tpu.memory_space<vmem_shared>>
      tpu.enqueue_dma source(%arg12 : memref<128x64xf32, #tpu.memory_space<vmem>>) target(%dma_start3A_81 : memref<128x64xf32, #tpu.memory_space<vmem_shared>>) target_semaphore(%run_scoped3A_78 : memref<!tpu.dma_semaphore, #tpu.memory_space<semaphore_mem>>)
      %dma_wait3A = arith.constant 0 : i32
      %dma_wait3A_82 = tpu.memref_slice %arg13[%add3A_13, %dma_wait3A] : memref<10240x64xf32, #tpu.memory_space<vmem_shared>> -> memref<128x64xf32, #tpu.memory_space<vmem_shared>>
      %dma_wait3A_83 = arith.constant 0 : i32
      %dma_wait3A_84 = tpu.memref_slice %arg13[%add3A_13, %dma_wait3A_83] : memref<10240x64xf32, #tpu.memory_space<vmem_shared>> -> memref<128x64xf32, #tpu.memory_space<vmem_shared>>
      tpu.wait_dma2 semaphore(%run_scoped3A_78 : memref<!tpu.dma_semaphore, #tpu.memory_space<semaphore_mem>>) src(%arg12 : memref<128x64xf32, #tpu.memory_space<vmem>>) dst(%dma_wait3A_84 : memref<128x64xf32, #tpu.memory_space<vmem_shared>>)
      tpu.yield
    }) : () -> ()
    %mul3A_14 = arith.constant 640 : i32
    %mul3A_15 = arith.muli %arg1, %mul3A_14 : i32
    %add3A_16 = arith.constant 128 : i32
    %add3A_17 = arith.addi %mul3A_15, %add3A_16 : i32
    "tpu.region"() ({
      %run_scoped3A_78 = tpu.sem_alloc : memref<!tpu.dma_semaphore, #tpu.memory_space<semaphore_mem>>
      %dma_start3A = arith.constant 0 : i32
      %dma_start3A_79 = tpu.memref_slice %arg13[%add3A_17, %dma_start3A] : memref<10240x64xf32, #tpu.memory_space<vmem_shared>> -> memref<128x64xf32, #tpu.memory_space<vmem_shared>>
      %dma_start3A_80 = arith.constant 0 : i32
      %dma_start3A_81 = tpu.memref_slice %arg13[%add3A_17, %dma_start3A_80] : memref<10240x64xf32, #tpu.memory_space<vmem_shared>> -> memref<128x64xf32, #tpu.memory_space<vmem_shared>>
      tpu.enqueue_dma source(%arg12 : memref<128x64xf32, #tpu.memory_space<vmem>>) target(%dma_start3A_81 : memref<128x64xf32, #tpu.memory_space<vmem_shared>>) target_semaphore(%run_scoped3A_78 : memref<!tpu.dma_semaphore, #tpu.memory_space<semaphore_mem>>)
      %dma_wait3A = arith.constant 0 : i32
      %dma_wait3A_82 = tpu.memref_slice %arg13[%add3A_17, %dma_wait3A] : memref<10240x64xf32, #tpu.memory_space<vmem_shared>> -> memref<128x64xf32, #tpu.memory_space<vmem_shared>>
      %dma_wait3A_83 = arith.constant 0 : i32
      %dma_wait3A_84 = tpu.memref_slice %arg13[%add3A_17, %dma_wait3A_83] : memref<10240x64xf32, #tpu.memory_space<vmem_shared>> -> memref<128x64xf32, #tpu.memory_space<vmem_shared>>
      tpu.wait_dma2 semaphore(%run_scoped3A_78 : memref<!tpu.dma_semaphore, #tpu.memory_space<semaphore_mem>>) src(%arg12 : memref<128x64xf32, #tpu.memory_space<vmem>>) dst(%dma_wait3A_84 : memref<128x64xf32, #tpu.memory_space<vmem_shared>>)
      tpu.yield
    }) : () -> ()
    %mul3A_18 = arith.constant 640 : i32
    %mul3A_19 = arith.muli %arg1, %mul3A_18 : i32
    %add3A_20 = arith.constant 256 : i32
    %add3A_21 = arith.addi %mul3A_19, %add3A_20 : i32
    "tpu.region"() ({
      %run_scoped3A_78 = tpu.sem_alloc : memref<!tpu.dma_semaphore, #tpu.memory_space<semaphore_mem>>
      %dma_start3A = arith.constant 0 : i32
      %dma_start3A_79 = tpu.memref_slice %arg13[%add3A_21, %dma_start3A] : memref<10240x64xf32, #tpu.memory_space<vmem_shared>> -> memref<128x64xf32, #tpu.memory_space<vmem_shared>>
      %dma_start3A_80 = arith.constant 0 : i32
      %dma_start3A_81 = tpu.memref_slice %arg13[%add3A_21, %dma_start3A_80] : memref<10240x64xf32, #tpu.memory_space<vmem_shared>> -> memref<128x64xf32, #tpu.memory_space<vmem_shared>>
      tpu.enqueue_dma source(%arg12 : memref<128x64xf32, #tpu.memory_space<vmem>>) target(%dma_start3A_81 : memref<128x64xf32, #tpu.memory_space<vmem_shared>>) target_semaphore(%run_scoped3A_78 : memref<!tpu.dma_semaphore, #tpu.memory_space<semaphore_mem>>)
      %dma_wait3A = arith.constant 0 : i32
      %dma_wait3A_82 = tpu.memref_slice %arg13[%add3A_21, %dma_wait3A] : memref<10240x64xf32, #tpu.memory_space<vmem_shared>> -> memref<128x64xf32, #tpu.memory_space<vmem_shared>>
      %dma_wait3A_83 = arith.constant 0 : i32
      %dma_wait3A_84 = tpu.memref_slice %arg13[%add3A_21, %dma_wait3A_83] : memref<10240x64xf32, #tpu.memory_space<vmem_shared>> -> memref<128x64xf32, #tpu.memory_space<vmem_shared>>
      tpu.wait_dma2 semaphore(%run_scoped3A_78 : memref<!tpu.dma_semaphore, #tpu.memory_space<semaphore_mem>>) src(%arg12 : memref<128x64xf32, #tpu.memory_space<vmem>>) dst(%dma_wait3A_84 : memref<128x64xf32, #tpu.memory_space<vmem_shared>>)
      tpu.yield
    }) : () -> ()
    %mul3A_22 = arith.constant 640 : i32
    %mul3A_23 = arith.muli %arg1, %mul3A_22 : i32
    %add3A_24 = arith.constant 384 : i32
    %add3A_25 = arith.addi %mul3A_23, %add3A_24 : i32
    "tpu.region"() ({
      %run_scoped3A_78 = tpu.sem_alloc : memref<!tpu.dma_semaphore, #tpu.memory_space<semaphore_mem>>
      %dma_start3A = arith.constant 0 : i32
      %dma_start3A_79 = tpu.memref_slice %arg13[%add3A_25, %dma_start3A] : memref<10240x64xf32, #tpu.memory_space<vmem_shared>> -> memref<128x64xf32, #tpu.memory_space<vmem_shared>>
      %dma_start3A_80 = arith.constant 0 : i32
      %dma_start3A_81 = tpu.memref_slice %arg13[%add3A_25, %dma_start3A_80] : memref<10240x64xf32, #tpu.memory_space<vmem_shared>> -> memref<128x64xf32, #tpu.memory_space<vmem_shared>>
      tpu.enqueue_dma source(%arg12 : memref<128x64xf32, #tpu.memory_space<vmem>>) target(%dma_start3A_81 : memref<128x64xf32, #tpu.memory_space<vmem_shared>>) target_semaphore(%run_scoped3A_78 : memref<!tpu.dma_semaphore, #tpu.memory_space<semaphore_mem>>)
      %dma_wait3A = arith.constant 0 : i32
      %dma_wait3A_82 = tpu.memref_slice %arg13[%add3A_25, %dma_wait3A] : memref<10240x64xf32, #tpu.memory_space<vmem_shared>> -> memref<128x64xf32, #tpu.memory_space<vmem_shared>>
      %dma_wait3A_83 = arith.constant 0 : i32
      %dma_wait3A_84 = tpu.memref_slice %arg13[%add3A_25, %dma_wait3A_83] : memref<10240x64xf32, #tpu.memory_space<vmem_shared>> -> memref<128x64xf32, #tpu.memory_space<vmem_shared>>
      tpu.wait_dma2 semaphore(%run_scoped3A_78 : memref<!tpu.dma_semaphore, #tpu.memory_space<semaphore_mem>>) src(%arg12 : memref<128x64xf32, #tpu.memory_space<vmem>>) dst(%dma_wait3A_84 : memref<128x64xf32, #tpu.memory_space<vmem_shared>>)
      tpu.yield
    }) : () -> ()
    %mul3A_26 = arith.constant 640 : i32
    %mul3A_27 = arith.muli %arg1, %mul3A_26 : i32
    %add3A_28 = arith.constant 512 : i32
    %add3A_29 = arith.addi %mul3A_27, %add3A_28 : i32
    "tpu.region"() ({
      %run_scoped3A_78 = tpu.sem_alloc : memref<!tpu.dma_semaphore, #tpu.memory_space<semaphore_mem>>
      %dma_start3A = arith.constant 0 : i32
      %dma_start3A_79 = tpu.memref_slice %arg13[%add3A_29, %dma_start3A] : memref<10240x64xf32, #tpu.memory_space<vmem_shared>> -> memref<128x64xf32, #tpu.memory_space<vmem_shared>>
      %dma_start3A_80 = arith.constant 0 : i32
      %dma_start3A_81 = tpu.memref_slice %arg13[%add3A_29, %dma_start3A_80] : memref<10240x64xf32, #tpu.memory_space<vmem_shared>> -> memref<128x64xf32, #tpu.memory_space<vmem_shared>>
      tpu.enqueue_dma source(%arg12 : memref<128x64xf32, #tpu.memory_space<vmem>>) target(%dma_start3A_81 : memref<128x64xf32, #tpu.memory_space<vmem_shared>>) target_semaphore(%run_scoped3A_78 : memref<!tpu.dma_semaphore, #tpu.memory_space<semaphore_mem>>)
      %dma_wait3A = arith.constant 0 : i32
      %dma_wait3A_82 = tpu.memref_slice %arg13[%add3A_29, %dma_wait3A] : memref<10240x64xf32, #tpu.memory_space<vmem_shared>> -> memref<128x64xf32, #tpu.memory_space<vmem_shared>>
      %dma_wait3A_83 = arith.constant 0 : i32
      %dma_wait3A_84 = tpu.memref_slice %arg13[%add3A_29, %dma_wait3A_83] : memref<10240x64xf32, #tpu.memory_space<vmem_shared>> -> memref<128x64xf32, #tpu.memory_space<vmem_shared>>
      tpu.wait_dma2 semaphore(%run_scoped3A_78 : memref<!tpu.dma_semaphore, #tpu.memory_space<semaphore_mem>>) src(%arg12 : memref<128x64xf32, #tpu.memory_space<vmem>>) dst(%dma_wait3A_84 : memref<128x64xf32, #tpu.memory_space<vmem_shared>>)
      tpu.yield
    }) : () -> ()
    %barrier3A = arith.constant 0 : index
    tpu.barrier barrier_id(%barrier3A)
    %scan3A_30 = arith.constant 0 : i32
    %scan3A_31 = arith.constant 0 : i32
    %scan3A_32 = arith.constant 80 : i32
    %scan3A_33 = arith.addi %scan3A_31, %scan3A_32 : i32
    %scan3A_34 = arith.constant 1 : i32
    %scan3A_35 = scf.for %scan3A_78 = %scan3A_31 to %scan3A_33 step %scan3A_34 iter_args(%scan3A_79 = %scan3A_30) -> (i32)  : i32 {
      %dma_start3A = arith.constant 0 : i32
      %dma_start3A_80 = tpu.memref_slice %arg9[%scan3A_78, %dma_start3A] : memref<80x128xi32, #tpu.memory_space<vmem>> -> memref<1x128xi32, #tpu.memory_space<vmem>>
      %dma_start3A_81 = tpu.memref_squeeze %dma_start3A_80 : memref<1x128xi32, #tpu.memory_space<vmem>> -> memref<128xi32, #tpu.memory_space<vmem>>
      %dma_start3A_82 = arith.constant 0 : i32
      %dma_start3A_83 = arith.constant 0 : i32
      %dma_start3A_84 = tpu.memref_slice %arg5[%dma_start3A_82, %dma_start3A_83] : memref<10000x64xf32, #tpu.memory_space<hbm>> -> memref<10000x64xf32, #tpu.memory_space<hbm>>
      tpu.enqueue_indirect_dma source(%dma_start3A_84 : memref<10000x64xf32, #tpu.memory_space<hbm>>) target(%arg11 : memref<128x64xf32, #tpu.memory_space<vmem>>) offsets(%dma_start3A_81 : memref<128xi32, #tpu.memory_space<vmem>>) semaphore(%arg14 : memref<!tpu.dma_semaphore, #tpu.memory_space<semaphore_mem>>)
      %dma_wait3A = arith.constant 0 : i32
      %dma_wait3A_85 = tpu.memref_slice %arg9[%scan3A_78, %dma_wait3A] : memref<80x128xi32, #tpu.memory_space<vmem>> -> memref<1x128xi32, #tpu.memory_space<vmem>>
      %dma_wait3A_86 = tpu.memref_squeeze %dma_wait3A_85 : memref<1x128xi32, #tpu.memory_space<vmem>> -> memref<128xi32, #tpu.memory_space<vmem>>
      %dma_wait3A_87 = arith.constant 0 : i32
      %dma_wait3A_88 = arith.constant 0 : i32
      %dma_wait3A_89 = tpu.memref_slice %arg5[%dma_wait3A_87, %dma_wait3A_88] : memref<10000x64xf32, #tpu.memory_space<hbm>> -> memref<10000x64xf32, #tpu.memory_space<hbm>>
      tpu.wait_indirect_dma semaphore(%arg14 : memref<!tpu.dma_semaphore, #tpu.memory_space<semaphore_mem>>) src(%dma_wait3A_89 : memref<10000x64xf32, #tpu.memory_space<hbm>>) dst(%arg11 : memref<128x64xf32, #tpu.memory_space<vmem>>)
      %scan3A_90 = arith.constant 0 : i32
      %scan3A_91 = arith.constant 0 : i32
      %scan3A_92 = arith.constant 8 : i32
      %scan3A_93 = arith.addi %scan3A_91, %scan3A_92 : i32
      %scan3A_94 = arith.constant 1 : i32
      %scan3A_95 = scf.for %scan3A_98 = %scan3A_91 to %scan3A_93 step %scan3A_94 iter_args(%scan3A_99 = %scan3A_90) -> (i32)  : i32 {
        %mul3A_100 = arith.constant 16 : i32
        %mul3A_101 = arith.muli %scan3A_98, %mul3A_100 : i32
        %get3A = arith.index_cast %scan3A_78 : i32 to index
        %get3A_102 = arith.index_cast %mul3A_101 : i32 to index
        %get3A_103 = tpu.vector_load %arg10[%get3A, %get3A_102] {strides = array<i32>} : memref<80x128xf32, #tpu.memory_space<vmem>>, vector<1x16xf32>,
        %get3A_104 = vector.shape_cast %get3A_103 : vector<1x16xf32> to vector<16xf32>
        %mul3A_105 = arith.constant 16 : i32
        %mul3A_106 = arith.muli %scan3A_98, %mul3A_105 : i32
        %slice3A = vector.extract_strided_slice %get3A_104 {offsets = [0], sizes = [1], strides = [1]} : vector<16xf32> to vector<1xf32>
        %squeeze3A = vector.extract %slice3A[0] : f32 from vector<1xf32>
        %add3A_107 = arith.constant 0 : i32
        %add3A_108 = arith.addi %mul3A_106, %add3A_107 : i32
        %get3A_109 = arith.index_cast %add3A_108 : i32 to index
        %get3A_110 = arith.constant 0 : index
        %get3A_111 = tpu.vector_load %arg11[%get3A_109, %get3A_110] {strides = array<i32>} : memref<128x64xf32, #tpu.memory_space<vmem>>, vector<1x16xf32>,
        %get3A_112 = vector.shape_cast %get3A_111 : vector<1x16xf32> to vector<16xf32>
        %mul3A_113 = vector.broadcast %squeeze3A : f32 to vector<16xf32>
        %mul3A_114 = arith.mulf %get3A_112, %mul3A_113 : vector<16xf32>
        %add3A_115 = arith.constant 0 : i32
        %add3A_116 = arith.addi %mul3A_106, %add3A_115 : i32
        %swap3A = arith.index_cast %add3A_116 : i32 to index
        %swap3A_117 = arith.constant 0 : index
        %swap3A_118 = tpu.vector_load %arg11[%swap3A, %swap3A_117] {strides = array<i32>} : memref<128x64xf32, #tpu.memory_space<vmem>>, vector<1x16xf32>,
        %swap3A_119 = vector.shape_cast %swap3A_118 : vector<1x16xf32> to vector<16xf32>
        %swap3A_120 = vector.shape_cast %mul3A_114 : vector<16xf32> to vector<1x16xf32>
        tpu.vector_store %arg11[%swap3A, %swap3A_117], %swap3A_120 {strides = array<i32>} : memref<128x64xf32, #tpu.memory_space<vmem>>, vector<1x16xf32>,
        %add3A_121 = arith.constant 0 : i32
        %add3A_122 = arith.addi %mul3A_106, %add3A_121 : i32
        %get3A_123 = arith.index_cast %add3A_122 : i32 to index
        %get3A_124 = arith.constant 16 : index
        %get3A_125 = tpu.vector_load %arg11[%get3A_123, %get3A_124] {strides = array<i32>} : memref<128x64xf32, #tpu.memory_space<vmem>>, vector<1x16xf32>,
        %get3A_126 = vector.shape_cast %get3A_125 : vector<1x16xf32> to vector<16xf32>
        %mul3A_127 = vector.broadcast %squeeze3A : f32 to vector<16xf32>
        %mul3A_128 = arith.mulf %get3A_126, %mul3A_127 : vector<16xf32>
        %add3A_129 = arith.constant 0 : i32
        %add3A_130 = arith.addi %mul3A_106, %add3A_129 : i32
        %swap3A_131 = arith.index_cast %add3A_130 : i32 to index
        %swap3A_132 = arith.constant 16 : index
        %swap3A_133 = tpu.vector_load %arg11[%swap3A_131, %swap3A_132] {strides = array<i32>} : memref<128x64xf32, #tpu.memory_space<vmem>>, vector<1x16xf32>,
        %swap3A_134 = vector.shape_cast %swap3A_133 : vector<1x16xf32> to vector<16xf32>
        %swap3A_135 = vector.shape_cast %mul3A_128 : vector<16xf32> to vector<1x16xf32>
        tpu.vector_store %arg11[%swap3A_131, %swap3A_132], %swap3A_135 {strides = array<i32>} : memref<128x64xf32, #tpu.memory_space<vmem>>, vector<1x16xf32>,
        %add3A_136 = arith.constant 0 : i32
        %add3A_137 = arith.addi %mul3A_106, %add3A_136 : i32
        %get3A_138 = arith.index_cast %add3A_137 : i32 to index
        %get3A_139 = arith.constant 32 : index
        %get3A_140 = tpu.vector_load %arg11[%get3A_138, %get3A_139] {strides = array<i32>} : memref<128x64xf32, #tpu.memory_space<vmem>>, vector<1x16xf32>,
        %get3A_141 = vector.shape_cast %get3A_140 : vector<1x16xf32> to vector<16xf32>
        %mul3A_142 = vector.broadcast %squeeze3A : f32 to vector<16xf32>
        %mul3A_143 = arith.mulf %get3A_141, %mul3A_142 : vector<16xf32>
        %add3A_144 = arith.constant 0 : i32
        %add3A_145 = arith.addi %mul3A_106, %add3A_144 : i32
        %swap3A_146 = arith.index_cast %add3A_145 : i32 to index
        %swap3A_147 = arith.constant 32 : index
        %swap3A_148 = tpu.vector_load %arg11[%swap3A_146, %swap3A_147] {strides = array<i32>} : memref<128x64xf32, #tpu.memory_space<vmem>>, vector<1x16xf32>,
        %swap3A_149 = vector.shape_cast %swap3A_148 : vector<1x16xf32> to vector<16xf32>
        %swap3A_150 = vector.shape_cast %mul3A_143 : vector<16xf32> to vector<1x16xf32>
        tpu.vector_store %arg11[%swap3A_146, %swap3A_147], %swap3A_150 {strides = array<i32>} : memref<128x64xf32, #tpu.memory_space<vmem>>, vector<1x16xf32>,
        %add3A_151 = arith.constant 0 : i32
        %add3A_152 = arith.addi %mul3A_106, %add3A_151 : i32
        %get3A_153 = arith.index_cast %add3A_152 : i32 to index
        %get3A_154 = arith.constant 48 : index
        %get3A_155 = tpu.vector_load %arg11[%get3A_153, %get3A_154] {strides = array<i32>} : memref<128x64xf32, #tpu.memory_space<vmem>>, vector<1x16xf32>,
        %get3A_156 = vector.shape_cast %get3A_155 : vector<1x16xf32> to vector<16xf32>
        %mul3A_157 = vector.broadcast %squeeze3A : f32 to vector<16xf32>
        %mul3A_158 = arith.mulf %get3A_156, %mul3A_157 : vector<16xf32>
        %add3A_159 = arith.constant 0 : i32
        %add3A_160 = arith.addi %mul3A_106, %add3A_159 : i32
        %swap3A_161 = arith.index_cast %add3A_160 : i32 to index
        %swap3A_162 = arith.constant 48 : index
        %swap3A_163 = tpu.vector_load %arg11[%swap3A_161, %swap3A_162] {strides = array<i32>} : memref<128x64xf32, #tpu.memory_space<vmem>>, vector<1x16xf32>,
        %swap3A_164 = vector.shape_cast %swap3A_163 : vector<1x16xf32> to vector<16xf32>
        %swap3A_165 = vector.shape_cast %mul3A_158 : vector<16xf32> to vector<1x16xf32>
        tpu.vector_store %arg11[%swap3A_161, %swap3A_162], %swap3A_165 {strides = array<i32>} : memref<128x64xf32, #tpu.memory_space<vmem>>, vector<1x16xf32>,
        %slice3A_166 = vector.extract_strided_slice %get3A_104 {offsets = [1], sizes = [1], strides = [1]} : vector<16xf32> to vector<1xf32>
        %squeeze3A_167 = vector.extract %slice3A_166[0] : f32 from vector<1xf32>
        %add3A_168 = arith.constant 1 : i32
        %add3A_169 = arith.addi %mul3A_106, %add3A_168 : i32
        %get3A_170 = arith.index_cast %add3A_169 : i32 to index
        %get3A_171 = arith.constant 0 : index
        %get3A_172 = tpu.vector_load %arg11[%get3A_170, %get3A_171] {strides = array<i32>} : memref<128x64xf32, #tpu.memory_space<vmem>>, vector<1x16xf32>,
        %get3A_173 = vector.shape_cast %get3A_172 : vector<1x16xf32> to vector<16xf32>
        %mul3A_174 = vector.broadcast %squeeze3A_167 : f32 to vector<16xf32>
        %mul3A_175 = arith.mulf %get3A_173, %mul3A_174 : vector<16xf32>
        %add3A_176 = arith.constant 1 : i32
        %add3A_177 = arith.addi %mul3A_106, %add3A_176 : i32
        %swap3A_178 = arith.index_cast %add3A_177 : i32 to index
        %swap3A_179 = arith.constant 0 : index
        %swap3A_180 = tpu.vector_load %arg11[%swap3A_178, %swap3A_179] {strides = array<i32>} : memref<128x64xf32, #tpu.memory_space<vmem>>, vector<1x16xf32>,
        %swap3A_181 = vector.shape_cast %swap3A_180 : vector<1x16xf32> to vector<16xf32>
        %swap3A_182 = vector.shape_cast %mul3A_175 : vector<16xf32> to vector<1x16xf32>
        tpu.vector_store %arg11[%swap3A_178, %swap3A_179], %swap3A_182 {strides = array<i32>} : memref<128x64xf32, #tpu.memory_space<vmem>>, vector<1x16xf32>,
        %add3A_183 = arith.constant 1 : i32
        %add3A_184 = arith.addi %mul3A_106, %add3A_183 : i32
        %get3A_185 = arith.index_cast %add3A_184 : i32 to index
        %get3A_186 = arith.constant 16 : index
        %get3A_187 = tpu.vector_load %arg11[%get3A_185, %get3A_186] {strides = array<i32>} : memref<128x64xf32, #tpu.memory_space<vmem>>, vector<1x16xf32>,
        %get3A_188 = vector.shape_cast %get3A_187 : vector<1x16xf32> to vector<16xf32>
        %mul3A_189 = vector.broadcast %squeeze3A_167 : f32 to vector<16xf32>
        %mul3A_190 = arith.mulf %get3A_188, %mul3A_189 : vector<16xf32>
        %add3A_191 = arith.constant 1 : i32
        %add3A_192 = arith.addi %mul3A_106, %add3A_191 : i32
        %swap3A_193 = arith.index_cast %add3A_192 : i32 to index
        %swap3A_194 = arith.constant 16 : index
        %swap3A_195 = tpu.vector_load %arg11[%swap3A_193, %swap3A_194] {strides = array<i32>} : memref<128x64xf32, #tpu.memory_space<vmem>>, vector<1x16xf32>,
        %swap3A_196 = vector.shape_cast %swap3A_195 : vector<1x16xf32> to vector<16xf32>
        %swap3A_197 = vector.shape_cast %mul3A_190 : vector<16xf32> to vector<1x16xf32>
        tpu.vector_store %arg11[%swap3A_193, %swap3A_194], %swap3A_197 {strides = array<i32>} : memref<128x64xf32, #tpu.memory_space<vmem>>, vector<1x16xf32>,
        %add3A_198 = arith.constant 1 : i32
        %add3A_199 = arith.addi %mul3A_106, %add3A_198 : i32
        %get3A_200 = arith.index_cast %add3A_199 : i32 to index
        %get3A_201 = arith.constant 32 : index
        %get3A_202 = tpu.vector_load %arg11[%get3A_200, %get3A_201] {strides = array<i32>} : memref<128x64xf32, #tpu.memory_space<vmem>>, vector<1x16xf32>,
        %get3A_203 = vector.shape_cast %get3A_202 : vector<1x16xf32> to vector<16xf32>
        %mul3A_204 = vector.broadcast %squeeze3A_167 : f32 to vector<16xf32>
        %mul3A_205 = arith.mulf %get3A_203, %mul3A_204 : vector<16xf32>
        %add3A_206 = arith.constant 1 : i32
        %add3A_207 = arith.addi %mul3A_106, %add3A_206 : i32
        %swap3A_208 = arith.index_cast %add3A_207 : i32 to index
        %swap3A_209 = arith.constant 32 : index
        %swap3A_210 = tpu.vector_load %arg11[%swap3A_208, %swap3A_209] {strides = array<i32>} : memref<128x64xf32, #tpu.memory_space<vmem>>, vector<1x16xf32>,
        %swap3A_211 = vector.shape_cast %swap3A_210 : vector<1x16xf32> to vector<16xf32>
        %swap3A_212 = vector.shape_cast %mul3A_205 : vector<16xf32> to vector<1x16xf32>
        tpu.vector_store %arg11[%swap3A_208, %swap3A_209], %swap3A_212 {strides = array<i32>} : memref<128x64xf32, #tpu.memory_space<vmem>>, vector<1x16xf32>,
        %add3A_213 = arith.constant 1 : i32
        %add3A_214 = arith.addi %mul3A_106, %add3A_213 : i32
        %get3A_215 = arith.index_cast %add3A_214 : i32 to index
        %get3A_216 = arith.constant 48 : index
        %get3A_217 = tpu.vector_load %arg11[%get3A_215, %get3A_216] {strides = array<i32>} : memref<128x64xf32, #tpu.memory_space<vmem>>, vector<1x16xf32>,
        %get3A_218 = vector.shape_cast %get3A_217 : vector<1x16xf32> to vector<16xf32>
        %mul3A_219 = vector.broadcast %squeeze3A_167 : f32 to vector<16xf32>
        %mul3A_220 = arith.mulf %get3A_218, %mul3A_219 : vector<16xf32>
        %add3A_221 = arith.constant 1 : i32
        %add3A_222 = arith.addi %mul3A_106, %add3A_221 : i32
        %swap3A_223 = arith.index_cast %add3A_222 : i32 to index
        %swap3A_224 = arith.constant 48 : index
        %swap3A_225 = tpu.vector_load %arg11[%swap3A_223, %swap3A_224] {strides = array<i32>} : memref<128x64xf32, #tpu.memory_space<vmem>>, vector<1x16xf32>,
        %swap3A_226 = vector.shape_cast %swap3A_225 : vector<1x16xf32> to vector<16xf32>
        %swap3A_227 = vector.shape_cast %mul3A_220 : vector<16xf32> to vector<1x16xf32>
        tpu.vector_store %arg11[%swap3A_223, %swap3A_224], %swap3A_227 {strides = array<i32>} : memref<128x64xf32, #tpu.memory_space<vmem>>, vector<1x16xf32>,
        %slice3A_228 = vector.extract_strided_slice %get3A_104 {offsets = [2], sizes = [1], strides = [1]} : vector<16xf32> to vector<1xf32>
        %squeeze3A_229 = vector.extract %slice3A_228[0] : f32 from vector<1xf32>
        %add3A_230 = arith.constant 2 : i32
        %add3A_231 = arith.addi %mul3A_106, %add3A_230 : i32
        %get3A_232 = arith.index_cast %add3A_231 : i32 to index
        %get3A_233 = arith.constant 0 : index
        %get3A_234 = tpu.vector_load %arg11[%get3A_232, %get3A_233] {strides = array<i32>} : memref<128x64xf32, #tpu.memory_space<vmem>>, vector<1x16xf32>,
        %get3A_235 = vector.shape_cast %get3A_234 : vector<1x16xf32> to vector<16xf32>
        %mul3A_236 = vector.broadcast %squeeze3A_229 : f32 to vector<16xf32>
        %mul3A_237 = arith.mulf %get3A_235, %mul3A_236 : vector<16xf32>
        %add3A_238 = arith.constant 2 : i32
        %add3A_239 = arith.addi %mul3A_106, %add3A_238 : i32
        %swap3A_240 = arith.index_cast %add3A_239 : i32 to index
        %swap3A_241 = arith.constant 0 : index
        %swap3A_242 = tpu.vector_load %arg11[%swap3A_240, %swap3A_241] {strides = array<i32>} : memref<128x64xf32, #tpu.memory_space<vmem>>, vector<1x16xf32>,
        %swap3A_243 = vector.shape_cast %swap3A_242 : vector<1x16xf32> to vector<16xf32>
        %swap3A_244 = vector.shape_cast %mul3A_237 : vector<16xf32> to vector<1x16xf32>
        tpu.vector_store %arg11[%swap3A_240, %swap3A_241], %swap3A_244 {strides = array<i32>} : memref<128x64xf32, #tpu.memory_space<vmem>>, vector<1x16xf32>,
        %add3A_245 = arith.constant 2 : i32
        %add3A_246 = arith.addi %mul3A_106, %add3A_245 : i32
        %get3A_247 = arith.index_cast %add3A_246 : i32 to index
        %get3A_248 = arith.constant 16 : index
        %get3A_249 = tpu.vector_load %arg11[%get3A_247, %get3A_248] {strides = array<i32>} : memref<128x64xf32, #tpu.memory_space<vmem>>, vector<1x16xf32>,
        %get3A_250 = vector.shape_cast %get3A_249 : vector<1x16xf32> to vector<16xf32>
        %mul3A_251 = vector.broadcast %squeeze3A_229 : f32 to vector<16xf32>
        %mul3A_252 = arith.mulf %get3A_250, %mul3A_251 : vector<16xf32>
        %add3A_253 = arith.constant 2 : i32
        %add3A_254 = arith.addi %mul3A_106, %add3A_253 : i32
        %swap3A_255 = arith.index_cast %add3A_254 : i32 to index
        %swap3A_256 = arith.constant 16 : index
        %swap3A_257 = tpu.vector_load %arg11[%swap3A_255, %swap3A_256] {strides = array<i32>} : memref<128x64xf32, #tpu.memory_space<vmem>>, vector<1x16xf32>,
        %swap3A_258 = vector.shape_cast %swap3A_257 : vector<1x16xf32> to vector<16xf32>
        %swap3A_259 = vector.shape_cast %mul3A_252 : vector<16xf32> to vector<1x16xf32>
        tpu.vector_store %arg11[%swap3A_255, %swap3A_256], %swap3A_259 {strides = array<i32>} : memref<128x64xf32, #tpu.memory_space<vmem>>, vector<1x16xf32>,
        %add3A_260 = arith.constant 2 : i32
        %add3A_261 = arith.addi %mul3A_106, %add3A_260 : i32
        %get3A_262 = arith.index_cast %add3A_261 : i32 to index
        %get3A_263 = arith.constant 32 : index
        %get3A_264 = tpu.vector_load %arg11[%get3A_262, %get3A_263] {strides = array<i32>} : memref<128x64xf32, #tpu.memory_space<vmem>>, vector<1x16xf32>,
        %get3A_265 = vector.shape_cast %get3A_264 : vector<1x16xf32> to vector<16xf32>
        %mul3A_266 = vector.broadcast %squeeze3A_229 : f32 to vector<16xf32>
        %mul3A_267 = arith.mulf %get3A_265, %mul3A_266 : vector<16xf32>
        %add3A_268 = arith.constant 2 : i32
        %add3A_269 = arith.addi %mul3A_106, %add3A_268 : i32
        %swap3A_270 = arith.index_cast %add3A_269 : i32 to index
        %swap3A_271 = arith.constant 32 : index
        %swap3A_272 = tpu.vector_load %arg11[%swap3A_270, %swap3A_271] {strides = array<i32>} : memref<128x64xf32, #tpu.memory_space<vmem>>, vector<1x16xf32>,
        %swap3A_273 = vector.shape_cast %swap3A_272 : vector<1x16xf32> to vector<16xf32>
        %swap3A_274 = vector.shape_cast %mul3A_267 : vector<16xf32> to vector<1x16xf32>
        tpu.vector_store %arg11[%swap3A_270, %swap3A_271], %swap3A_274 {strides = array<i32>} : memref<128x64xf32, #tpu.memory_space<vmem>>, vector<1x16xf32>,
        %add3A_275 = arith.constant 2 : i32
        %add3A_276 = arith.addi %mul3A_106, %add3A_275 : i32
        %get3A_277 = arith.index_cast %add3A_276 : i32 to index
        %get3A_278 = arith.constant 48 : index
        %get3A_279 = tpu.vector_load %arg11[%get3A_277, %get3A_278] {strides = array<i32>} : memref<128x64xf32, #tpu.memory_space<vmem>>, vector<1x16xf32>,
        %get3A_280 = vector.shape_cast %get3A_279 : vector<1x16xf32> to vector<16xf32>
        %mul3A_281 = vector.broadcast %squeeze3A_229 : f32 to vector<16xf32>
        %mul3A_282 = arith.mulf %get3A_280, %mul3A_281 : vector<16xf32>
        %add3A_283 = arith.constant 2 : i32
        %add3A_284 = arith.addi %mul3A_106, %add3A_283 : i32
        %swap3A_285 = arith.index_cast %add3A_284 : i32 to index
        %swap3A_286 = arith.constant 48 : index
        %swap3A_287 = tpu.vector_load %arg11[%swap3A_285, %swap3A_286] {strides = array<i32>} : memref<128x64xf32, #tpu.memory_space<vmem>>, vector<1x16xf32>,
        %swap3A_288 = vector.shape_cast %swap3A_287 : vector<1x16xf32> to vector<16xf32>
        %swap3A_289 = vector.shape_cast %mul3A_282 : vector<16xf32> to vector<1x16xf32>
        tpu.vector_store %arg11[%swap3A_285, %swap3A_286], %swap3A_289 {strides = array<i32>} : memref<128x64xf32, #tpu.memory_space<vmem>>, vector<1x16xf32>,
        %slice3A_290 = vector.extract_strided_slice %get3A_104 {offsets = [3], sizes = [1], strides = [1]} : vector<16xf32> to vector<1xf32>
        %squeeze3A_291 = vector.extract %slice3A_290[0] : f32 from vector<1xf32>
        %add3A_292 = arith.constant 3 : i32
        %add3A_293 = arith.addi %mul3A_106, %add3A_292 : i32
        %get3A_294 = arith.index_cast %add3A_293 : i32 to index
        %get3A_295 = arith.constant 0 : index
        %get3A_296 = tpu.vector_load %arg11[%get3A_294, %get3A_295] {strides = array<i32>} : memref<128x64xf32, #tpu.memory_space<vmem>>, vector<1x16xf32>,
        %get3A_297 = vector.shape_cast %get3A_296 : vector<1x16xf32> to vector<16xf32>
        %mul3A_298 = vector.broadcast %squeeze3A_291 : f32 to vector<16xf32>
        %mul3A_299 = arith.mulf %get3A_297, %mul3A_298 : vector<16xf32>
        %add3A_300 = arith.constant 3 : i32
        %add3A_301 = arith.addi %mul3A_106, %add3A_300 : i32
        %swap3A_302 = arith.index_cast %add3A_301 : i32 to index
        %swap3A_303 = arith.constant 0 : index
        %swap3A_304 = tpu.vector_load %arg11[%swap3A_302, %swap3A_303] {strides = array<i32>} : memref<128x64xf32, #tpu.memory_space<vmem>>, vector<1x16xf32>,
        %swap3A_305 = vector.shape_cast %swap3A_304 : vector<1x16xf32> to vector<16xf32>
        %swap3A_306 = vector.shape_cast %mul3A_299 : vector<16xf32> to vector<1x16xf32>
        tpu.vector_store %arg11[%swap3A_302, %swap3A_303], %swap3A_306 {strides = array<i32>} : memref<128x64xf32, #tpu.memory_space<vmem>>, vector<1x16xf32>,
        %add3A_307 = arith.constant 3 : i32
        %add3A_308 = arith.addi %mul3A_106, %add3A_307 : i32
        %get3A_309 = arith.index_cast %add3A_308 : i32 to index
        %get3A_310 = arith.constant 16 : index
        %get3A_311 = tpu.vector_load %arg11[%get3A_309, %get3A_310] {strides = array<i32>} : memref<128x64xf32, #tpu.memory_space<vmem>>, vector<1x16xf32>,
        %get3A_312 = vector.shape_cast %get3A_311 : vector<1x16xf32> to vector<16xf32>
        %mul3A_313 = vector.broadcast %squeeze3A_291 : f32 to vector<16xf32>
        %mul3A_314 = arith.mulf %get3A_312, %mul3A_313 : vector<16xf32>
        %add3A_315 = arith.constant 3 : i32
        %add3A_316 = arith.addi %mul3A_106, %add3A_315 : i32
        %swap3A_317 = arith.index_cast %add3A_316 : i32 to index
        %swap3A_318 = arith.constant 16 : index
        %swap3A_319 = tpu.vector_load %arg11[%swap3A_317, %swap3A_318] {strides = array<i32>} : memref<128x64xf32, #tpu.memory_space<vmem>>, vector<1x16xf32>,
        %swap3A_320 = vector.shape_cast %swap3A_319 : vector<1x16xf32> to vector<16xf32>
        %swap3A_321 = vector.shape_cast %mul3A_314 : vector<16xf32> to vector<1x16xf32>
        tpu.vector_store %arg11[%swap3A_317, %swap3A_318], %swap3A_321 {strides = array<i32>} : memref<128x64xf32, #tpu.memory_space<vmem>>, vector<1x16xf32>,
        %add3A_322 = arith.constant 3 : i32
        %add3A_323 = arith.addi %mul3A_106, %add3A_322 : i32
        %get3A_324 = arith.index_cast %add3A_323 : i32 to index
        %get3A_325 = arith.constant 32 : index
        %get3A_326 = tpu.vector_load %arg11[%get3A_324, %get3A_325] {strides = array<i32>} : memref<128x64xf32, #tpu.memory_space<vmem>>, vector<1x16xf32>,
        %get3A_327 = vector.shape_cast %get3A_326 : vector<1x16xf32> to vector<16xf32>
        %mul3A_328 = vector.broadcast %squeeze3A_291 : f32 to vector<16xf32>
        %mul3A_329 = arith.mulf %get3A_327, %mul3A_328 : vector<16xf32>
        %add3A_330 = arith.constant 3 : i32
        %add3A_331 = arith.addi %mul3A_106, %add3A_330 : i32
        %swap3A_332 = arith.index_cast %add3A_331 : i32 to index
        %swap3A_333 = arith.constant 32 : index
        %swap3A_334 = tpu.vector_load %arg11[%swap3A_332, %swap3A_333] {strides = array<i32>} : memref<128x64xf32, #tpu.memory_space<vmem>>, vector<1x16xf32>,
        %swap3A_335 = vector.shape_cast %swap3A_334 : vector<1x16xf32> to vector<16xf32>
        %swap3A_336 = vector.shape_cast %mul3A_329 : vector<16xf32> to vector<1x16xf32>
        tpu.vector_store %arg11[%swap3A_332, %swap3A_333], %swap3A_336 {strides = array<i32>} : memref<128x64xf32, #tpu.memory_space<vmem>>, vector<1x16xf32>,
        %add3A_337 = arith.constant 3 : i32
        %add3A_338 = arith.addi %mul3A_106, %add3A_337 : i32
        %get3A_339 = arith.index_cast %add3A_338 : i32 to index
        %get3A_340 = arith.constant 48 : index
        %get3A_341 = tpu.vector_load %arg11[%get3A_339, %get3A_340] {strides = array<i32>} : memref<128x64xf32, #tpu.memory_space<vmem>>, vector<1x16xf32>,
        %get3A_342 = vector.shape_cast %get3A_341 : vector<1x16xf32> to vector<16xf32>
        %mul3A_343 = vector.broadcast %squeeze3A_291 : f32 to vector<16xf32>
        %mul3A_344 = arith.mulf %get3A_342, %mul3A_343 : vector<16xf32>
        %add3A_345 = arith.constant 3 : i32
        %add3A_346 = arith.addi %mul3A_106, %add3A_345 : i32
        %swap3A_347 = arith.index_cast %add3A_346 : i32 to index
        %swap3A_348 = arith.constant 48 : index
        %swap3A_349 = tpu.vector_load %arg11[%swap3A_347, %swap3A_348] {strides = array<i32>} : memref<128x64xf32, #tpu.memory_space<vmem>>, vector<1x16xf32>,
        %swap3A_350 = vector.shape_cast %swap3A_349 : vector<1x16xf32> to vector<16xf32>
        %swap3A_351 = vector.shape_cast %mul3A_344 : vector<16xf32> to vector<1x16xf32>
        tpu.vector_store %arg11[%swap3A_347, %swap3A_348], %swap3A_351 {strides = array<i32>} : memref<128x64xf32, #tpu.memory_space<vmem>>, vector<1x16xf32>,
        %slice3A_352 = vector.extract_strided_slice %get3A_104 {offsets = [4], sizes = [1], strides = [1]} : vector<16xf32> to vector<1xf32>
        %squeeze3A_353 = vector.extract %slice3A_352[0] : f32 from vector<1xf32>
        %add3A_354 = arith.constant 4 : i32
        %add3A_355 = arith.addi %mul3A_106, %add3A_354 : i32
        %get3A_356 = arith.index_cast %add3A_355 : i32 to index
        %get3A_357 = arith.constant 0 : index
        %get3A_358 = tpu.vector_load %arg11[%get3A_356, %get3A_357] {strides = array<i32>} : memref<128x64xf32, #tpu.memory_space<vmem>>, vector<1x16xf32>,
        %get3A_359 = vector.shape_cast %get3A_358 : vector<1x16xf32> to vector<16xf32>
        %mul3A_360 = vector.broadcast %squeeze3A_353 : f32 to vector<16xf32>
        %mul3A_361 = arith.mulf %get3A_359, %mul3A_360 : vector<16xf32>
        %add3A_362 = arith.constant 4 : i32
        %add3A_363 = arith.addi %mul3A_106, %add3A_362 : i32
        %swap3A_364 = arith.index_cast %add3A_363 : i32 to index
        %swap3A_365 = arith.constant 0 : index
        %swap3A_366 = tpu.vector_load %arg11[%swap3A_364, %swap3A_365] {strides = array<i32>} : memref<128x64xf32, #tpu.memory_space<vmem>>, vector<1x16xf32>,
        %swap3A_367 = vector.shape_cast %swap3A_366 : vector<1x16xf32> to vector<16xf32>
        %swap3A_368 = vector.shape_cast %mul3A_361 : vector<16xf32> to vector<1x16xf32>
        tpu.vector_store %arg11[%swap3A_364, %swap3A_365], %swap3A_368 {strides = array<i32>} : memref<128x64xf32, #tpu.memory_space<vmem>>, vector<1x16xf32>,
        %add3A_369 = arith.constant 4 : i32
        %add3A_370 = arith.addi %mul3A_106, %add3A_369 : i32
        %get3A_371 = arith.index_cast %add3A_370 : i32 to index
        %get3A_372 = arith.constant 16 : index
        %get3A_373 = tpu.vector_load %arg11[%get3A_371, %get3A_372] {strides = array<i32>} : memref<128x64xf32, #tpu.memory_space<vmem>>, vector<1x16xf32>,
        %get3A_374 = vector.shape_cast %get3A_373 : vector<1x16xf32> to vector<16xf32>
        %mul3A_375 = vector.broadcast %squeeze3A_353 : f32 to vector<16xf32>
        %mul3A_376 = arith.mulf %get3A_374, %mul3A_375 : vector<16xf32>
        %add3A_377 = arith.constant 4 : i32
        %add3A_378 = arith.addi %mul3A_106, %add3A_377 : i32
        %swap3A_379 = arith.index_cast %add3A_378 : i32 to index
        %swap3A_380 = arith.constant 16 : index
        %swap3A_381 = tpu.vector_load %arg11[%swap3A_379, %swap3A_380] {strides = array<i32>} : memref<128x64xf32, #tpu.memory_space<vmem>>, vector<1x16xf32>,
        %swap3A_382 = vector.shape_cast %swap3A_381 : vector<1x16xf32> to vector<16xf32>
        %swap3A_383 = vector.shape_cast %mul3A_376 : vector<16xf32> to vector<1x16xf32>
        tpu.vector_store %arg11[%swap3A_379, %swap3A_380], %swap3A_383 {strides = array<i32>} : memref<128x64xf32, #tpu.memory_space<vmem>>, vector<1x16xf32>,
        %add3A_384 = arith.constant 4 : i32
        %add3A_385 = arith.addi %mul3A_106, %add3A_384 : i32
        %get3A_386 = arith.index_cast %add3A_385 : i32 to index
        %get3A_387 = arith.constant 32 : index
        %get3A_388 = tpu.vector_load %arg11[%get3A_386, %get3A_387] {strides = array<i32>} : memref<128x64xf32, #tpu.memory_space<vmem>>, vector<1x16xf32>,
        %get3A_389 = vector.shape_cast %get3A_388 : vector<1x16xf32> to vector<16xf32>
        %mul3A_390 = vector.broadcast %squeeze3A_353 : f32 to vector<16xf32>
        %mul3A_391 = arith.mulf %get3A_389, %mul3A_390 : vector<16xf32>
        %add3A_392 = arith.constant 4 : i32
        %add3A_393 = arith.addi %mul3A_106, %add3A_392 : i32
        %swap3A_394 = arith.index_cast %add3A_393 : i32 to index
        %swap3A_395 = arith.constant 32 : index
        %swap3A_396 = tpu.vector_load %arg11[%swap3A_394, %swap3A_395] {strides = array<i32>} : memref<128x64xf32, #tpu.memory_space<vmem>>, vector<1x16xf32>,
        %swap3A_397 = vector.shape_cast %swap3A_396 : vector<1x16xf32> to vector<16xf32>
        %swap3A_398 = vector.shape_cast %mul3A_391 : vector<16xf32> to vector<1x16xf32>
        tpu.vector_store %arg11[%swap3A_394, %swap3A_395], %swap3A_398 {strides = array<i32>} : memref<128x64xf32, #tpu.memory_space<vmem>>, vector<1x16xf32>,
        %add3A_399 = arith.constant 4 : i32
        %add3A_400 = arith.addi %mul3A_106, %add3A_399 : i32
        %get3A_401 = arith.index_cast %add3A_400 : i32 to index
        %get3A_402 = arith.constant 48 : index
        %get3A_403 = tpu.vector_load %arg11[%get3A_401, %get3A_402] {strides = array<i32>} : memref<128x64xf32, #tpu.memory_space<vmem>>, vector<1x16xf32>,
        %get3A_404 = vector.shape_cast %get3A_403 : vector<1x16xf32> to vector<16xf32>
        %mul3A_405 = vector.broadcast %squeeze3A_353 : f32 to vector<16xf32>
        %mul3A_406 = arith.mulf %get3A_404, %mul3A_405 : vector<16xf32>
        %add3A_407 = arith.constant 4 : i32
        %add3A_408 = arith.addi %mul3A_106, %add3A_407 : i32
        %swap3A_409 = arith.index_cast %add3A_408 : i32 to index
        %swap3A_410 = arith.constant 48 : index
        %swap3A_411 = tpu.vector_load %arg11[%swap3A_409, %swap3A_410] {strides = array<i32>} : memref<128x64xf32, #tpu.memory_space<vmem>>, vector<1x16xf32>,
        %swap3A_412 = vector.shape_cast %swap3A_411 : vector<1x16xf32> to vector<16xf32>
        %swap3A_413 = vector.shape_cast %mul3A_406 : vector<16xf32> to vector<1x16xf32>
        tpu.vector_store %arg11[%swap3A_409, %swap3A_410], %swap3A_413 {strides = array<i32>} : memref<128x64xf32, #tpu.memory_space<vmem>>, vector<1x16xf32>,
        %slice3A_414 = vector.extract_strided_slice %get3A_104 {offsets = [5], sizes = [1], strides = [1]} : vector<16xf32> to vector<1xf32>
        %squeeze3A_415 = vector.extract %slice3A_414[0] : f32 from vector<1xf32>
        %add3A_416 = arith.constant 5 : i32
        %add3A_417 = arith.addi %mul3A_106, %add3A_416 : i32
        %get3A_418 = arith.index_cast %add3A_417 : i32 to index
        %get3A_419 = arith.constant 0 : index
        %get3A_420 = tpu.vector_load %arg11[%get3A_418, %get3A_419] {strides = array<i32>} : memref<128x64xf32, #tpu.memory_space<vmem>>, vector<1x16xf32>,
        %get3A_421 = vector.shape_cast %get3A_420 : vector<1x16xf32> to vector<16xf32>
        %mul3A_422 = vector.broadcast %squeeze3A_415 : f32 to vector<16xf32>
        %mul3A_423 = arith.mulf %get3A_421, %mul3A_422 : vector<16xf32>
        %add3A_424 = arith.constant 5 : i32
        %add3A_425 = arith.addi %mul3A_106, %add3A_424 : i32
        %swap3A_426 = arith.index_cast %add3A_425 : i32 to index
        %swap3A_427 = arith.constant 0 : index
        %swap3A_428 = tpu.vector_load %arg11[%swap3A_426, %swap3A_427] {strides = array<i32>} : memref<128x64xf32, #tpu.memory_space<vmem>>, vector<1x16xf32>,
        %swap3A_429 = vector.shape_cast %swap3A_428 : vector<1x16xf32> to vector<16xf32>
        %swap3A_430 = vector.shape_cast %mul3A_423 : vector<16xf32> to vector<1x16xf32>
        tpu.vector_store %arg11[%swap3A_426, %swap3A_427], %swap3A_430 {strides = array<i32>} : memref<128x64xf32, #tpu.memory_space<vmem>>, vector<1x16xf32>,
        %add3A_431 = arith.constant 5 : i32
        %add3A_432 = arith.addi %mul3A_106, %add3A_431 : i32
        %get3A_433 = arith.index_cast %add3A_432 : i32 to index
        %get3A_434 = arith.constant 16 : index
        %get3A_435 = tpu.vector_load %arg11[%get3A_433, %get3A_434] {strides = array<i32>} : memref<128x64xf32, #tpu.memory_space<vmem>>, vector<1x16xf32>,
        %get3A_436 = vector.shape_cast %get3A_435 : vector<1x16xf32> to vector<16xf32>
        %mul3A_437 = vector.broadcast %squeeze3A_415 : f32 to vector<16xf32>
        %mul3A_438 = arith.mulf %get3A_436, %mul3A_437 : vector<16xf32>
        %add3A_439 = arith.constant 5 : i32
        %add3A_440 = arith.addi %mul3A_106, %add3A_439 : i32
        %swap3A_441 = arith.index_cast %add3A_440 : i32 to index
        %swap3A_442 = arith.constant 16 : index
        %swap3A_443 = tpu.vector_load %arg11[%swap3A_441, %swap3A_442] {strides = array<i32>} : memref<128x64xf32, #tpu.memory_space<vmem>>, vector<1x16xf32>,
        %swap3A_444 = vector.shape_cast %swap3A_443 : vector<1x16xf32> to vector<16xf32>
        %swap3A_445 = vector.shape_cast %mul3A_438 : vector<16xf32> to vector<1x16xf32>
        tpu.vector_store %arg11[%swap3A_441, %swap3A_442], %swap3A_445 {strides = array<i32>} : memref<128x64xf32, #tpu.memory_space<vmem>>, vector<1x16xf32>,
        %add3A_446 = arith.constant 5 : i32
        %add3A_447 = arith.addi %mul3A_106, %add3A_446 : i32
        %get3A_448 = arith.index_cast %add3A_447 : i32 to index
        %get3A_449 = arith.constant 32 : index
        %get3A_450 = tpu.vector_load %arg11[%get3A_448, %get3A_449] {strides = array<i32>} : memref<128x64xf32, #tpu.memory_space<vmem>>, vector<1x16xf32>,
        %get3A_451 = vector.shape_cast %get3A_450 : vector<1x16xf32> to vector<16xf32>
        %mul3A_452 = vector.broadcast %squeeze3A_415 : f32 to vector<16xf32>
        %mul3A_453 = arith.mulf %get3A_451, %mul3A_452 : vector<16xf32>
        %add3A_454 = arith.constant 5 : i32
        %add3A_455 = arith.addi %mul3A_106, %add3A_454 : i32
        %swap3A_456 = arith.index_cast %add3A_455 : i32 to index
        %swap3A_457 = arith.constant 32 : index
        %swap3A_458 = tpu.vector_load %arg11[%swap3A_456, %swap3A_457] {strides = array<i32>} : memref<128x64xf32, #tpu.memory_space<vmem>>, vector<1x16xf32>,
        %swap3A_459 = vector.shape_cast %swap3A_458 : vector<1x16xf32> to vector<16xf32>
        %swap3A_460 = vector.shape_cast %mul3A_453 : vector<16xf32> to vector<1x16xf32>
        tpu.vector_store %arg11[%swap3A_456, %swap3A_457], %swap3A_460 {strides = array<i32>} : memref<128x64xf32, #tpu.memory_space<vmem>>, vector<1x16xf32>,
        %add3A_461 = arith.constant 5 : i32
        %add3A_462 = arith.addi %mul3A_106, %add3A_461 : i32
        %get3A_463 = arith.index_cast %add3A_462 : i32 to index
        %get3A_464 = arith.constant 48 : index
        %get3A_465 = tpu.vector_load %arg11[%get3A_463, %get3A_464] {strides = array<i32>} : memref<128x64xf32, #tpu.memory_space<vmem>>, vector<1x16xf32>,
        %get3A_466 = vector.shape_cast %get3A_465 : vector<1x16xf32> to vector<16xf32>
        %mul3A_467 = vector.broadcast %squeeze3A_415 : f32 to vector<16xf32>
        %mul3A_468 = arith.mulf %get3A_466, %mul3A_467 : vector<16xf32>
        %add3A_469 = arith.constant 5 : i32
        %add3A_470 = arith.addi %mul3A_106, %add3A_469 : i32
        %swap3A_471 = arith.index_cast %add3A_470 : i32 to index
        %swap3A_472 = arith.constant 48 : index
        %swap3A_473 = tpu.vector_load %arg11[%swap3A_471, %swap3A_472] {strides = array<i32>} : memref<128x64xf32, #tpu.memory_space<vmem>>, vector<1x16xf32>,
        %swap3A_474 = vector.shape_cast %swap3A_473 : vector<1x16xf32> to vector<16xf32>
        %swap3A_475 = vector.shape_cast %mul3A_468 : vector<16xf32> to vector<1x16xf32>
        tpu.vector_store %arg11[%swap3A_471, %swap3A_472], %swap3A_475 {strides = array<i32>} : memref<128x64xf32, #tpu.memory_space<vmem>>, vector<1x16xf32>,
        %slice3A_476 = vector.extract_strided_slice %get3A_104 {offsets = [6], sizes = [1], strides = [1]} : vector<16xf32> to vector<1xf32>
        %squeeze3A_477 = vector.extract %slice3A_476[0] : f32 from vector<1xf32>
        %add3A_478 = arith.constant 6 : i32
        %add3A_479 = arith.addi %mul3A_106, %add3A_478 : i32
        %get3A_480 = arith.index_cast %add3A_479 : i32 to index
        %get3A_481 = arith.constant 0 : index
        %get3A_482 = tpu.vector_load %arg11[%get3A_480, %get3A_481] {strides = array<i32>} : memref<128x64xf32, #tpu.memory_space<vmem>>, vector<1x16xf32>,
        %get3A_483 = vector.shape_cast %get3A_482 : vector<1x16xf32> to vector<16xf32>
        %mul3A_484 = vector.broadcast %squeeze3A_477 : f32 to vector<16xf32>
        %mul3A_485 = arith.mulf %get3A_483, %mul3A_484 : vector<16xf32>
        %add3A_486 = arith.constant 6 : i32
        %add3A_487 = arith.addi %mul3A_106, %add3A_486 : i32
        %swap3A_488 = arith.index_cast %add3A_487 : i32 to index
        %swap3A_489 = arith.constant 0 : index
        %swap3A_490 = tpu.vector_load %arg11[%swap3A_488, %swap3A_489] {strides = array<i32>} : memref<128x64xf32, #tpu.memory_space<vmem>>, vector<1x16xf32>,
        %swap3A_491 = vector.shape_cast %swap3A_490 : vector<1x16xf32> to vector<16xf32>
        %swap3A_492 = vector.shape_cast %mul3A_485 : vector<16xf32> to vector<1x16xf32>
        tpu.vector_store %arg11[%swap3A_488, %swap3A_489], %swap3A_492 {strides = array<i32>} : memref<128x64xf32, #tpu.memory_space<vmem>>, vector<1x16xf32>,
        %add3A_493 = arith.constant 6 : i32
        %add3A_494 = arith.addi %mul3A_106, %add3A_493 : i32
        %get3A_495 = arith.index_cast %add3A_494 : i32 to index
        %get3A_496 = arith.constant 16 : index
        %get3A_497 = tpu.vector_load %arg11[%get3A_495, %get3A_496] {strides = array<i32>} : memref<128x64xf32, #tpu.memory_space<vmem>>, vector<1x16xf32>,
        %get3A_498 = vector.shape_cast %get3A_497 : vector<1x16xf32> to vector<16xf32>
        %mul3A_499 = vector.broadcast %squeeze3A_477 : f32 to vector<16xf32>
        %mul3A_500 = arith.mulf %get3A_498, %mul3A_499 : vector<16xf32>
        %add3A_501 = arith.constant 6 : i32
        %add3A_502 = arith.addi %mul3A_106, %add3A_501 : i32
        %swap3A_503 = arith.index_cast %add3A_502 : i32 to index
        %swap3A_504 = arith.constant 16 : index
        %swap3A_505 = tpu.vector_load %arg11[%swap3A_503, %swap3A_504] {strides = array<i32>} : memref<128x64xf32, #tpu.memory_space<vmem>>, vector<1x16xf32>,
        %swap3A_506 = vector.shape_cast %swap3A_505 : vector<1x16xf32> to vector<16xf32>
        %swap3A_507 = vector.shape_cast %mul3A_500 : vector<16xf32> to vector<1x16xf32>
        tpu.vector_store %arg11[%swap3A_503, %swap3A_504], %swap3A_507 {strides = array<i32>} : memref<128x64xf32, #tpu.memory_space<vmem>>, vector<1x16xf32>,
        %add3A_508 = arith.constant 6 : i32
        %add3A_509 = arith.addi %mul3A_106, %add3A_508 : i32
        %get3A_510 = arith.index_cast %add3A_509 : i32 to index
        %get3A_511 = arith.constant 32 : index
        %get3A_512 = tpu.vector_load %arg11[%get3A_510, %get3A_511] {strides = array<i32>} : memref<128x64xf32, #tpu.memory_space<vmem>>, vector<1x16xf32>,
        %get3A_513 = vector.shape_cast %get3A_512 : vector<1x16xf32> to vector<16xf32>
        %mul3A_514 = vector.broadcast %squeeze3A_477 : f32 to vector<16xf32>
        %mul3A_515 = arith.mulf %get3A_513, %mul3A_514 : vector<16xf32>
        %add3A_516 = arith.constant 6 : i32
        %add3A_517 = arith.addi %mul3A_106, %add3A_516 : i32
        %swap3A_518 = arith.index_cast %add3A_517 : i32 to index
        %swap3A_519 = arith.constant 32 : index
        %swap3A_520 = tpu.vector_load %arg11[%swap3A_518, %swap3A_519] {strides = array<i32>} : memref<128x64xf32, #tpu.memory_space<vmem>>, vector<1x16xf32>,
        %swap3A_521 = vector.shape_cast %swap3A_520 : vector<1x16xf32> to vector<16xf32>
        %swap3A_522 = vector.shape_cast %mul3A_515 : vector<16xf32> to vector<1x16xf32>
        tpu.vector_store %arg11[%swap3A_518, %swap3A_519], %swap3A_522 {strides = array<i32>} : memref<128x64xf32, #tpu.memory_space<vmem>>, vector<1x16xf32>,
        %add3A_523 = arith.constant 6 : i32
        %add3A_524 = arith.addi %mul3A_106, %add3A_523 : i32
        %get3A_525 = arith.index_cast %add3A_524 : i32 to index
        %get3A_526 = arith.constant 48 : index
        %get3A_527 = tpu.vector_load %arg11[%get3A_525, %get3A_526] {strides = array<i32>} : memref<128x64xf32, #tpu.memory_space<vmem>>, vector<1x16xf32>,
        %get3A_528 = vector.shape_cast %get3A_527 : vector<1x16xf32> to vector<16xf32>
        %mul3A_529 = vector.broadcast %squeeze3A_477 : f32 to vector<16xf32>
        %mul3A_530 = arith.mulf %get3A_528, %mul3A_529 : vector<16xf32>
        %add3A_531 = arith.constant 6 : i32
        %add3A_532 = arith.addi %mul3A_106, %add3A_531 : i32
        %swap3A_533 = arith.index_cast %add3A_532 : i32 to index
        %swap3A_534 = arith.constant 48 : index
        %swap3A_535 = tpu.vector_load %arg11[%swap3A_533, %swap3A_534] {strides = array<i32>} : memref<128x64xf32, #tpu.memory_space<vmem>>, vector<1x16xf32>,
        %swap3A_536 = vector.shape_cast %swap3A_535 : vector<1x16xf32> to vector<16xf32>
        %swap3A_537 = vector.shape_cast %mul3A_530 : vector<16xf32> to vector<1x16xf32>
        tpu.vector_store %arg11[%swap3A_533, %swap3A_534], %swap3A_537 {strides = array<i32>} : memref<128x64xf32, #tpu.memory_space<vmem>>, vector<1x16xf32>,
        %slice3A_538 = vector.extract_strided_slice %get3A_104 {offsets = [7], sizes = [1], strides = [1]} : vector<16xf32> to vector<1xf32>
        %squeeze3A_539 = vector.extract %slice3A_538[0] : f32 from vector<1xf32>
        %add3A_540 = arith.constant 7 : i32
        %add3A_541 = arith.addi %mul3A_106, %add3A_540 : i32
        %get3A_542 = arith.index_cast %add3A_541 : i32 to index
        %get3A_543 = arith.constant 0 : index
        %get3A_544 = tpu.vector_load %arg11[%get3A_542, %get3A_543] {strides = array<i32>} : memref<128x64xf32, #tpu.memory_space<vmem>>, vector<1x16xf32>,
        %get3A_545 = vector.shape_cast %get3A_544 : vector<1x16xf32> to vector<16xf32>
        %mul3A_546 = vector.broadcast %squeeze3A_539 : f32 to vector<16xf32>
        %mul3A_547 = arith.mulf %get3A_545, %mul3A_546 : vector<16xf32>
        %add3A_548 = arith.constant 7 : i32
        %add3A_549 = arith.addi %mul3A_106, %add3A_548 : i32
        %swap3A_550 = arith.index_cast %add3A_549 : i32 to index
        %swap3A_551 = arith.constant 0 : index
        %swap3A_552 = tpu.vector_load %arg11[%swap3A_550, %swap3A_551] {strides = array<i32>} : memref<128x64xf32, #tpu.memory_space<vmem>>, vector<1x16xf32>,
        %swap3A_553 = vector.shape_cast %swap3A_552 : vector<1x16xf32> to vector<16xf32>
        %swap3A_554 = vector.shape_cast %mul3A_547 : vector<16xf32> to vector<1x16xf32>
        tpu.vector_store %arg11[%swap3A_550, %swap3A_551], %swap3A_554 {strides = array<i32>} : memref<128x64xf32, #tpu.memory_space<vmem>>, vector<1x16xf32>,
        %add3A_555 = arith.constant 7 : i32
        %add3A_556 = arith.addi %mul3A_106, %add3A_555 : i32
        %get3A_557 = arith.index_cast %add3A_556 : i32 to index
        %get3A_558 = arith.constant 16 : index
        %get3A_559 = tpu.vector_load %arg11[%get3A_557, %get3A_558] {strides = array<i32>} : memref<128x64xf32, #tpu.memory_space<vmem>>, vector<1x16xf32>,
        %get3A_560 = vector.shape_cast %get3A_559 : vector<1x16xf32> to vector<16xf32>
        %mul3A_561 = vector.broadcast %squeeze3A_539 : f32 to vector<16xf32>
        %mul3A_562 = arith.mulf %get3A_560, %mul3A_561 : vector<16xf32>
        %add3A_563 = arith.constant 7 : i32
        %add3A_564 = arith.addi %mul3A_106, %add3A_563 : i32
        %swap3A_565 = arith.index_cast %add3A_564 : i32 to index
        %swap3A_566 = arith.constant 16 : index
        %swap3A_567 = tpu.vector_load %arg11[%swap3A_565, %swap3A_566] {strides = array<i32>} : memref<128x64xf32, #tpu.memory_space<vmem>>, vector<1x16xf32>,
        %swap3A_568 = vector.shape_cast %swap3A_567 : vector<1x16xf32> to vector<16xf32>
        %swap3A_569 = vector.shape_cast %mul3A_562 : vector<16xf32> to vector<1x16xf32>
        tpu.vector_store %arg11[%swap3A_565, %swap3A_566], %swap3A_569 {strides = array<i32>} : memref<128x64xf32, #tpu.memory_space<vmem>>, vector<1x16xf32>,
        %add3A_570 = arith.constant 7 : i32
        %add3A_571 = arith.addi %mul3A_106, %add3A_570 : i32
        %get3A_572 = arith.index_cast %add3A_571 : i32 to index
        %get3A_573 = arith.constant 32 : index
        %get3A_574 = tpu.vector_load %arg11[%get3A_572, %get3A_573] {strides = array<i32>} : memref<128x64xf32, #tpu.memory_space<vmem>>, vector<1x16xf32>,
        %get3A_575 = vector.shape_cast %get3A_574 : vector<1x16xf32> to vector<16xf32>
        %mul3A_576 = vector.broadcast %squeeze3A_539 : f32 to vector<16xf32>
        %mul3A_577 = arith.mulf %get3A_575, %mul3A_576 : vector<16xf32>
        %add3A_578 = arith.constant 7 : i32
        %add3A_579 = arith.addi %mul3A_106, %add3A_578 : i32
        %swap3A_580 = arith.index_cast %add3A_579 : i32 to index
        %swap3A_581 = arith.constant 32 : index
        %swap3A_582 = tpu.vector_load %arg11[%swap3A_580, %swap3A_581] {strides = array<i32>} : memref<128x64xf32, #tpu.memory_space<vmem>>, vector<1x16xf32>,
        %swap3A_583 = vector.shape_cast %swap3A_582 : vector<1x16xf32> to vector<16xf32>
        %swap3A_584 = vector.shape_cast %mul3A_577 : vector<16xf32> to vector<1x16xf32>
        tpu.vector_store %arg11[%swap3A_580, %swap3A_581], %swap3A_584 {strides = array<i32>} : memref<128x64xf32, #tpu.memory_space<vmem>>, vector<1x16xf32>,
        %add3A_585 = arith.constant 7 : i32
        %add3A_586 = arith.addi %mul3A_106, %add3A_585 : i32
        %get3A_587 = arith.index_cast %add3A_586 : i32 to index
        %get3A_588 = arith.constant 48 : index
        %get3A_589 = tpu.vector_load %arg11[%get3A_587, %get3A_588] {strides = array<i32>} : memref<128x64xf32, #tpu.memory_space<vmem>>, vector<1x16xf32>,
        %get3A_590 = vector.shape_cast %get3A_589 : vector<1x16xf32> to vector<16xf32>
        %mul3A_591 = vector.broadcast %squeeze3A_539 : f32 to vector<16xf32>
        %mul3A_592 = arith.mulf %get3A_590, %mul3A_591 : vector<16xf32>
        %add3A_593 = arith.constant 7 : i32
        %add3A_594 = arith.addi %mul3A_106, %add3A_593 : i32
        %swap3A_595 = arith.index_cast %add3A_594 : i32 to index
        %swap3A_596 = arith.constant 48 : index
        %swap3A_597 = tpu.vector_load %arg11[%swap3A_595, %swap3A_596] {strides = array<i32>} : memref<128x64xf32, #tpu.memory_space<vmem>>, vector<1x16xf32>,
        %swap3A_598 = vector.shape_cast %swap3A_597 : vector<1x16xf32> to vector<16xf32>
        %swap3A_599 = vector.shape_cast %mul3A_592 : vector<16xf32> to vector<1x16xf32>
        tpu.vector_store %arg11[%swap3A_595, %swap3A_596], %swap3A_599 {strides = array<i32>} : memref<128x64xf32, #tpu.memory_space<vmem>>, vector<1x16xf32>,
        %slice3A_600 = vector.extract_strided_slice %get3A_104 {offsets = [8], sizes = [1], strides = [1]} : vector<16xf32> to vector<1xf32>
        %squeeze3A_601 = vector.extract %slice3A_600[0] : f32 from vector<1xf32>
        %add3A_602 = arith.constant 8 : i32
        %add3A_603 = arith.addi %mul3A_106, %add3A_602 : i32
        %get3A_604 = arith.index_cast %add3A_603 : i32 to index
        %get3A_605 = arith.constant 0 : index
        %get3A_606 = tpu.vector_load %arg11[%get3A_604, %get3A_605] {strides = array<i32>} : memref<128x64xf32, #tpu.memory_space<vmem>>, vector<1x16xf32>,
        %get3A_607 = vector.shape_cast %get3A_606 : vector<1x16xf32> to vector<16xf32>
        %mul3A_608 = vector.broadcast %squeeze3A_601 : f32 to vector<16xf32>
        %mul3A_609 = arith.mulf %get3A_607, %mul3A_608 : vector<16xf32>
        %add3A_610 = arith.constant 8 : i32
        %add3A_611 = arith.addi %mul3A_106, %add3A_610 : i32
        %swap3A_612 = arith.index_cast %add3A_611 : i32 to index
        %swap3A_613 = arith.constant 0 : index
        %swap3A_614 = tpu.vector_load %arg11[%swap3A_612, %swap3A_613] {strides = array<i32>} : memref<128x64xf32, #tpu.memory_space<vmem>>, vector<1x16xf32>,
        %swap3A_615 = vector.shape_cast %swap3A_614 : vector<1x16xf32> to vector<16xf32>
        %swap3A_616 = vector.shape_cast %mul3A_609 : vector<16xf32> to vector<1x16xf32>
        tpu.vector_store %arg11[%swap3A_612, %swap3A_613], %swap3A_616 {strides = array<i32>} : memref<128x64xf32, #tpu.memory_space<vmem>>, vector<1x16xf32>,
        %add3A_617 = arith.constant 8 : i32
        %add3A_618 = arith.addi %mul3A_106, %add3A_617 : i32
        %get3A_619 = arith.index_cast %add3A_618 : i32 to index
        %get3A_620 = arith.constant 16 : index
        %get3A_621 = tpu.vector_load %arg11[%get3A_619, %get3A_620] {strides = array<i32>} : memref<128x64xf32, #tpu.memory_space<vmem>>, vector<1x16xf32>,
        %get3A_622 = vector.shape_cast %get3A_621 : vector<1x16xf32> to vector<16xf32>
        %mul3A_623 = vector.broadcast %squeeze3A_601 : f32 to vector<16xf32>
        %mul3A_624 = arith.mulf %get3A_622, %mul3A_623 : vector<16xf32>
        %add3A_625 = arith.constant 8 : i32
        %add3A_626 = arith.addi %mul3A_106, %add3A_625 : i32
        %swap3A_627 = arith.index_cast %add3A_626 : i32 to index
        %swap3A_628 = arith.constant 16 : index
        %swap3A_629 = tpu.vector_load %arg11[%swap3A_627, %swap3A_628] {strides = array<i32>} : memref<128x64xf32, #tpu.memory_space<vmem>>, vector<1x16xf32>,
        %swap3A_630 = vector.shape_cast %swap3A_629 : vector<1x16xf32> to vector<16xf32>
        %swap3A_631 = vector.shape_cast %mul3A_624 : vector<16xf32> to vector<1x16xf32>
        tpu.vector_store %arg11[%swap3A_627, %swap3A_628], %swap3A_631 {strides = array<i32>} : memref<128x64xf32, #tpu.memory_space<vmem>>, vector<1x16xf32>,
        %add3A_632 = arith.constant 8 : i32
        %add3A_633 = arith.addi %mul3A_106, %add3A_632 : i32
        %get3A_634 = arith.index_cast %add3A_633 : i32 to index
        %get3A_635 = arith.constant 32 : index
        %get3A_636 = tpu.vector_load %arg11[%get3A_634, %get3A_635] {strides = array<i32>} : memref<128x64xf32, #tpu.memory_space<vmem>>, vector<1x16xf32>,
        %get3A_637 = vector.shape_cast %get3A_636 : vector<1x16xf32> to vector<16xf32>
        %mul3A_638 = vector.broadcast %squeeze3A_601 : f32 to vector<16xf32>
        %mul3A_639 = arith.mulf %get3A_637, %mul3A_638 : vector<16xf32>
        %add3A_640 = arith.constant 8 : i32
        %add3A_641 = arith.addi %mul3A_106, %add3A_640 : i32
        %swap3A_642 = arith.index_cast %add3A_641 : i32 to index
        %swap3A_643 = arith.constant 32 : index
        %swap3A_644 = tpu.vector_load %arg11[%swap3A_642, %swap3A_643] {strides = array<i32>} : memref<128x64xf32, #tpu.memory_space<vmem>>, vector<1x16xf32>,
        %swap3A_645 = vector.shape_cast %swap3A_644 : vector<1x16xf32> to vector<16xf32>
        %swap3A_646 = vector.shape_cast %mul3A_639 : vector<16xf32> to vector<1x16xf32>
        tpu.vector_store %arg11[%swap3A_642, %swap3A_643], %swap3A_646 {strides = array<i32>} : memref<128x64xf32, #tpu.memory_space<vmem>>, vector<1x16xf32>,
        %add3A_647 = arith.constant 8 : i32
        %add3A_648 = arith.addi %mul3A_106, %add3A_647 : i32
        %get3A_649 = arith.index_cast %add3A_648 : i32 to index
        %get3A_650 = arith.constant 48 : index
        %get3A_651 = tpu.vector_load %arg11[%get3A_649, %get3A_650] {strides = array<i32>} : memref<128x64xf32, #tpu.memory_space<vmem>>, vector<1x16xf32>,
        %get3A_652 = vector.shape_cast %get3A_651 : vector<1x16xf32> to vector<16xf32>
        %mul3A_653 = vector.broadcast %squeeze3A_601 : f32 to vector<16xf32>
        %mul3A_654 = arith.mulf %get3A_652, %mul3A_653 : vector<16xf32>
        %add3A_655 = arith.constant 8 : i32
        %add3A_656 = arith.addi %mul3A_106, %add3A_655 : i32
        %swap3A_657 = arith.index_cast %add3A_656 : i32 to index
        %swap3A_658 = arith.constant 48 : index
        %swap3A_659 = tpu.vector_load %arg11[%swap3A_657, %swap3A_658] {strides = array<i32>} : memref<128x64xf32, #tpu.memory_space<vmem>>, vector<1x16xf32>,
        %swap3A_660 = vector.shape_cast %swap3A_659 : vector<1x16xf32> to vector<16xf32>
        %swap3A_661 = vector.shape_cast %mul3A_654 : vector<16xf32> to vector<1x16xf32>
        tpu.vector_store %arg11[%swap3A_657, %swap3A_658], %swap3A_661 {strides = array<i32>} : memref<128x64xf32, #tpu.memory_space<vmem>>, vector<1x16xf32>,
        %slice3A_662 = vector.extract_strided_slice %get3A_104 {offsets = [9], sizes = [1], strides = [1]} : vector<16xf32> to vector<1xf32>
        %squeeze3A_663 = vector.extract %slice3A_662[0] : f32 from vector<1xf32>
        %add3A_664 = arith.constant 9 : i32
        %add3A_665 = arith.addi %mul3A_106, %add3A_664 : i32
        %get3A_666 = arith.index_cast %add3A_665 : i32 to index
        %get3A_667 = arith.constant 0 : index
        %get3A_668 = tpu.vector_load %arg11[%get3A_666, %get3A_667] {strides = array<i32>} : memref<128x64xf32, #tpu.memory_space<vmem>>, vector<1x16xf32>,
        %get3A_669 = vector.shape_cast %get3A_668 : vector<1x16xf32> to vector<16xf32>
        %mul3A_670 = vector.broadcast %squeeze3A_663 : f32 to vector<16xf32>
        %mul3A_671 = arith.mulf %get3A_669, %mul3A_670 : vector<16xf32>
        %add3A_672 = arith.constant 9 : i32
        %add3A_673 = arith.addi %mul3A_106, %add3A_672 : i32
        %swap3A_674 = arith.index_cast %add3A_673 : i32 to index
        %swap3A_675 = arith.constant 0 : index
        %swap3A_676 = tpu.vector_load %arg11[%swap3A_674, %swap3A_675] {strides = array<i32>} : memref<128x64xf32, #tpu.memory_space<vmem>>, vector<1x16xf32>,
        %swap3A_677 = vector.shape_cast %swap3A_676 : vector<1x16xf32> to vector<16xf32>
        %swap3A_678 = vector.shape_cast %mul3A_671 : vector<16xf32> to vector<1x16xf32>
        tpu.vector_store %arg11[%swap3A_674, %swap3A_675], %swap3A_678 {strides = array<i32>} : memref<128x64xf32, #tpu.memory_space<vmem>>, vector<1x16xf32>,
        %add3A_679 = arith.constant 9 : i32
        %add3A_680 = arith.addi %mul3A_106, %add3A_679 : i32
        %get3A_681 = arith.index_cast %add3A_680 : i32 to index
        %get3A_682 = arith.constant 16 : index
        %get3A_683 = tpu.vector_load %arg11[%get3A_681, %get3A_682] {strides = array<i32>} : memref<128x64xf32, #tpu.memory_space<vmem>>, vector<1x16xf32>,
        %get3A_684 = vector.shape_cast %get3A_683 : vector<1x16xf32> to vector<16xf32>
        %mul3A_685 = vector.broadcast %squeeze3A_663 : f32 to vector<16xf32>
        %mul3A_686 = arith.mulf %get3A_684, %mul3A_685 : vector<16xf32>
        %add3A_687 = arith.constant 9 : i32
        %add3A_688 = arith.addi %mul3A_106, %add3A_687 : i32
        %swap3A_689 = arith.index_cast %add3A_688 : i32 to index
        %swap3A_690 = arith.constant 16 : index
        %swap3A_691 = tpu.vector_load %arg11[%swap3A_689, %swap3A_690] {strides = array<i32>} : memref<128x64xf32, #tpu.memory_space<vmem>>, vector<1x16xf32>,
        %swap3A_692 = vector.shape_cast %swap3A_691 : vector<1x16xf32> to vector<16xf32>
        %swap3A_693 = vector.shape_cast %mul3A_686 : vector<16xf32> to vector<1x16xf32>
        tpu.vector_store %arg11[%swap3A_689, %swap3A_690], %swap3A_693 {strides = array<i32>} : memref<128x64xf32, #tpu.memory_space<vmem>>, vector<1x16xf32>,
        %add3A_694 = arith.constant 9 : i32
        %add3A_695 = arith.addi %mul3A_106, %add3A_694 : i32
        %get3A_696 = arith.index_cast %add3A_695 : i32 to index
        %get3A_697 = arith.constant 32 : index
        %get3A_698 = tpu.vector_load %arg11[%get3A_696, %get3A_697] {strides = array<i32>} : memref<128x64xf32, #tpu.memory_space<vmem>>, vector<1x16xf32>,
        %get3A_699 = vector.shape_cast %get3A_698 : vector<1x16xf32> to vector<16xf32>
        %mul3A_700 = vector.broadcast %squeeze3A_663 : f32 to vector<16xf32>
        %mul3A_701 = arith.mulf %get3A_699, %mul3A_700 : vector<16xf32>
        %add3A_702 = arith.constant 9 : i32
        %add3A_703 = arith.addi %mul3A_106, %add3A_702 : i32
        %swap3A_704 = arith.index_cast %add3A_703 : i32 to index
        %swap3A_705 = arith.constant 32 : index
        %swap3A_706 = tpu.vector_load %arg11[%swap3A_704, %swap3A_705] {strides = array<i32>} : memref<128x64xf32, #tpu.memory_space<vmem>>, vector<1x16xf32>,
        %swap3A_707 = vector.shape_cast %swap3A_706 : vector<1x16xf32> to vector<16xf32>
        %swap3A_708 = vector.shape_cast %mul3A_701 : vector<16xf32> to vector<1x16xf32>
        tpu.vector_store %arg11[%swap3A_704, %swap3A_705], %swap3A_708 {strides = array<i32>} : memref<128x64xf32, #tpu.memory_space<vmem>>, vector<1x16xf32>,
        %add3A_709 = arith.constant 9 : i32
        %add3A_710 = arith.addi %mul3A_106, %add3A_709 : i32
        %get3A_711 = arith.index_cast %add3A_710 : i32 to index
        %get3A_712 = arith.constant 48 : index
        %get3A_713 = tpu.vector_load %arg11[%get3A_711, %get3A_712] {strides = array<i32>} : memref<128x64xf32, #tpu.memory_space<vmem>>, vector<1x16xf32>,
        %get3A_714 = vector.shape_cast %get3A_713 : vector<1x16xf32> to vector<16xf32>
        %mul3A_715 = vector.broadcast %squeeze3A_663 : f32 to vector<16xf32>
        %mul3A_716 = arith.mulf %get3A_714, %mul3A_715 : vector<16xf32>
        %add3A_717 = arith.constant 9 : i32
        %add3A_718 = arith.addi %mul3A_106, %add3A_717 : i32
        %swap3A_719 = arith.index_cast %add3A_718 : i32 to index
        %swap3A_720 = arith.constant 48 : index
        %swap3A_721 = tpu.vector_load %arg11[%swap3A_719, %swap3A_720] {strides = array<i32>} : memref<128x64xf32, #tpu.memory_space<vmem>>, vector<1x16xf32>,
        %swap3A_722 = vector.shape_cast %swap3A_721 : vector<1x16xf32> to vector<16xf32>
        %swap3A_723 = vector.shape_cast %mul3A_716 : vector<16xf32> to vector<1x16xf32>
        tpu.vector_store %arg11[%swap3A_719, %swap3A_720], %swap3A_723 {strides = array<i32>} : memref<128x64xf32, #tpu.memory_space<vmem>>, vector<1x16xf32>,
        %slice3A_724 = vector.extract_strided_slice %get3A_104 {offsets = [10], sizes = [1], strides = [1]} : vector<16xf32> to vector<1xf32>
        %squeeze3A_725 = vector.extract %slice3A_724[0] : f32 from vector<1xf32>
        %add3A_726 = arith.constant 10 : i32
        %add3A_727 = arith.addi %mul3A_106, %add3A_726 : i32
        %get3A_728 = arith.index_cast %add3A_727 : i32 to index
        %get3A_729 = arith.constant 0 : index
        %get3A_730 = tpu.vector_load %arg11[%get3A_728, %get3A_729] {strides = array<i32>} : memref<128x64xf32, #tpu.memory_space<vmem>>, vector<1x16xf32>,
        %get3A_731 = vector.shape_cast %get3A_730 : vector<1x16xf32> to vector<16xf32>
        %mul3A_732 = vector.broadcast %squeeze3A_725 : f32 to vector<16xf32>
        %mul3A_733 = arith.mulf %get3A_731, %mul3A_732 : vector<16xf32>
        %add3A_734 = arith.constant 10 : i32
        %add3A_735 = arith.addi %mul3A_106, %add3A_734 : i32
        %swap3A_736 = arith.index_cast %add3A_735 : i32 to index
        %swap3A_737 = arith.constant 0 : index
        %swap3A_738 = tpu.vector_load %arg11[%swap3A_736, %swap3A_737] {strides = array<i32>} : memref<128x64xf32, #tpu.memory_space<vmem>>, vector<1x16xf32>,
        %swap3A_739 = vector.shape_cast %swap3A_738 : vector<1x16xf32> to vector<16xf32>
        %swap3A_740 = vector.shape_cast %mul3A_733 : vector<16xf32> to vector<1x16xf32>
        tpu.vector_store %arg11[%swap3A_736, %swap3A_737], %swap3A_740 {strides = array<i32>} : memref<128x64xf32, #tpu.memory_space<vmem>>, vector<1x16xf32>,
        %add3A_741 = arith.constant 10 : i32
        %add3A_742 = arith.addi %mul3A_106, %add3A_741 : i32
        %get3A_743 = arith.index_cast %add3A_742 : i32 to index
        %get3A_744 = arith.constant 16 : index
        %get3A_745 = tpu.vector_load %arg11[%get3A_743, %get3A_744] {strides = array<i32>} : memref<128x64xf32, #tpu.memory_space<vmem>>, vector<1x16xf32>,
        %get3A_746 = vector.shape_cast %get3A_745 : vector<1x16xf32> to vector<16xf32>
        %mul3A_747 = vector.broadcast %squeeze3A_725 : f32 to vector<16xf32>
        %mul3A_748 = arith.mulf %get3A_746, %mul3A_747 : vector<16xf32>
        %add3A_749 = arith.constant 10 : i32
        %add3A_750 = arith.addi %mul3A_106, %add3A_749 : i32
        %swap3A_751 = arith.index_cast %add3A_750 : i32 to index
        %swap3A_752 = arith.constant 16 : index
        %swap3A_753 = tpu.vector_load %arg11[%swap3A_751, %swap3A_752] {strides = array<i32>} : memref<128x64xf32, #tpu.memory_space<vmem>>, vector<1x16xf32>,
        %swap3A_754 = vector.shape_cast %swap3A_753 : vector<1x16xf32> to vector<16xf32>
        %swap3A_755 = vector.shape_cast %mul3A_748 : vector<16xf32> to vector<1x16xf32>
        tpu.vector_store %arg11[%swap3A_751, %swap3A_752], %swap3A_755 {strides = array<i32>} : memref<128x64xf32, #tpu.memory_space<vmem>>, vector<1x16xf32>,
        %add3A_756 = arith.constant 10 : i32
        %add3A_757 = arith.addi %mul3A_106, %add3A_756 : i32
        %get3A_758 = arith.index_cast %add3A_757 : i32 to index
        %get3A_759 = arith.constant 32 : index
        %get3A_760 = tpu.vector_load %arg11[%get3A_758, %get3A_759] {strides = array<i32>} : memref<128x64xf32, #tpu.memory_space<vmem>>, vector<1x16xf32>,
        %get3A_761 = vector.shape_cast %get3A_760 : vector<1x16xf32> to vector<16xf32>
        %mul3A_762 = vector.broadcast %squeeze3A_725 : f32 to vector<16xf32>
        %mul3A_763 = arith.mulf %get3A_761, %mul3A_762 : vector<16xf32>
        %add3A_764 = arith.constant 10 : i32
        %add3A_765 = arith.addi %mul3A_106, %add3A_764 : i32
        %swap3A_766 = arith.index_cast %add3A_765 : i32 to index
        %swap3A_767 = arith.constant 32 : index
        %swap3A_768 = tpu.vector_load %arg11[%swap3A_766, %swap3A_767] {strides = array<i32>} : memref<128x64xf32, #tpu.memory_space<vmem>>, vector<1x16xf32>,
        %swap3A_769 = vector.shape_cast %swap3A_768 : vector<1x16xf32> to vector<16xf32>
        %swap3A_770 = vector.shape_cast %mul3A_763 : vector<16xf32> to vector<1x16xf32>
        tpu.vector_store %arg11[%swap3A_766, %swap3A_767], %swap3A_770 {strides = array<i32>} : memref<128x64xf32, #tpu.memory_space<vmem>>, vector<1x16xf32>,
        %add3A_771 = arith.constant 10 : i32
        %add3A_772 = arith.addi %mul3A_106, %add3A_771 : i32
        %get3A_773 = arith.index_cast %add3A_772 : i32 to index
        %get3A_774 = arith.constant 48 : index
        %get3A_775 = tpu.vector_load %arg11[%get3A_773, %get3A_774] {strides = array<i32>} : memref<128x64xf32, #tpu.memory_space<vmem>>, vector<1x16xf32>,
        %get3A_776 = vector.shape_cast %get3A_775 : vector<1x16xf32> to vector<16xf32>
        %mul3A_777 = vector.broadcast %squeeze3A_725 : f32 to vector<16xf32>
        %mul3A_778 = arith.mulf %get3A_776, %mul3A_777 : vector<16xf32>
        %add3A_779 = arith.constant 10 : i32
        %add3A_780 = arith.addi %mul3A_106, %add3A_779 : i32
        %swap3A_781 = arith.index_cast %add3A_780 : i32 to index
        %swap3A_782 = arith.constant 48 : index
        %swap3A_783 = tpu.vector_load %arg11[%swap3A_781, %swap3A_782] {strides = array<i32>} : memref<128x64xf32, #tpu.memory_space<vmem>>, vector<1x16xf32>,
        %swap3A_784 = vector.shape_cast %swap3A_783 : vector<1x16xf32> to vector<16xf32>
        %swap3A_785 = vector.shape_cast %mul3A_778 : vector<16xf32> to vector<1x16xf32>
        tpu.vector_store %arg11[%swap3A_781, %swap3A_782], %swap3A_785 {strides = array<i32>} : memref<128x64xf32, #tpu.memory_space<vmem>>, vector<1x16xf32>,
        %slice3A_786 = vector.extract_strided_slice %get3A_104 {offsets = [11], sizes = [1], strides = [1]} : vector<16xf32> to vector<1xf32>
        %squeeze3A_787 = vector.extract %slice3A_786[0] : f32 from vector<1xf32>
        %add3A_788 = arith.constant 11 : i32
        %add3A_789 = arith.addi %mul3A_106, %add3A_788 : i32
        %get3A_790 = arith.index_cast %add3A_789 : i32 to index
        %get3A_791 = arith.constant 0 : index
        %get3A_792 = tpu.vector_load %arg11[%get3A_790, %get3A_791] {strides = array<i32>} : memref<128x64xf32, #tpu.memory_space<vmem>>, vector<1x16xf32>,
        %get3A_793 = vector.shape_cast %get3A_792 : vector<1x16xf32> to vector<16xf32>
        %mul3A_794 = vector.broadcast %squeeze3A_787 : f32 to vector<16xf32>
        %mul3A_795 = arith.mulf %get3A_793, %mul3A_794 : vector<16xf32>
        %add3A_796 = arith.constant 11 : i32
        %add3A_797 = arith.addi %mul3A_106, %add3A_796 : i32
        %swap3A_798 = arith.index_cast %add3A_797 : i32 to index
        %swap3A_799 = arith.constant 0 : index
        %swap3A_800 = tpu.vector_load %arg11[%swap3A_798, %swap3A_799] {strides = array<i32>} : memref<128x64xf32, #tpu.memory_space<vmem>>, vector<1x16xf32>,
        %swap3A_801 = vector.shape_cast %swap3A_800 : vector<1x16xf32> to vector<16xf32>
        %swap3A_802 = vector.shape_cast %mul3A_795 : vector<16xf32> to vector<1x16xf32>
        tpu.vector_store %arg11[%swap3A_798, %swap3A_799], %swap3A_802 {strides = array<i32>} : memref<128x64xf32, #tpu.memory_space<vmem>>, vector<1x16xf32>,
        %add3A_803 = arith.constant 11 : i32
        %add3A_804 = arith.addi %mul3A_106, %add3A_803 : i32
        %get3A_805 = arith.index_cast %add3A_804 : i32 to index
        %get3A_806 = arith.constant 16 : index
        %get3A_807 = tpu.vector_load %arg11[%get3A_805, %get3A_806] {strides = array<i32>} : memref<128x64xf32, #tpu.memory_space<vmem>>, vector<1x16xf32>,
        %get3A_808 = vector.shape_cast %get3A_807 : vector<1x16xf32> to vector<16xf32>
        %mul3A_809 = vector.broadcast %squeeze3A_787 : f32 to vector<16xf32>
        %mul3A_810 = arith.mulf %get3A_808, %mul3A_809 : vector<16xf32>
        %add3A_811 = arith.constant 11 : i32
        %add3A_812 = arith.addi %mul3A_106, %add3A_811 : i32
        %swap3A_813 = arith.index_cast %add3A_812 : i32 to index
        %swap3A_814 = arith.constant 16 : index
        %swap3A_815 = tpu.vector_load %arg11[%swap3A_813, %swap3A_814] {strides = array<i32>} : memref<128x64xf32, #tpu.memory_space<vmem>>, vector<1x16xf32>,
        %swap3A_816 = vector.shape_cast %swap3A_815 : vector<1x16xf32> to vector<16xf32>
        %swap3A_817 = vector.shape_cast %mul3A_810 : vector<16xf32> to vector<1x16xf32>
        tpu.vector_store %arg11[%swap3A_813, %swap3A_814], %swap3A_817 {strides = array<i32>} : memref<128x64xf32, #tpu.memory_space<vmem>>, vector<1x16xf32>,
        %add3A_818 = arith.constant 11 : i32
        %add3A_819 = arith.addi %mul3A_106, %add3A_818 : i32
        %get3A_820 = arith.index_cast %add3A_819 : i32 to index
        %get3A_821 = arith.constant 32 : index
        %get3A_822 = tpu.vector_load %arg11[%get3A_820, %get3A_821] {strides = array<i32>} : memref<128x64xf32, #tpu.memory_space<vmem>>, vector<1x16xf32>,
        %get3A_823 = vector.shape_cast %get3A_822 : vector<1x16xf32> to vector<16xf32>
        %mul3A_824 = vector.broadcast %squeeze3A_787 : f32 to vector<16xf32>
        %mul3A_825 = arith.mulf %get3A_823, %mul3A_824 : vector<16xf32>
        %add3A_826 = arith.constant 11 : i32
        %add3A_827 = arith.addi %mul3A_106, %add3A_826 : i32
        %swap3A_828 = arith.index_cast %add3A_827 : i32 to index
        %swap3A_829 = arith.constant 32 : index
        %swap3A_830 = tpu.vector_load %arg11[%swap3A_828, %swap3A_829] {strides = array<i32>} : memref<128x64xf32, #tpu.memory_space<vmem>>, vector<1x16xf32>,
        %swap3A_831 = vector.shape_cast %swap3A_830 : vector<1x16xf32> to vector<16xf32>
        %swap3A_832 = vector.shape_cast %mul3A_825 : vector<16xf32> to vector<1x16xf32>
        tpu.vector_store %arg11[%swap3A_828, %swap3A_829], %swap3A_832 {strides = array<i32>} : memref<128x64xf32, #tpu.memory_space<vmem>>, vector<1x16xf32>,
        %add3A_833 = arith.constant 11 : i32
        %add3A_834 = arith.addi %mul3A_106, %add3A_833 : i32
        %get3A_835 = arith.index_cast %add3A_834 : i32 to index
        %get3A_836 = arith.constant 48 : index
        %get3A_837 = tpu.vector_load %arg11[%get3A_835, %get3A_836] {strides = array<i32>} : memref<128x64xf32, #tpu.memory_space<vmem>>, vector<1x16xf32>,
        %get3A_838 = vector.shape_cast %get3A_837 : vector<1x16xf32> to vector<16xf32>
        %mul3A_839 = vector.broadcast %squeeze3A_787 : f32 to vector<16xf32>
        %mul3A_840 = arith.mulf %get3A_838, %mul3A_839 : vector<16xf32>
        %add3A_841 = arith.constant 11 : i32
        %add3A_842 = arith.addi %mul3A_106, %add3A_841 : i32
        %swap3A_843 = arith.index_cast %add3A_842 : i32 to index
        %swap3A_844 = arith.constant 48 : index
        %swap3A_845 = tpu.vector_load %arg11[%swap3A_843, %swap3A_844] {strides = array<i32>} : memref<128x64xf32, #tpu.memory_space<vmem>>, vector<1x16xf32>,
        %swap3A_846 = vector.shape_cast %swap3A_845 : vector<1x16xf32> to vector<16xf32>
        %swap3A_847 = vector.shape_cast %mul3A_840 : vector<16xf32> to vector<1x16xf32>
        tpu.vector_store %arg11[%swap3A_843, %swap3A_844], %swap3A_847 {strides = array<i32>} : memref<128x64xf32, #tpu.memory_space<vmem>>, vector<1x16xf32>,
        %slice3A_848 = vector.extract_strided_slice %get3A_104 {offsets = [12], sizes = [1], strides = [1]} : vector<16xf32> to vector<1xf32>
        %squeeze3A_849 = vector.extract %slice3A_848[0] : f32 from vector<1xf32>
        %add3A_850 = arith.constant 12 : i32
        %add3A_851 = arith.addi %mul3A_106, %add3A_850 : i32
        %get3A_852 = arith.index_cast %add3A_851 : i32 to index
        %get3A_853 = arith.constant 0 : index
        %get3A_854 = tpu.vector_load %arg11[%get3A_852, %get3A_853] {strides = array<i32>} : memref<128x64xf32, #tpu.memory_space<vmem>>, vector<1x16xf32>,
        %get3A_855 = vector.shape_cast %get3A_854 : vector<1x16xf32> to vector<16xf32>
        %mul3A_856 = vector.broadcast %squeeze3A_849 : f32 to vector<16xf32>
        %mul3A_857 = arith.mulf %get3A_855, %mul3A_856 : vector<16xf32>
        %add3A_858 = arith.constant 12 : i32
        %add3A_859 = arith.addi %mul3A_106, %add3A_858 : i32
        %swap3A_860 = arith.index_cast %add3A_859 : i32 to index
        %swap3A_861 = arith.constant 0 : index
        %swap3A_862 = tpu.vector_load %arg11[%swap3A_860, %swap3A_861] {strides = array<i32>} : memref<128x64xf32, #tpu.memory_space<vmem>>, vector<1x16xf32>,
        %swap3A_863 = vector.shape_cast %swap3A_862 : vector<1x16xf32> to vector<16xf32>
        %swap3A_864 = vector.shape_cast %mul3A_857 : vector<16xf32> to vector<1x16xf32>
        tpu.vector_store %arg11[%swap3A_860, %swap3A_861], %swap3A_864 {strides = array<i32>} : memref<128x64xf32, #tpu.memory_space<vmem>>, vector<1x16xf32>,
        %add3A_865 = arith.constant 12 : i32
        %add3A_866 = arith.addi %mul3A_106, %add3A_865 : i32
        %get3A_867 = arith.index_cast %add3A_866 : i32 to index
        %get3A_868 = arith.constant 16 : index
        %get3A_869 = tpu.vector_load %arg11[%get3A_867, %get3A_868] {strides = array<i32>} : memref<128x64xf32, #tpu.memory_space<vmem>>, vector<1x16xf32>,
        %get3A_870 = vector.shape_cast %get3A_869 : vector<1x16xf32> to vector<16xf32>
        %mul3A_871 = vector.broadcast %squeeze3A_849 : f32 to vector<16xf32>
        %mul3A_872 = arith.mulf %get3A_870, %mul3A_871 : vector<16xf32>
        %add3A_873 = arith.constant 12 : i32
        %add3A_874 = arith.addi %mul3A_106, %add3A_873 : i32
        %swap3A_875 = arith.index_cast %add3A_874 : i32 to index
        %swap3A_876 = arith.constant 16 : index
        %swap3A_877 = tpu.vector_load %arg11[%swap3A_875, %swap3A_876] {strides = array<i32>} : memref<128x64xf32, #tpu.memory_space<vmem>>, vector<1x16xf32>,
        %swap3A_878 = vector.shape_cast %swap3A_877 : vector<1x16xf32> to vector<16xf32>
        %swap3A_879 = vector.shape_cast %mul3A_872 : vector<16xf32> to vector<1x16xf32>
        tpu.vector_store %arg11[%swap3A_875, %swap3A_876], %swap3A_879 {strides = array<i32>} : memref<128x64xf32, #tpu.memory_space<vmem>>, vector<1x16xf32>,
        %add3A_880 = arith.constant 12 : i32
        %add3A_881 = arith.addi %mul3A_106, %add3A_880 : i32
        %get3A_882 = arith.index_cast %add3A_881 : i32 to index
        %get3A_883 = arith.constant 32 : index
        %get3A_884 = tpu.vector_load %arg11[%get3A_882, %get3A_883] {strides = array<i32>} : memref<128x64xf32, #tpu.memory_space<vmem>>, vector<1x16xf32>,
        %get3A_885 = vector.shape_cast %get3A_884 : vector<1x16xf32> to vector<16xf32>
        %mul3A_886 = vector.broadcast %squeeze3A_849 : f32 to vector<16xf32>
        %mul3A_887 = arith.mulf %get3A_885, %mul3A_886 : vector<16xf32>
        %add3A_888 = arith.constant 12 : i32
        %add3A_889 = arith.addi %mul3A_106, %add3A_888 : i32
        %swap3A_890 = arith.index_cast %add3A_889 : i32 to index
        %swap3A_891 = arith.constant 32 : index
        %swap3A_892 = tpu.vector_load %arg11[%swap3A_890, %swap3A_891] {strides = array<i32>} : memref<128x64xf32, #tpu.memory_space<vmem>>, vector<1x16xf32>,
        %swap3A_893 = vector.shape_cast %swap3A_892 : vector<1x16xf32> to vector<16xf32>
        %swap3A_894 = vector.shape_cast %mul3A_887 : vector<16xf32> to vector<1x16xf32>
        tpu.vector_store %arg11[%swap3A_890, %swap3A_891], %swap3A_894 {strides = array<i32>} : memref<128x64xf32, #tpu.memory_space<vmem>>, vector<1x16xf32>,
        %add3A_895 = arith.constant 12 : i32
        %add3A_896 = arith.addi %mul3A_106, %add3A_895 : i32
        %get3A_897 = arith.index_cast %add3A_896 : i32 to index
        %get3A_898 = arith.constant 48 : index
        %get3A_899 = tpu.vector_load %arg11[%get3A_897, %get3A_898] {strides = array<i32>} : memref<128x64xf32, #tpu.memory_space<vmem>>, vector<1x16xf32>,
        %get3A_900 = vector.shape_cast %get3A_899 : vector<1x16xf32> to vector<16xf32>
        %mul3A_901 = vector.broadcast %squeeze3A_849 : f32 to vector<16xf32>
        %mul3A_902 = arith.mulf %get3A_900, %mul3A_901 : vector<16xf32>
        %add3A_903 = arith.constant 12 : i32
        %add3A_904 = arith.addi %mul3A_106, %add3A_903 : i32
        %swap3A_905 = arith.index_cast %add3A_904 : i32 to index
        %swap3A_906 = arith.constant 48 : index
        %swap3A_907 = tpu.vector_load %arg11[%swap3A_905, %swap3A_906] {strides = array<i32>} : memref<128x64xf32, #tpu.memory_space<vmem>>, vector<1x16xf32>,
        %swap3A_908 = vector.shape_cast %swap3A_907 : vector<1x16xf32> to vector<16xf32>
        %swap3A_909 = vector.shape_cast %mul3A_902 : vector<16xf32> to vector<1x16xf32>
        tpu.vector_store %arg11[%swap3A_905, %swap3A_906], %swap3A_909 {strides = array<i32>} : memref<128x64xf32, #tpu.memory_space<vmem>>, vector<1x16xf32>,
        %slice3A_910 = vector.extract_strided_slice %get3A_104 {offsets = [13], sizes = [1], strides = [1]} : vector<16xf32> to vector<1xf32>
        %squeeze3A_911 = vector.extract %slice3A_910[0] : f32 from vector<1xf32>
        %add3A_912 = arith.constant 13 : i32
        %add3A_913 = arith.addi %mul3A_106, %add3A_912 : i32
        %get3A_914 = arith.index_cast %add3A_913 : i32 to index
        %get3A_915 = arith.constant 0 : index
        %get3A_916 = tpu.vector_load %arg11[%get3A_914, %get3A_915] {strides = array<i32>} : memref<128x64xf32, #tpu.memory_space<vmem>>, vector<1x16xf32>,
        %get3A_917 = vector.shape_cast %get3A_916 : vector<1x16xf32> to vector<16xf32>
        %mul3A_918 = vector.broadcast %squeeze3A_911 : f32 to vector<16xf32>
        %mul3A_919 = arith.mulf %get3A_917, %mul3A_918 : vector<16xf32>
        %add3A_920 = arith.constant 13 : i32
        %add3A_921 = arith.addi %mul3A_106, %add3A_920 : i32
        %swap3A_922 = arith.index_cast %add3A_921 : i32 to index
        %swap3A_923 = arith.constant 0 : index
        %swap3A_924 = tpu.vector_load %arg11[%swap3A_922, %swap3A_923] {strides = array<i32>} : memref<128x64xf32, #tpu.memory_space<vmem>>, vector<1x16xf32>,
        %swap3A_925 = vector.shape_cast %swap3A_924 : vector<1x16xf32> to vector<16xf32>
        %swap3A_926 = vector.shape_cast %mul3A_919 : vector<16xf32> to vector<1x16xf32>
        tpu.vector_store %arg11[%swap3A_922, %swap3A_923], %swap3A_926 {strides = array<i32>} : memref<128x64xf32, #tpu.memory_space<vmem>>, vector<1x16xf32>,
        %add3A_927 = arith.constant 13 : i32
        %add3A_928 = arith.addi %mul3A_106, %add3A_927 : i32
        %get3A_929 = arith.index_cast %add3A_928 : i32 to index
        %get3A_930 = arith.constant 16 : index
        %get3A_931 = tpu.vector_load %arg11[%get3A_929, %get3A_930] {strides = array<i32>} : memref<128x64xf32, #tpu.memory_space<vmem>>, vector<1x16xf32>,
        %get3A_932 = vector.shape_cast %get3A_931 : vector<1x16xf32> to vector<16xf32>
        %mul3A_933 = vector.broadcast %squeeze3A_911 : f32 to vector<16xf32>
        %mul3A_934 = arith.mulf %get3A_932, %mul3A_933 : vector<16xf32>
        %add3A_935 = arith.constant 13 : i32
        %add3A_936 = arith.addi %mul3A_106, %add3A_935 : i32
        %swap3A_937 = arith.index_cast %add3A_936 : i32 to index
        %swap3A_938 = arith.constant 16 : index
        %swap3A_939 = tpu.vector_load %arg11[%swap3A_937, %swap3A_938] {strides = array<i32>} : memref<128x64xf32, #tpu.memory_space<vmem>>, vector<1x16xf32>,
        %swap3A_940 = vector.shape_cast %swap3A_939 : vector<1x16xf32> to vector<16xf32>
        %swap3A_941 = vector.shape_cast %mul3A_934 : vector<16xf32> to vector<1x16xf32>
        tpu.vector_store %arg11[%swap3A_937, %swap3A_938], %swap3A_941 {strides = array<i32>} : memref<128x64xf32, #tpu.memory_space<vmem>>, vector<1x16xf32>,
        %add3A_942 = arith.constant 13 : i32
        %add3A_943 = arith.addi %mul3A_106, %add3A_942 : i32
        %get3A_944 = arith.index_cast %add3A_943 : i32 to index
        %get3A_945 = arith.constant 32 : index
        %get3A_946 = tpu.vector_load %arg11[%get3A_944, %get3A_945] {strides = array<i32>} : memref<128x64xf32, #tpu.memory_space<vmem>>, vector<1x16xf32>,
        %get3A_947 = vector.shape_cast %get3A_946 : vector<1x16xf32> to vector<16xf32>
        %mul3A_948 = vector.broadcast %squeeze3A_911 : f32 to vector<16xf32>
        %mul3A_949 = arith.mulf %get3A_947, %mul3A_948 : vector<16xf32>
        %add3A_950 = arith.constant 13 : i32
        %add3A_951 = arith.addi %mul3A_106, %add3A_950 : i32
        %swap3A_952 = arith.index_cast %add3A_951 : i32 to index
        %swap3A_953 = arith.constant 32 : index
        %swap3A_954 = tpu.vector_load %arg11[%swap3A_952, %swap3A_953] {strides = array<i32>} : memref<128x64xf32, #tpu.memory_space<vmem>>, vector<1x16xf32>,
        %swap3A_955 = vector.shape_cast %swap3A_954 : vector<1x16xf32> to vector<16xf32>
        %swap3A_956 = vector.shape_cast %mul3A_949 : vector<16xf32> to vector<1x16xf32>
        tpu.vector_store %arg11[%swap3A_952, %swap3A_953], %swap3A_956 {strides = array<i32>} : memref<128x64xf32, #tpu.memory_space<vmem>>, vector<1x16xf32>,
        %add3A_957 = arith.constant 13 : i32
        %add3A_958 = arith.addi %mul3A_106, %add3A_957 : i32
        %get3A_959 = arith.index_cast %add3A_958 : i32 to index
        %get3A_960 = arith.constant 48 : index
        %get3A_961 = tpu.vector_load %arg11[%get3A_959, %get3A_960] {strides = array<i32>} : memref<128x64xf32, #tpu.memory_space<vmem>>, vector<1x16xf32>,
        %get3A_962 = vector.shape_cast %get3A_961 : vector<1x16xf32> to vector<16xf32>
        %mul3A_963 = vector.broadcast %squeeze3A_911 : f32 to vector<16xf32>
        %mul3A_964 = arith.mulf %get3A_962, %mul3A_963 : vector<16xf32>
        %add3A_965 = arith.constant 13 : i32
        %add3A_966 = arith.addi %mul3A_106, %add3A_965 : i32
        %swap3A_967 = arith.index_cast %add3A_966 : i32 to index
        %swap3A_968 = arith.constant 48 : index
        %swap3A_969 = tpu.vector_load %arg11[%swap3A_967, %swap3A_968] {strides = array<i32>} : memref<128x64xf32, #tpu.memory_space<vmem>>, vector<1x16xf32>,
        %swap3A_970 = vector.shape_cast %swap3A_969 : vector<1x16xf32> to vector<16xf32>
        %swap3A_971 = vector.shape_cast %mul3A_964 : vector<16xf32> to vector<1x16xf32>
        tpu.vector_store %arg11[%swap3A_967, %swap3A_968], %swap3A_971 {strides = array<i32>} : memref<128x64xf32, #tpu.memory_space<vmem>>, vector<1x16xf32>,
        %slice3A_972 = vector.extract_strided_slice %get3A_104 {offsets = [14], sizes = [1], strides = [1]} : vector<16xf32> to vector<1xf32>
        %squeeze3A_973 = vector.extract %slice3A_972[0] : f32 from vector<1xf32>
        %add3A_974 = arith.constant 14 : i32
        %add3A_975 = arith.addi %mul3A_106, %add3A_974 : i32
        %get3A_976 = arith.index_cast %add3A_975 : i32 to index
        %get3A_977 = arith.constant 0 : index
        %get3A_978 = tpu.vector_load %arg11[%get3A_976, %get3A_977] {strides = array<i32>} : memref<128x64xf32, #tpu.memory_space<vmem>>, vector<1x16xf32>,
        %get3A_979 = vector.shape_cast %get3A_978 : vector<1x16xf32> to vector<16xf32>
        %mul3A_980 = vector.broadcast %squeeze3A_973 : f32 to vector<16xf32>
        %mul3A_981 = arith.mulf %get3A_979, %mul3A_980 : vector<16xf32>
        %add3A_982 = arith.constant 14 : i32
        %add3A_983 = arith.addi %mul3A_106, %add3A_982 : i32
        %swap3A_984 = arith.index_cast %add3A_983 : i32 to index
        %swap3A_985 = arith.constant 0 : index
        %swap3A_986 = tpu.vector_load %arg11[%swap3A_984, %swap3A_985] {strides = array<i32>} : memref<128x64xf32, #tpu.memory_space<vmem>>, vector<1x16xf32>,
        %swap3A_987 = vector.shape_cast %swap3A_986 : vector<1x16xf32> to vector<16xf32>
        %swap3A_988 = vector.shape_cast %mul3A_981 : vector<16xf32> to vector<1x16xf32>
        tpu.vector_store %arg11[%swap3A_984, %swap3A_985], %swap3A_988 {strides = array<i32>} : memref<128x64xf32, #tpu.memory_space<vmem>>, vector<1x16xf32>,
        %add3A_989 = arith.constant 14 : i32
        %add3A_990 = arith.addi %mul3A_106, %add3A_989 : i32
        %get3A_991 = arith.index_cast %add3A_990 : i32 to index
        %get3A_992 = arith.constant 16 : index
        %get3A_993 = tpu.vector_load %arg11[%get3A_991, %get3A_992] {strides = array<i32>} : memref<128x64xf32, #tpu.memory_space<vmem>>, vector<1x16xf32>,
        %get3A_994 = vector.shape_cast %get3A_993 : vector<1x16xf32> to vector<16xf32>
        %mul3A_995 = vector.broadcast %squeeze3A_973 : f32 to vector<16xf32>
        %mul3A_996 = arith.mulf %get3A_994, %mul3A_995 : vector<16xf32>
        %add3A_997 = arith.constant 14 : i32
        %add3A_998 = arith.addi %mul3A_106, %add3A_997 : i32
        %swap3A_999 = arith.index_cast %add3A_998 : i32 to index
        %swap3A_1000 = arith.constant 16 : index
        %swap3A_1001 = tpu.vector_load %arg11[%swap3A_999, %swap3A_1000] {strides = array<i32>} : memref<128x64xf32, #tpu.memory_space<vmem>>, vector<1x16xf32>,
        %swap3A_1002 = vector.shape_cast %swap3A_1001 : vector<1x16xf32> to vector<16xf32>
        %swap3A_1003 = vector.shape_cast %mul3A_996 : vector<16xf32> to vector<1x16xf32>
        tpu.vector_store %arg11[%swap3A_999, %swap3A_1000], %swap3A_1003 {strides = array<i32>} : memref<128x64xf32, #tpu.memory_space<vmem>>, vector<1x16xf32>,
        %add3A_1004 = arith.constant 14 : i32
        %add3A_1005 = arith.addi %mul3A_106, %add3A_1004 : i32
        %get3A_1006 = arith.index_cast %add3A_1005 : i32 to index
        %get3A_1007 = arith.constant 32 : index
        %get3A_1008 = tpu.vector_load %arg11[%get3A_1006, %get3A_1007] {strides = array<i32>} : memref<128x64xf32, #tpu.memory_space<vmem>>, vector<1x16xf32>,
        %get3A_1009 = vector.shape_cast %get3A_1008 : vector<1x16xf32> to vector<16xf32>
        %mul3A_1010 = vector.broadcast %squeeze3A_973 : f32 to vector<16xf32>
        %mul3A_1011 = arith.mulf %get3A_1009, %mul3A_1010 : vector<16xf32>
        %add3A_1012 = arith.constant 14 : i32
        %add3A_1013 = arith.addi %mul3A_106, %add3A_1012 : i32
        %swap3A_1014 = arith.index_cast %add3A_1013 : i32 to index
        %swap3A_1015 = arith.constant 32 : index
        %swap3A_1016 = tpu.vector_load %arg11[%swap3A_1014, %swap3A_1015] {strides = array<i32>} : memref<128x64xf32, #tpu.memory_space<vmem>>, vector<1x16xf32>,
        %swap3A_1017 = vector.shape_cast %swap3A_1016 : vector<1x16xf32> to vector<16xf32>
        %swap3A_1018 = vector.shape_cast %mul3A_1011 : vector<16xf32> to vector<1x16xf32>
        tpu.vector_store %arg11[%swap3A_1014, %swap3A_1015], %swap3A_1018 {strides = array<i32>} : memref<128x64xf32, #tpu.memory_space<vmem>>, vector<1x16xf32>,
        %add3A_1019 = arith.constant 14 : i32
        %add3A_1020 = arith.addi %mul3A_106, %add3A_1019 : i32
        %get3A_1021 = arith.index_cast %add3A_1020 : i32 to index
        %get3A_1022 = arith.constant 48 : index
        %get3A_1023 = tpu.vector_load %arg11[%get3A_1021, %get3A_1022] {strides = array<i32>} : memref<128x64xf32, #tpu.memory_space<vmem>>, vector<1x16xf32>,
        %get3A_1024 = vector.shape_cast %get3A_1023 : vector<1x16xf32> to vector<16xf32>
        %mul3A_1025 = vector.broadcast %squeeze3A_973 : f32 to vector<16xf32>
        %mul3A_1026 = arith.mulf %get3A_1024, %mul3A_1025 : vector<16xf32>
        %add3A_1027 = arith.constant 14 : i32
        %add3A_1028 = arith.addi %mul3A_106, %add3A_1027 : i32
        %swap3A_1029 = arith.index_cast %add3A_1028 : i32 to index
        %swap3A_1030 = arith.constant 48 : index
        %swap3A_1031 = tpu.vector_load %arg11[%swap3A_1029, %swap3A_1030] {strides = array<i32>} : memref<128x64xf32, #tpu.memory_space<vmem>>, vector<1x16xf32>,
        %swap3A_1032 = vector.shape_cast %swap3A_1031 : vector<1x16xf32> to vector<16xf32>
        %swap3A_1033 = vector.shape_cast %mul3A_1026 : vector<16xf32> to vector<1x16xf32>
        tpu.vector_store %arg11[%swap3A_1029, %swap3A_1030], %swap3A_1033 {strides = array<i32>} : memref<128x64xf32, #tpu.memory_space<vmem>>, vector<1x16xf32>,
        %slice3A_1034 = vector.extract_strided_slice %get3A_104 {offsets = [15], sizes = [1], strides = [1]} : vector<16xf32> to vector<1xf32>
        %squeeze3A_1035 = vector.extract %slice3A_1034[0] : f32 from vector<1xf32>
        %add3A_1036 = arith.constant 15 : i32
        %add3A_1037 = arith.addi %mul3A_106, %add3A_1036 : i32
        %get3A_1038 = arith.index_cast %add3A_1037 : i32 to index
        %get3A_1039 = arith.constant 0 : index
        %get3A_1040 = tpu.vector_load %arg11[%get3A_1038, %get3A_1039] {strides = array<i32>} : memref<128x64xf32, #tpu.memory_space<vmem>>, vector<1x16xf32>,
        %get3A_1041 = vector.shape_cast %get3A_1040 : vector<1x16xf32> to vector<16xf32>
        %mul3A_1042 = vector.broadcast %squeeze3A_1035 : f32 to vector<16xf32>
        %mul3A_1043 = arith.mulf %get3A_1041, %mul3A_1042 : vector<16xf32>
        %add3A_1044 = arith.constant 15 : i32
        %add3A_1045 = arith.addi %mul3A_106, %add3A_1044 : i32
        %swap3A_1046 = arith.index_cast %add3A_1045 : i32 to index
        %swap3A_1047 = arith.constant 0 : index
        %swap3A_1048 = tpu.vector_load %arg11[%swap3A_1046, %swap3A_1047] {strides = array<i32>} : memref<128x64xf32, #tpu.memory_space<vmem>>, vector<1x16xf32>,
        %swap3A_1049 = vector.shape_cast %swap3A_1048 : vector<1x16xf32> to vector<16xf32>
        %swap3A_1050 = vector.shape_cast %mul3A_1043 : vector<16xf32> to vector<1x16xf32>
        tpu.vector_store %arg11[%swap3A_1046, %swap3A_1047], %swap3A_1050 {strides = array<i32>} : memref<128x64xf32, #tpu.memory_space<vmem>>, vector<1x16xf32>,
        %add3A_1051 = arith.constant 15 : i32
        %add3A_1052 = arith.addi %mul3A_106, %add3A_1051 : i32
        %get3A_1053 = arith.index_cast %add3A_1052 : i32 to index
        %get3A_1054 = arith.constant 16 : index
        %get3A_1055 = tpu.vector_load %arg11[%get3A_1053, %get3A_1054] {strides = array<i32>} : memref<128x64xf32, #tpu.memory_space<vmem>>, vector<1x16xf32>,
        %get3A_1056 = vector.shape_cast %get3A_1055 : vector<1x16xf32> to vector<16xf32>
        %mul3A_1057 = vector.broadcast %squeeze3A_1035 : f32 to vector<16xf32>
        %mul3A_1058 = arith.mulf %get3A_1056, %mul3A_1057 : vector<16xf32>
        %add3A_1059 = arith.constant 15 : i32
        %add3A_1060 = arith.addi %mul3A_106, %add3A_1059 : i32
        %swap3A_1061 = arith.index_cast %add3A_1060 : i32 to index
        %swap3A_1062 = arith.constant 16 : index
        %swap3A_1063 = tpu.vector_load %arg11[%swap3A_1061, %swap3A_1062] {strides = array<i32>} : memref<128x64xf32, #tpu.memory_space<vmem>>, vector<1x16xf32>,
        %swap3A_1064 = vector.shape_cast %swap3A_1063 : vector<1x16xf32> to vector<16xf32>
        %swap3A_1065 = vector.shape_cast %mul3A_1058 : vector<16xf32> to vector<1x16xf32>
        tpu.vector_store %arg11[%swap3A_1061, %swap3A_1062], %swap3A_1065 {strides = array<i32>} : memref<128x64xf32, #tpu.memory_space<vmem>>, vector<1x16xf32>,
        %add3A_1066 = arith.constant 15 : i32
        %add3A_1067 = arith.addi %mul3A_106, %add3A_1066 : i32
        %get3A_1068 = arith.index_cast %add3A_1067 : i32 to index
        %get3A_1069 = arith.constant 32 : index
        %get3A_1070 = tpu.vector_load %arg11[%get3A_1068, %get3A_1069] {strides = array<i32>} : memref<128x64xf32, #tpu.memory_space<vmem>>, vector<1x16xf32>,
        %get3A_1071 = vector.shape_cast %get3A_1070 : vector<1x16xf32> to vector<16xf32>
        %mul3A_1072 = vector.broadcast %squeeze3A_1035 : f32 to vector<16xf32>
        %mul3A_1073 = arith.mulf %get3A_1071, %mul3A_1072 : vector<16xf32>
        %add3A_1074 = arith.constant 15 : i32
        %add3A_1075 = arith.addi %mul3A_106, %add3A_1074 : i32
        %swap3A_1076 = arith.index_cast %add3A_1075 : i32 to index
        %swap3A_1077 = arith.constant 32 : index
        %swap3A_1078 = tpu.vector_load %arg11[%swap3A_1076, %swap3A_1077] {strides = array<i32>} : memref<128x64xf32, #tpu.memory_space<vmem>>, vector<1x16xf32>,
        %swap3A_1079 = vector.shape_cast %swap3A_1078 : vector<1x16xf32> to vector<16xf32>
        %swap3A_1080 = vector.shape_cast %mul3A_1073 : vector<16xf32> to vector<1x16xf32>
        tpu.vector_store %arg11[%swap3A_1076, %swap3A_1077], %swap3A_1080 {strides = array<i32>} : memref<128x64xf32, #tpu.memory_space<vmem>>, vector<1x16xf32>,
        %add3A_1081 = arith.constant 15 : i32
        %add3A_1082 = arith.addi %mul3A_106, %add3A_1081 : i32
        %get3A_1083 = arith.index_cast %add3A_1082 : i32 to index
        %get3A_1084 = arith.constant 48 : index
        %get3A_1085 = tpu.vector_load %arg11[%get3A_1083, %get3A_1084] {strides = array<i32>} : memref<128x64xf32, #tpu.memory_space<vmem>>, vector<1x16xf32>,
        %get3A_1086 = vector.shape_cast %get3A_1085 : vector<1x16xf32> to vector<16xf32>
        %mul3A_1087 = vector.broadcast %squeeze3A_1035 : f32 to vector<16xf32>
        %mul3A_1088 = arith.mulf %get3A_1086, %mul3A_1087 : vector<16xf32>
        %add3A_1089 = arith.constant 15 : i32
        %add3A_1090 = arith.addi %mul3A_106, %add3A_1089 : i32
        %swap3A_1091 = arith.index_cast %add3A_1090 : i32 to index
        %swap3A_1092 = arith.constant 48 : index
        %swap3A_1093 = tpu.vector_load %arg11[%swap3A_1091, %swap3A_1092] {strides = array<i32>} : memref<128x64xf32, #tpu.memory_space<vmem>>, vector<1x16xf32>,
        %swap3A_1094 = vector.shape_cast %swap3A_1093 : vector<1x16xf32> to vector<16xf32>
        %swap3A_1095 = vector.shape_cast %mul3A_1088 : vector<16xf32> to vector<1x16xf32>
        tpu.vector_store %arg11[%swap3A_1091, %swap3A_1092], %swap3A_1095 {strides = array<i32>} : memref<128x64xf32, #tpu.memory_space<vmem>>, vector<1x16xf32>,
        %scan3A_1096 = arith.constant 0 : i32
        scf.yield %scan3A_1096 : i32
      }
      %scan3A_96 = arith.constant 8 : i32
      "tpu.region"() ({
        %run_scoped3A_98 = tpu.sem_alloc : memref<!tpu.dma_semaphore, #tpu.memory_space<semaphore_mem>>
        %dma_start3A_99 = arith.constant 0 : i32
        %dma_start3A_100 = tpu.memref_slice %arg8[%scan3A_78, %dma_start3A_99] : memref<80x128xi32, #tpu.memory_space<vmem>> -> memref<1x128xi32, #tpu.memory_space<vmem>>
        %dma_start3A_101 = tpu.memref_squeeze %dma_start3A_100 : memref<1x128xi32, #tpu.memory_space<vmem>> -> memref<128xi32, #tpu.memory_space<vmem>>
        %dma_start3A_102 = arith.constant 0 : i32
        %dma_start3A_103 = arith.constant 0 : i32
        %dma_start3A_104 = tpu.memref_slice %arg13[%dma_start3A_102, %dma_start3A_103] : memref<10240x64xf32, #tpu.memory_space<vmem_shared>> -> memref<10240x64xf32, #tpu.memory_space<vmem_shared>>
        tpu.enqueue_indirect_dma source(%arg11 : memref<128x64xf32, #tpu.memory_space<vmem>>) target(%dma_start3A_104 : memref<10240x64xf32, #tpu.memory_space<vmem_shared>>) offsets(%dma_start3A_101 : memref<128xi32, #tpu.memory_space<vmem>>) semaphore(%run_scoped3A_98 : memref<!tpu.dma_semaphore, #tpu.memory_space<semaphore_mem>>) {add = true}
        %dma_wait3A_105 = arith.constant 0 : i32
        %dma_wait3A_106 = tpu.memref_slice %arg8[%scan3A_78, %dma_wait3A_105] : memref<80x128xi32, #tpu.memory_space<vmem>> -> memref<1x128xi32, #tpu.memory_space<vmem>>
        %dma_wait3A_107 = tpu.memref_squeeze %dma_wait3A_106 : memref<1x128xi32, #tpu.memory_space<vmem>> -> memref<128xi32, #tpu.memory_space<vmem>>
        %dma_wait3A_108 = arith.constant 0 : i32
        %dma_wait3A_109 = arith.constant 0 : i32
        %dma_wait3A_110 = tpu.memref_slice %arg13[%dma_wait3A_108, %dma_wait3A_109] : memref<10240x64xf32, #tpu.memory_space<vmem_shared>> -> memref<10240x64xf32, #tpu.memory_space<vmem_shared>>
        tpu.wait_indirect_dma semaphore(%run_scoped3A_98 : memref<!tpu.dma_semaphore, #tpu.memory_space<semaphore_mem>>) src(%arg11 : memref<128x64xf32, #tpu.memory_space<vmem>>) dst(%dma_wait3A_110 : memref<10240x64xf32, #tpu.memory_space<vmem_shared>>)
        tpu.yield
      }) : () -> ()
      %scan3A_97 = arith.constant 0 : i32
      scf.yield %scan3A_97 : i32
    }
    %scan3A_36 = arith.constant 80 : i32
    %barrier3A_37 = arith.constant 0 : index
    tpu.barrier barrier_id(%barrier3A_37)
    %mul3A_38 = arith.constant 640 : i32
    %mul3A_39 = arith.muli %arg1, %mul3A_38 : i32
    %mul3A_40 = arith.constant 640 : i32
    %mul3A_41 = arith.muli %arg1, %mul3A_40 : i32
    %run_scoped3A = arith.constant 0 : i32
    "tpu.region"() ({
      %run_scoped3A_78 = tpu.sem_alloc : memref<!tpu.dma_semaphore, #tpu.memory_space<semaphore_mem>>
      %dma_start3A = arith.constant 0 : i32
      %dma_start3A_79 = tpu.memref_slice %arg7[%arg0, %run_scoped3A, %mul3A_41, %dma_start3A] : memref<2x2x10240x64xf32, #tpu.memory_space<hbm>> -> memref<1x1x640x64xf32, #tpu.memory_space<hbm>>
      %dma_start3A_80 = tpu.memref_squeeze %dma_start3A_79 : memref<1x1x640x64xf32, #tpu.memory_space<hbm>> -> memref<640x64xf32, #tpu.memory_space<hbm>>
      %dma_start3A_81 = arith.constant 0 : i32
      %dma_start3A_82 = tpu.memref_slice %arg13[%mul3A_39, %dma_start3A_81] : memref<10240x64xf32, #tpu.memory_space<vmem_shared>> -> memref<640x64xf32, #tpu.memory_space<vmem_shared>>
      tpu.enqueue_dma source(%dma_start3A_82 : memref<640x64xf32, #tpu.memory_space<vmem_shared>>) target(%dma_start3A_80 : memref<640x64xf32, #tpu.memory_space<hbm>>) target_semaphore(%run_scoped3A_78 : memref<!tpu.dma_semaphore, #tpu.memory_space<semaphore_mem>>)
      %dma_wait3A = arith.constant 0 : i32
      %dma_wait3A_83 = tpu.memref_slice %arg7[%arg0, %run_scoped3A, %mul3A_41, %dma_wait3A] : memref<2x2x10240x64xf32, #tpu.memory_space<hbm>> -> memref<1x1x640x64xf32, #tpu.memory_space<hbm>>
      %dma_wait3A_84 = tpu.memref_squeeze %dma_wait3A_83 : memref<1x1x640x64xf32, #tpu.memory_space<hbm>> -> memref<640x64xf32, #tpu.memory_space<hbm>>
      %dma_wait3A_85 = arith.constant 0 : i32
      %dma_wait3A_86 = tpu.memref_slice %arg13[%mul3A_39, %dma_wait3A_85] : memref<10240x64xf32, #tpu.memory_space<vmem_shared>> -> memref<640x64xf32, #tpu.memory_space<vmem_shared>>
      tpu.wait_dma2 semaphore(%run_scoped3A_78 : memref<!tpu.dma_semaphore, #tpu.memory_space<semaphore_mem>>) src(%dma_wait3A_86 : memref<640x64xf32, #tpu.memory_space<vmem_shared>>) dst(%dma_wait3A_84 : memref<640x64xf32, #tpu.memory_space<hbm>>)
      tpu.yield
    }) : () -> ()
    %barrier3A_42 = arith.constant 0 : index
    tpu.barrier barrier_id(%barrier3A_42)
    %mul3A_43 = arith.constant 640 : i32
    %mul3A_44 = arith.muli %arg1, %mul3A_43 : i32
    %add3A_45 = arith.constant 0 : i32
    %add3A_46 = arith.addi %mul3A_44, %add3A_45 : i32
    "tpu.region"() ({
      %run_scoped3A_78 = tpu.sem_alloc : memref<!tpu.dma_semaphore, #tpu.memory_space<semaphore_mem>>
      %dma_start3A = arith.constant 0 : i32
      %dma_start3A_79 = tpu.memref_slice %arg13[%add3A_46, %dma_start3A] : memref<10240x64xf32, #tpu.memory_space<vmem_shared>> -> memref<128x64xf32, #tpu.memory_space<vmem_shared>>
      %dma_start3A_80 = arith.constant 0 : i32
      %dma_start3A_81 = tpu.memref_slice %arg13[%add3A_46, %dma_start3A_80] : memref<10240x64xf32, #tpu.memory_space<vmem_shared>> -> memref<128x64xf32, #tpu.memory_space<vmem_shared>>
      tpu.enqueue_dma source(%arg12 : memref<128x64xf32, #tpu.memory_space<vmem>>) target(%dma_start3A_81 : memref<128x64xf32, #tpu.memory_space<vmem_shared>>) target_semaphore(%run_scoped3A_78 : memref<!tpu.dma_semaphore, #tpu.memory_space<semaphore_mem>>)
      %dma_wait3A = arith.constant 0 : i32
      %dma_wait3A_82 = tpu.memref_slice %arg13[%add3A_46, %dma_wait3A] : memref<10240x64xf32, #tpu.memory_space<vmem_shared>> -> memref<128x64xf32, #tpu.memory_space<vmem_shared>>
      %dma_wait3A_83 = arith.constant 0 : i32
      %dma_wait3A_84 = tpu.memref_slice %arg13[%add3A_46, %dma_wait3A_83] : memref<10240x64xf32, #tpu.memory_space<vmem_shared>> -> memref<128x64xf32, #tpu.memory_space<vmem_shared>>
      tpu.wait_dma2 semaphore(%run_scoped3A_78 : memref<!tpu.dma_semaphore, #tpu.memory_space<semaphore_mem>>) src(%arg12 : memref<128x64xf32, #tpu.memory_space<vmem>>) dst(%dma_wait3A_84 : memref<128x64xf32, #tpu.memory_space<vmem_shared>>)
      tpu.yield
    }) : () -> ()
    %mul3A_47 = arith.constant 640 : i32
    %mul3A_48 = arith.muli %arg1, %mul3A_47 : i32
    %add3A_49 = arith.constant 128 : i32
    %add3A_50 = arith.addi %mul3A_48, %add3A_49 : i32
    "tpu.region"() ({
      %run_scoped3A_78 = tpu.sem_alloc : memref<!tpu.dma_semaphore, #tpu.memory_space<semaphore_mem>>
      %dma_start3A = arith.constant 0 : i32
      %dma_start3A_79 = tpu.memref_slice %arg13[%add3A_50, %dma_start3A] : memref<10240x64xf32, #tpu.memory_space<vmem_shared>> -> memref<128x64xf32, #tpu.memory_space<vmem_shared>>
      %dma_start3A_80 = arith.constant 0 : i32
      %dma_start3A_81 = tpu.memref_slice %arg13[%add3A_50, %dma_start3A_80] : memref<10240x64xf32, #tpu.memory_space<vmem_shared>> -> memref<128x64xf32, #tpu.memory_space<vmem_shared>>
      tpu.enqueue_dma source(%arg12 : memref<128x64xf32, #tpu.memory_space<vmem>>) target(%dma_start3A_81 : memref<128x64xf32, #tpu.memory_space<vmem_shared>>) target_semaphore(%run_scoped3A_78 : memref<!tpu.dma_semaphore, #tpu.memory_space<semaphore_mem>>)
      %dma_wait3A = arith.constant 0 : i32
      %dma_wait3A_82 = tpu.memref_slice %arg13[%add3A_50, %dma_wait3A] : memref<10240x64xf32, #tpu.memory_space<vmem_shared>> -> memref<128x64xf32, #tpu.memory_space<vmem_shared>>
      %dma_wait3A_83 = arith.constant 0 : i32
      %dma_wait3A_84 = tpu.memref_slice %arg13[%add3A_50, %dma_wait3A_83] : memref<10240x64xf32, #tpu.memory_space<vmem_shared>> -> memref<128x64xf32, #tpu.memory_space<vmem_shared>>
      tpu.wait_dma2 semaphore(%run_scoped3A_78 : memref<!tpu.dma_semaphore, #tpu.memory_space<semaphore_mem>>) src(%arg12 : memref<128x64xf32, #tpu.memory_space<vmem>>) dst(%dma_wait3A_84 : memref<128x64xf32, #tpu.memory_space<vmem_shared>>)
      tpu.yield
    }) : () -> ()
    %mul3A_51 = arith.constant 640 : i32
    %mul3A_52 = arith.muli %arg1, %mul3A_51 : i32
    %add3A_53 = arith.constant 256 : i32
    %add3A_54 = arith.addi %mul3A_52, %add3A_53 : i32
    "tpu.region"() ({
      %run_scoped3A_78 = tpu.sem_alloc : memref<!tpu.dma_semaphore, #tpu.memory_space<semaphore_mem>>
      %dma_start3A = arith.constant 0 : i32
      %dma_start3A_79 = tpu.memref_slice %arg13[%add3A_54, %dma_start3A] : memref<10240x64xf32, #tpu.memory_space<vmem_shared>> -> memref<128x64xf32, #tpu.memory_space<vmem_shared>>
      %dma_start3A_80 = arith.constant 0 : i32
      %dma_start3A_81 = tpu.memref_slice %arg13[%add3A_54, %dma_start3A_80] : memref<10240x64xf32, #tpu.memory_space<vmem_shared>> -> memref<128x64xf32, #tpu.memory_space<vmem_shared>>
      tpu.enqueue_dma source(%arg12 : memref<128x64xf32, #tpu.memory_space<vmem>>) target(%dma_start3A_81 : memref<128x64xf32, #tpu.memory_space<vmem_shared>>) target_semaphore(%run_scoped3A_78 : memref<!tpu.dma_semaphore, #tpu.memory_space<semaphore_mem>>)
      %dma_wait3A = arith.constant 0 : i32
      %dma_wait3A_82 = tpu.memref_slice %arg13[%add3A_54, %dma_wait3A] : memref<10240x64xf32, #tpu.memory_space<vmem_shared>> -> memref<128x64xf32, #tpu.memory_space<vmem_shared>>
      %dma_wait3A_83 = arith.constant 0 : i32
      %dma_wait3A_84 = tpu.memref_slice %arg13[%add3A_54, %dma_wait3A_83] : memref<10240x64xf32, #tpu.memory_space<vmem_shared>> -> memref<128x64xf32, #tpu.memory_space<vmem_shared>>
      tpu.wait_dma2 semaphore(%run_scoped3A_78 : memref<!tpu.dma_semaphore, #tpu.memory_space<semaphore_mem>>) src(%arg12 : memref<128x64xf32, #tpu.memory_space<vmem>>) dst(%dma_wait3A_84 : memref<128x64xf32, #tpu.memory_space<vmem_shared>>)
      tpu.yield
    }) : () -> ()
    %mul3A_55 = arith.constant 640 : i32
    %mul3A_56 = arith.muli %arg1, %mul3A_55 : i32
    %add3A_57 = arith.constant 384 : i32
    %add3A_58 = arith.addi %mul3A_56, %add3A_57 : i32
    "tpu.region"() ({
      %run_scoped3A_78 = tpu.sem_alloc : memref<!tpu.dma_semaphore, #tpu.memory_space<semaphore_mem>>
      %dma_start3A = arith.constant 0 : i32
      %dma_start3A_79 = tpu.memref_slice %arg13[%add3A_58, %dma_start3A] : memref<10240x64xf32, #tpu.memory_space<vmem_shared>> -> memref<128x64xf32, #tpu.memory_space<vmem_shared>>
      %dma_start3A_80 = arith.constant 0 : i32
      %dma_start3A_81 = tpu.memref_slice %arg13[%add3A_58, %dma_start3A_80] : memref<10240x64xf32, #tpu.memory_space<vmem_shared>> -> memref<128x64xf32, #tpu.memory_space<vmem_shared>>
      tpu.enqueue_dma source(%arg12 : memref<128x64xf32, #tpu.memory_space<vmem>>) target(%dma_start3A_81 : memref<128x64xf32, #tpu.memory_space<vmem_shared>>) target_semaphore(%run_scoped3A_78 : memref<!tpu.dma_semaphore, #tpu.memory_space<semaphore_mem>>)
      %dma_wait3A = arith.constant 0 : i32
      %dma_wait3A_82 = tpu.memref_slice %arg13[%add3A_58, %dma_wait3A] : memref<10240x64xf32, #tpu.memory_space<vmem_shared>> -> memref<128x64xf32, #tpu.memory_space<vmem_shared>>
      %dma_wait3A_83 = arith.constant 0 : i32
      %dma_wait3A_84 = tpu.memref_slice %arg13[%add3A_58, %dma_wait3A_83] : memref<10240x64xf32, #tpu.memory_space<vmem_shared>> -> memref<128x64xf32, #tpu.memory_space<vmem_shared>>
      tpu.wait_dma2 semaphore(%run_scoped3A_78 : memref<!tpu.dma_semaphore, #tpu.memory_space<semaphore_mem>>) src(%arg12 : memref<128x64xf32, #tpu.memory_space<vmem>>) dst(%dma_wait3A_84 : memref<128x64xf32, #tpu.memory_space<vmem_shared>>)
      tpu.yield
    }) : () -> ()
    %mul3A_59 = arith.constant 640 : i32
    %mul3A_60 = arith.muli %arg1, %mul3A_59 : i32
    %add3A_61 = arith.constant 512 : i32
    %add3A_62 = arith.addi %mul3A_60, %add3A_61 : i32
    "tpu.region"() ({
      %run_scoped3A_78 = tpu.sem_alloc : memref<!tpu.dma_semaphore, #tpu.memory_space<semaphore_mem>>
      %dma_start3A = arith.constant 0 : i32
      %dma_start3A_79 = tpu.memref_slice %arg13[%add3A_62, %dma_start3A] : memref<10240x64xf32, #tpu.memory_space<vmem_shared>> -> memref<128x64xf32, #tpu.memory_space<vmem_shared>>
      %dma_start3A_80 = arith.constant 0 : i32
      %dma_start3A_81 = tpu.memref_slice %arg13[%add3A_62, %dma_start3A_80] : memref<10240x64xf32, #tpu.memory_space<vmem_shared>> -> memref<128x64xf32, #tpu.memory_space<vmem_shared>>
      tpu.enqueue_dma source(%arg12 : memref<128x64xf32, #tpu.memory_space<vmem>>) target(%dma_start3A_81 : memref<128x64xf32, #tpu.memory_space<vmem_shared>>) target_semaphore(%run_scoped3A_78 : memref<!tpu.dma_semaphore, #tpu.memory_space<semaphore_mem>>)
      %dma_wait3A = arith.constant 0 : i32
      %dma_wait3A_82 = tpu.memref_slice %arg13[%add3A_62, %dma_wait3A] : memref<10240x64xf32, #tpu.memory_space<vmem_shared>> -> memref<128x64xf32, #tpu.memory_space<vmem_shared>>
      %dma_wait3A_83 = arith.constant 0 : i32
      %dma_wait3A_84 = tpu.memref_slice %arg13[%add3A_62, %dma_wait3A_83] : memref<10240x64xf32, #tpu.memory_space<vmem_shared>> -> memref<128x64xf32, #tpu.memory_space<vmem_shared>>
      tpu.wait_dma2 semaphore(%run_scoped3A_78 : memref<!tpu.dma_semaphore, #tpu.memory_space<semaphore_mem>>) src(%arg12 : memref<128x64xf32, #tpu.memory_space<vmem>>) dst(%dma_wait3A_84 : memref<128x64xf32, #tpu.memory_space<vmem_shared>>)
      tpu.yield
    }) : () -> ()
    %barrier3A_63 = arith.constant 0 : index
    tpu.barrier barrier_id(%barrier3A_63)
    %scan3A_64 = arith.constant 0 : i32
    %scan3A_65 = arith.constant 0 : i32
    %scan3A_66 = arith.constant 80 : i32
    %scan3A_67 = arith.addi %scan3A_65, %scan3A_66 : i32
    %scan3A_68 = arith.constant 1 : i32
    %scan3A_69 = scf.for %scan3A_78 = %scan3A_65 to %scan3A_67 step %scan3A_68 iter_args(%scan3A_79 = %scan3A_64) -> (i32)  : i32 {
      %dma_start3A = arith.constant 0 : i32
      %dma_start3A_80 = tpu.memref_slice %arg9[%scan3A_78, %dma_start3A] : memref<80x128xi32, #tpu.memory_space<vmem>> -> memref<1x128xi32, #tpu.memory_space<vmem>>
      %dma_start3A_81 = tpu.memref_squeeze %dma_start3A_80 : memref<1x128xi32, #tpu.memory_space<vmem>> -> memref<128xi32, #tpu.memory_space<vmem>>
      %dma_start3A_82 = arith.constant 0 : i32
      %dma_start3A_83 = arith.constant 0 : i32
      %dma_start3A_84 = tpu.memref_slice %arg6[%dma_start3A_82, %dma_start3A_83] : memref<10000x64xf32, #tpu.memory_space<hbm>> -> memref<10000x64xf32, #tpu.memory_space<hbm>>
      tpu.enqueue_indirect_dma source(%dma_start3A_84 : memref<10000x64xf32, #tpu.memory_space<hbm>>) target(%arg11 : memref<128x64xf32, #tpu.memory_space<vmem>>) offsets(%dma_start3A_81 : memref<128xi32, #tpu.memory_space<vmem>>) semaphore(%arg14 : memref<!tpu.dma_semaphore, #tpu.memory_space<semaphore_mem>>)
      %dma_wait3A = arith.constant 0 : i32
      %dma_wait3A_85 = tpu.memref_slice %arg9[%scan3A_78, %dma_wait3A] : memref<80x128xi32, #tpu.memory_space<vmem>> -> memref<1x128xi32, #tpu.memory_space<vmem>>
      %dma_wait3A_86 = tpu.memref_squeeze %dma_wait3A_85 : memref<1x128xi32, #tpu.memory_space<vmem>> -> memref<128xi32, #tpu.memory_space<vmem>>
      %dma_wait3A_87 = arith.constant 0 : i32
      %dma_wait3A_88 = arith.constant 0 : i32
      %dma_wait3A_89 = tpu.memref_slice %arg6[%dma_wait3A_87, %dma_wait3A_88] : memref<10000x64xf32, #tpu.memory_space<hbm>> -> memref<10000x64xf32, #tpu.memory_space<hbm>>
      tpu.wait_indirect_dma semaphore(%arg14 : memref<!tpu.dma_semaphore, #tpu.memory_space<semaphore_mem>>) src(%dma_wait3A_89 : memref<10000x64xf32, #tpu.memory_space<hbm>>) dst(%arg11 : memref<128x64xf32, #tpu.memory_space<vmem>>)
      %scan3A_90 = arith.constant 0 : i32
      %scan3A_91 = arith.constant 0 : i32
      %scan3A_92 = arith.constant 8 : i32
      %scan3A_93 = arith.addi %scan3A_91, %scan3A_92 : i32
      %scan3A_94 = arith.constant 1 : i32
      %scan3A_95 = scf.for %scan3A_98 = %scan3A_91 to %scan3A_93 step %scan3A_94 iter_args(%scan3A_99 = %scan3A_90) -> (i32)  : i32 {
        %mul3A_100 = arith.constant 16 : i32
        %mul3A_101 = arith.muli %scan3A_98, %mul3A_100 : i32
        %get3A = arith.index_cast %scan3A_78 : i32 to index
        %get3A_102 = arith.index_cast %mul3A_101 : i32 to index
        %get3A_103 = tpu.vector_load %arg10[%get3A, %get3A_102] {strides = array<i32>} : memref<80x128xf32, #tpu.memory_space<vmem>>, vector<1x16xf32>,
        %get3A_104 = vector.shape_cast %get3A_103 : vector<1x16xf32> to vector<16xf32>
        %mul3A_105 = arith.constant 16 : i32
        %mul3A_106 = arith.muli %scan3A_98, %mul3A_105 : i32
        %slice3A = vector.extract_strided_slice %get3A_104 {offsets = [0], sizes = [1], strides = [1]} : vector<16xf32> to vector<1xf32>
        %squeeze3A = vector.extract %slice3A[0] : f32 from vector<1xf32>
        %add3A_107 = arith.constant 0 : i32
        %add3A_108 = arith.addi %mul3A_106, %add3A_107 : i32
        %get3A_109 = arith.index_cast %add3A_108 : i32 to index
        %get3A_110 = arith.constant 0 : index
        %get3A_111 = tpu.vector_load %arg11[%get3A_109, %get3A_110] {strides = array<i32>} : memref<128x64xf32, #tpu.memory_space<vmem>>, vector<1x16xf32>,
        %get3A_112 = vector.shape_cast %get3A_111 : vector<1x16xf32> to vector<16xf32>
        %mul3A_113 = vector.broadcast %squeeze3A : f32 to vector<16xf32>
        %mul3A_114 = arith.mulf %get3A_112, %mul3A_113 : vector<16xf32>
        %add3A_115 = arith.constant 0 : i32
        %add3A_116 = arith.addi %mul3A_106, %add3A_115 : i32
        %swap3A = arith.index_cast %add3A_116 : i32 to index
        %swap3A_117 = arith.constant 0 : index
        %swap3A_118 = tpu.vector_load %arg11[%swap3A, %swap3A_117] {strides = array<i32>} : memref<128x64xf32, #tpu.memory_space<vmem>>, vector<1x16xf32>,
        %swap3A_119 = vector.shape_cast %swap3A_118 : vector<1x16xf32> to vector<16xf32>
        %swap3A_120 = vector.shape_cast %mul3A_114 : vector<16xf32> to vector<1x16xf32>
        tpu.vector_store %arg11[%swap3A, %swap3A_117], %swap3A_120 {strides = array<i32>} : memref<128x64xf32, #tpu.memory_space<vmem>>, vector<1x16xf32>,
        %add3A_121 = arith.constant 0 : i32
        %add3A_122 = arith.addi %mul3A_106, %add3A_121 : i32
        %get3A_123 = arith.index_cast %add3A_122 : i32 to index
        %get3A_124 = arith.constant 16 : index
        %get3A_125 = tpu.vector_load %arg11[%get3A_123, %get3A_124] {strides = array<i32>} : memref<128x64xf32, #tpu.memory_space<vmem>>, vector<1x16xf32>,
        %get3A_126 = vector.shape_cast %get3A_125 : vector<1x16xf32> to vector<16xf32>
        %mul3A_127 = vector.broadcast %squeeze3A : f32 to vector<16xf32>
        %mul3A_128 = arith.mulf %get3A_126, %mul3A_127 : vector<16xf32>
        %add3A_129 = arith.constant 0 : i32
        %add3A_130 = arith.addi %mul3A_106, %add3A_129 : i32
        %swap3A_131 = arith.index_cast %add3A_130 : i32 to index
        %swap3A_132 = arith.constant 16 : index
        %swap3A_133 = tpu.vector_load %arg11[%swap3A_131, %swap3A_132] {strides = array<i32>} : memref<128x64xf32, #tpu.memory_space<vmem>>, vector<1x16xf32>,
        %swap3A_134 = vector.shape_cast %swap3A_133 : vector<1x16xf32> to vector<16xf32>
        %swap3A_135 = vector.shape_cast %mul3A_128 : vector<16xf32> to vector<1x16xf32>
        tpu.vector_store %arg11[%swap3A_131, %swap3A_132], %swap3A_135 {strides = array<i32>} : memref<128x64xf32, #tpu.memory_space<vmem>>, vector<1x16xf32>,
        %add3A_136 = arith.constant 0 : i32
        %add3A_137 = arith.addi %mul3A_106, %add3A_136 : i32
        %get3A_138 = arith.index_cast %add3A_137 : i32 to index
        %get3A_139 = arith.constant 32 : index
        %get3A_140 = tpu.vector_load %arg11[%get3A_138, %get3A_139] {strides = array<i32>} : memref<128x64xf32, #tpu.memory_space<vmem>>, vector<1x16xf32>,
        %get3A_141 = vector.shape_cast %get3A_140 : vector<1x16xf32> to vector<16xf32>
        %mul3A_142 = vector.broadcast %squeeze3A : f32 to vector<16xf32>
        %mul3A_143 = arith.mulf %get3A_141, %mul3A_142 : vector<16xf32>
        %add3A_144 = arith.constant 0 : i32
        %add3A_145 = arith.addi %mul3A_106, %add3A_144 : i32
        %swap3A_146 = arith.index_cast %add3A_145 : i32 to index
        %swap3A_147 = arith.constant 32 : index
        %swap3A_148 = tpu.vector_load %arg11[%swap3A_146, %swap3A_147] {strides = array<i32>} : memref<128x64xf32, #tpu.memory_space<vmem>>, vector<1x16xf32>,
        %swap3A_149 = vector.shape_cast %swap3A_148 : vector<1x16xf32> to vector<16xf32>
        %swap3A_150 = vector.shape_cast %mul3A_143 : vector<16xf32> to vector<1x16xf32>
        tpu.vector_store %arg11[%swap3A_146, %swap3A_147], %swap3A_150 {strides = array<i32>} : memref<128x64xf32, #tpu.memory_space<vmem>>, vector<1x16xf32>,
        %add3A_151 = arith.constant 0 : i32
        %add3A_152 = arith.addi %mul3A_106, %add3A_151 : i32
        %get3A_153 = arith.index_cast %add3A_152 : i32 to index
        %get3A_154 = arith.constant 48 : index
        %get3A_155 = tpu.vector_load %arg11[%get3A_153, %get3A_154] {strides = array<i32>} : memref<128x64xf32, #tpu.memory_space<vmem>>, vector<1x16xf32>,
        %get3A_156 = vector.shape_cast %get3A_155 : vector<1x16xf32> to vector<16xf32>
        %mul3A_157 = vector.broadcast %squeeze3A : f32 to vector<16xf32>
        %mul3A_158 = arith.mulf %get3A_156, %mul3A_157 : vector<16xf32>
        %add3A_159 = arith.constant 0 : i32
        %add3A_160 = arith.addi %mul3A_106, %add3A_159 : i32
        %swap3A_161 = arith.index_cast %add3A_160 : i32 to index
        %swap3A_162 = arith.constant 48 : index
        %swap3A_163 = tpu.vector_load %arg11[%swap3A_161, %swap3A_162] {strides = array<i32>} : memref<128x64xf32, #tpu.memory_space<vmem>>, vector<1x16xf32>,
        %swap3A_164 = vector.shape_cast %swap3A_163 : vector<1x16xf32> to vector<16xf32>
        %swap3A_165 = vector.shape_cast %mul3A_158 : vector<16xf32> to vector<1x16xf32>
        tpu.vector_store %arg11[%swap3A_161, %swap3A_162], %swap3A_165 {strides = array<i32>} : memref<128x64xf32, #tpu.memory_space<vmem>>, vector<1x16xf32>,
        %slice3A_166 = vector.extract_strided_slice %get3A_104 {offsets = [1], sizes = [1], strides = [1]} : vector<16xf32> to vector<1xf32>
        %squeeze3A_167 = vector.extract %slice3A_166[0] : f32 from vector<1xf32>
        %add3A_168 = arith.constant 1 : i32
        %add3A_169 = arith.addi %mul3A_106, %add3A_168 : i32
        %get3A_170 = arith.index_cast %add3A_169 : i32 to index
        %get3A_171 = arith.constant 0 : index
        %get3A_172 = tpu.vector_load %arg11[%get3A_170, %get3A_171] {strides = array<i32>} : memref<128x64xf32, #tpu.memory_space<vmem>>, vector<1x16xf32>,
        %get3A_173 = vector.shape_cast %get3A_172 : vector<1x16xf32> to vector<16xf32>
        %mul3A_174 = vector.broadcast %squeeze3A_167 : f32 to vector<16xf32>
        %mul3A_175 = arith.mulf %get3A_173, %mul3A_174 : vector<16xf32>
        %add3A_176 = arith.constant 1 : i32
        %add3A_177 = arith.addi %mul3A_106, %add3A_176 : i32
        %swap3A_178 = arith.index_cast %add3A_177 : i32 to index
        %swap3A_179 = arith.constant 0 : index
        %swap3A_180 = tpu.vector_load %arg11[%swap3A_178, %swap3A_179] {strides = array<i32>} : memref<128x64xf32, #tpu.memory_space<vmem>>, vector<1x16xf32>,
        %swap3A_181 = vector.shape_cast %swap3A_180 : vector<1x16xf32> to vector<16xf32>
        %swap3A_182 = vector.shape_cast %mul3A_175 : vector<16xf32> to vector<1x16xf32>
        tpu.vector_store %arg11[%swap3A_178, %swap3A_179], %swap3A_182 {strides = array<i32>} : memref<128x64xf32, #tpu.memory_space<vmem>>, vector<1x16xf32>,
        %add3A_183 = arith.constant 1 : i32
        %add3A_184 = arith.addi %mul3A_106, %add3A_183 : i32
        %get3A_185 = arith.index_cast %add3A_184 : i32 to index
        %get3A_186 = arith.constant 16 : index
        %get3A_187 = tpu.vector_load %arg11[%get3A_185, %get3A_186] {strides = array<i32>} : memref<128x64xf32, #tpu.memory_space<vmem>>, vector<1x16xf32>,
        %get3A_188 = vector.shape_cast %get3A_187 : vector<1x16xf32> to vector<16xf32>
        %mul3A_189 = vector.broadcast %squeeze3A_167 : f32 to vector<16xf32>
        %mul3A_190 = arith.mulf %get3A_188, %mul3A_189 : vector<16xf32>
        %add3A_191 = arith.constant 1 : i32
        %add3A_192 = arith.addi %mul3A_106, %add3A_191 : i32
        %swap3A_193 = arith.index_cast %add3A_192 : i32 to index
        %swap3A_194 = arith.constant 16 : index
        %swap3A_195 = tpu.vector_load %arg11[%swap3A_193, %swap3A_194] {strides = array<i32>} : memref<128x64xf32, #tpu.memory_space<vmem>>, vector<1x16xf32>,
        %swap3A_196 = vector.shape_cast %swap3A_195 : vector<1x16xf32> to vector<16xf32>
        %swap3A_197 = vector.shape_cast %mul3A_190 : vector<16xf32> to vector<1x16xf32>
        tpu.vector_store %arg11[%swap3A_193, %swap3A_194], %swap3A_197 {strides = array<i32>} : memref<128x64xf32, #tpu.memory_space<vmem>>, vector<1x16xf32>,
        %add3A_198 = arith.constant 1 : i32
        %add3A_199 = arith.addi %mul3A_106, %add3A_198 : i32
        %get3A_200 = arith.index_cast %add3A_199 : i32 to index
        %get3A_201 = arith.constant 32 : index
        %get3A_202 = tpu.vector_load %arg11[%get3A_200, %get3A_201] {strides = array<i32>} : memref<128x64xf32, #tpu.memory_space<vmem>>, vector<1x16xf32>,
        %get3A_203 = vector.shape_cast %get3A_202 : vector<1x16xf32> to vector<16xf32>
        %mul3A_204 = vector.broadcast %squeeze3A_167 : f32 to vector<16xf32>
        %mul3A_205 = arith.mulf %get3A_203, %mul3A_204 : vector<16xf32>
        %add3A_206 = arith.constant 1 : i32
        %add3A_207 = arith.addi %mul3A_106, %add3A_206 : i32
        %swap3A_208 = arith.index_cast %add3A_207 : i32 to index
        %swap3A_209 = arith.constant 32 : index
        %swap3A_210 = tpu.vector_load %arg11[%swap3A_208, %swap3A_209] {strides = array<i32>} : memref<128x64xf32, #tpu.memory_space<vmem>>, vector<1x16xf32>,
        %swap3A_211 = vector.shape_cast %swap3A_210 : vector<1x16xf32> to vector<16xf32>
        %swap3A_212 = vector.shape_cast %mul3A_205 : vector<16xf32> to vector<1x16xf32>
        tpu.vector_store %arg11[%swap3A_208, %swap3A_209], %swap3A_212 {strides = array<i32>} : memref<128x64xf32, #tpu.memory_space<vmem>>, vector<1x16xf32>,
        %add3A_213 = arith.constant 1 : i32
        %add3A_214 = arith.addi %mul3A_106, %add3A_213 : i32
        %get3A_215 = arith.index_cast %add3A_214 : i32 to index
        %get3A_216 = arith.constant 48 : index
        %get3A_217 = tpu.vector_load %arg11[%get3A_215, %get3A_216] {strides = array<i32>} : memref<128x64xf32, #tpu.memory_space<vmem>>, vector<1x16xf32>,
        %get3A_218 = vector.shape_cast %get3A_217 : vector<1x16xf32> to vector<16xf32>
        %mul3A_219 = vector.broadcast %squeeze3A_167 : f32 to vector<16xf32>
        %mul3A_220 = arith.mulf %get3A_218, %mul3A_219 : vector<16xf32>
        %add3A_221 = arith.constant 1 : i32
        %add3A_222 = arith.addi %mul3A_106, %add3A_221 : i32
        %swap3A_223 = arith.index_cast %add3A_222 : i32 to index
        %swap3A_224 = arith.constant 48 : index
        %swap3A_225 = tpu.vector_load %arg11[%swap3A_223, %swap3A_224] {strides = array<i32>} : memref<128x64xf32, #tpu.memory_space<vmem>>, vector<1x16xf32>,
        %swap3A_226 = vector.shape_cast %swap3A_225 : vector<1x16xf32> to vector<16xf32>
        %swap3A_227 = vector.shape_cast %mul3A_220 : vector<16xf32> to vector<1x16xf32>
        tpu.vector_store %arg11[%swap3A_223, %swap3A_224], %swap3A_227 {strides = array<i32>} : memref<128x64xf32, #tpu.memory_space<vmem>>, vector<1x16xf32>,
        %slice3A_228 = vector.extract_strided_slice %get3A_104 {offsets = [2], sizes = [1], strides = [1]} : vector<16xf32> to vector<1xf32>
        %squeeze3A_229 = vector.extract %slice3A_228[0] : f32 from vector<1xf32>
        %add3A_230 = arith.constant 2 : i32
        %add3A_231 = arith.addi %mul3A_106, %add3A_230 : i32
        %get3A_232 = arith.index_cast %add3A_231 : i32 to index
        %get3A_233 = arith.constant 0 : index
        %get3A_234 = tpu.vector_load %arg11[%get3A_232, %get3A_233] {strides = array<i32>} : memref<128x64xf32, #tpu.memory_space<vmem>>, vector<1x16xf32>,
        %get3A_235 = vector.shape_cast %get3A_234 : vector<1x16xf32> to vector<16xf32>
        %mul3A_236 = vector.broadcast %squeeze3A_229 : f32 to vector<16xf32>
        %mul3A_237 = arith.mulf %get3A_235, %mul3A_236 : vector<16xf32>
        %add3A_238 = arith.constant 2 : i32
        %add3A_239 = arith.addi %mul3A_106, %add3A_238 : i32
        %swap3A_240 = arith.index_cast %add3A_239 : i32 to index
        %swap3A_241 = arith.constant 0 : index
        %swap3A_242 = tpu.vector_load %arg11[%swap3A_240, %swap3A_241] {strides = array<i32>} : memref<128x64xf32, #tpu.memory_space<vmem>>, vector<1x16xf32>,
        %swap3A_243 = vector.shape_cast %swap3A_242 : vector<1x16xf32> to vector<16xf32>
        %swap3A_244 = vector.shape_cast %mul3A_237 : vector<16xf32> to vector<1x16xf32>
        tpu.vector_store %arg11[%swap3A_240, %swap3A_241], %swap3A_244 {strides = array<i32>} : memref<128x64xf32, #tpu.memory_space<vmem>>, vector<1x16xf32>,
        %add3A_245 = arith.constant 2 : i32
        %add3A_246 = arith.addi %mul3A_106, %add3A_245 : i32
        %get3A_247 = arith.index_cast %add3A_246 : i32 to index
        %get3A_248 = arith.constant 16 : index
        %get3A_249 = tpu.vector_load %arg11[%get3A_247, %get3A_248] {strides = array<i32>} : memref<128x64xf32, #tpu.memory_space<vmem>>, vector<1x16xf32>,
        %get3A_250 = vector.shape_cast %get3A_249 : vector<1x16xf32> to vector<16xf32>
        %mul3A_251 = vector.broadcast %squeeze3A_229 : f32 to vector<16xf32>
        %mul3A_252 = arith.mulf %get3A_250, %mul3A_251 : vector<16xf32>
        %add3A_253 = arith.constant 2 : i32
        %add3A_254 = arith.addi %mul3A_106, %add3A_253 : i32
        %swap3A_255 = arith.index_cast %add3A_254 : i32 to index
        %swap3A_256 = arith.constant 16 : index
        %swap3A_257 = tpu.vector_load %arg11[%swap3A_255, %swap3A_256] {strides = array<i32>} : memref<128x64xf32, #tpu.memory_space<vmem>>, vector<1x16xf32>,
        %swap3A_258 = vector.shape_cast %swap3A_257 : vector<1x16xf32> to vector<16xf32>
        %swap3A_259 = vector.shape_cast %mul3A_252 : vector<16xf32> to vector<1x16xf32>
        tpu.vector_store %arg11[%swap3A_255, %swap3A_256], %swap3A_259 {strides = array<i32>} : memref<128x64xf32, #tpu.memory_space<vmem>>, vector<1x16xf32>,
        %add3A_260 = arith.constant 2 : i32
        %add3A_261 = arith.addi %mul3A_106, %add3A_260 : i32
        %get3A_262 = arith.index_cast %add3A_261 : i32 to index
        %get3A_263 = arith.constant 32 : index
        %get3A_264 = tpu.vector_load %arg11[%get3A_262, %get3A_263] {strides = array<i32>} : memref<128x64xf32, #tpu.memory_space<vmem>>, vector<1x16xf32>,
        %get3A_265 = vector.shape_cast %get3A_264 : vector<1x16xf32> to vector<16xf32>
        %mul3A_266 = vector.broadcast %squeeze3A_229 : f32 to vector<16xf32>
        %mul3A_267 = arith.mulf %get3A_265, %mul3A_266 : vector<16xf32>
        %add3A_268 = arith.constant 2 : i32
        %add3A_269 = arith.addi %mul3A_106, %add3A_268 : i32
        %swap3A_270 = arith.index_cast %add3A_269 : i32 to index
        %swap3A_271 = arith.constant 32 : index
        %swap3A_272 = tpu.vector_load %arg11[%swap3A_270, %swap3A_271] {strides = array<i32>} : memref<128x64xf32, #tpu.memory_space<vmem>>, vector<1x16xf32>,
        %swap3A_273 = vector.shape_cast %swap3A_272 : vector<1x16xf32> to vector<16xf32>
        %swap3A_274 = vector.shape_cast %mul3A_267 : vector<16xf32> to vector<1x16xf32>
        tpu.vector_store %arg11[%swap3A_270, %swap3A_271], %swap3A_274 {strides = array<i32>} : memref<128x64xf32, #tpu.memory_space<vmem>>, vector<1x16xf32>,
        %add3A_275 = arith.constant 2 : i32
        %add3A_276 = arith.addi %mul3A_106, %add3A_275 : i32
        %get3A_277 = arith.index_cast %add3A_276 : i32 to index
        %get3A_278 = arith.constant 48 : index
        %get3A_279 = tpu.vector_load %arg11[%get3A_277, %get3A_278] {strides = array<i32>} : memref<128x64xf32, #tpu.memory_space<vmem>>, vector<1x16xf32>,
        %get3A_280 = vector.shape_cast %get3A_279 : vector<1x16xf32> to vector<16xf32>
        %mul3A_281 = vector.broadcast %squeeze3A_229 : f32 to vector<16xf32>
        %mul3A_282 = arith.mulf %get3A_280, %mul3A_281 : vector<16xf32>
        %add3A_283 = arith.constant 2 : i32
        %add3A_284 = arith.addi %mul3A_106, %add3A_283 : i32
        %swap3A_285 = arith.index_cast %add3A_284 : i32 to index
        %swap3A_286 = arith.constant 48 : index
        %swap3A_287 = tpu.vector_load %arg11[%swap3A_285, %swap3A_286] {strides = array<i32>} : memref<128x64xf32, #tpu.memory_space<vmem>>, vector<1x16xf32>,
        %swap3A_288 = vector.shape_cast %swap3A_287 : vector<1x16xf32> to vector<16xf32>
        %swap3A_289 = vector.shape_cast %mul3A_282 : vector<16xf32> to vector<1x16xf32>
        tpu.vector_store %arg11[%swap3A_285, %swap3A_286], %swap3A_289 {strides = array<i32>} : memref<128x64xf32, #tpu.memory_space<vmem>>, vector<1x16xf32>,
        %slice3A_290 = vector.extract_strided_slice %get3A_104 {offsets = [3], sizes = [1], strides = [1]} : vector<16xf32> to vector<1xf32>
        %squeeze3A_291 = vector.extract %slice3A_290[0] : f32 from vector<1xf32>
        %add3A_292 = arith.constant 3 : i32
        %add3A_293 = arith.addi %mul3A_106, %add3A_292 : i32
        %get3A_294 = arith.index_cast %add3A_293 : i32 to index
        %get3A_295 = arith.constant 0 : index
        %get3A_296 = tpu.vector_load %arg11[%get3A_294, %get3A_295] {strides = array<i32>} : memref<128x64xf32, #tpu.memory_space<vmem>>, vector<1x16xf32>,
        %get3A_297 = vector.shape_cast %get3A_296 : vector<1x16xf32> to vector<16xf32>
        %mul3A_298 = vector.broadcast %squeeze3A_291 : f32 to vector<16xf32>
        %mul3A_299 = arith.mulf %get3A_297, %mul3A_298 : vector<16xf32>
        %add3A_300 = arith.constant 3 : i32
        %add3A_301 = arith.addi %mul3A_106, %add3A_300 : i32
        %swap3A_302 = arith.index_cast %add3A_301 : i32 to index
        %swap3A_303 = arith.constant 0 : index
        %swap3A_304 = tpu.vector_load %arg11[%swap3A_302, %swap3A_303] {strides = array<i32>} : memref<128x64xf32, #tpu.memory_space<vmem>>, vector<1x16xf32>,
        %swap3A_305 = vector.shape_cast %swap3A_304 : vector<1x16xf32> to vector<16xf32>
        %swap3A_306 = vector.shape_cast %mul3A_299 : vector<16xf32> to vector<1x16xf32>
        tpu.vector_store %arg11[%swap3A_302, %swap3A_303], %swap3A_306 {strides = array<i32>} : memref<128x64xf32, #tpu.memory_space<vmem>>, vector<1x16xf32>,
        %add3A_307 = arith.constant 3 : i32
        %add3A_308 = arith.addi %mul3A_106, %add3A_307 : i32
        %get3A_309 = arith.index_cast %add3A_308 : i32 to index
        %get3A_310 = arith.constant 16 : index
        %get3A_311 = tpu.vector_load %arg11[%get3A_309, %get3A_310] {strides = array<i32>} : memref<128x64xf32, #tpu.memory_space<vmem>>, vector<1x16xf32>,
        %get3A_312 = vector.shape_cast %get3A_311 : vector<1x16xf32> to vector<16xf32>
        %mul3A_313 = vector.broadcast %squeeze3A_291 : f32 to vector<16xf32>
        %mul3A_314 = arith.mulf %get3A_312, %mul3A_313 : vector<16xf32>
        %add3A_315 = arith.constant 3 : i32
        %add3A_316 = arith.addi %mul3A_106, %add3A_315 : i32
        %swap3A_317 = arith.index_cast %add3A_316 : i32 to index
        %swap3A_318 = arith.constant 16 : index
        %swap3A_319 = tpu.vector_load %arg11[%swap3A_317, %swap3A_318] {strides = array<i32>} : memref<128x64xf32, #tpu.memory_space<vmem>>, vector<1x16xf32>,
        %swap3A_320 = vector.shape_cast %swap3A_319 : vector<1x16xf32> to vector<16xf32>
        %swap3A_321 = vector.shape_cast %mul3A_314 : vector<16xf32> to vector<1x16xf32>
        tpu.vector_store %arg11[%swap3A_317, %swap3A_318], %swap3A_321 {strides = array<i32>} : memref<128x64xf32, #tpu.memory_space<vmem>>, vector<1x16xf32>,
        %add3A_322 = arith.constant 3 : i32
        %add3A_323 = arith.addi %mul3A_106, %add3A_322 : i32
        %get3A_324 = arith.index_cast %add3A_323 : i32 to index
        %get3A_325 = arith.constant 32 : index
        %get3A_326 = tpu.vector_load %arg11[%get3A_324, %get3A_325] {strides = array<i32>} : memref<128x64xf32, #tpu.memory_space<vmem>>, vector<1x16xf32>,
        %get3A_327 = vector.shape_cast %get3A_326 : vector<1x16xf32> to vector<16xf32>
        %mul3A_328 = vector.broadcast %squeeze3A_291 : f32 to vector<16xf32>
        %mul3A_329 = arith.mulf %get3A_327, %mul3A_328 : vector<16xf32>
        %add3A_330 = arith.constant 3 : i32
        %add3A_331 = arith.addi %mul3A_106, %add3A_330 : i32
        %swap3A_332 = arith.index_cast %add3A_331 : i32 to index
        %swap3A_333 = arith.constant 32 : index
        %swap3A_334 = tpu.vector_load %arg11[%swap3A_332, %swap3A_333] {strides = array<i32>} : memref<128x64xf32, #tpu.memory_space<vmem>>, vector<1x16xf32>,
        %swap3A_335 = vector.shape_cast %swap3A_334 : vector<1x16xf32> to vector<16xf32>
        %swap3A_336 = vector.shape_cast %mul3A_329 : vector<16xf32> to vector<1x16xf32>
        tpu.vector_store %arg11[%swap3A_332, %swap3A_333], %swap3A_336 {strides = array<i32>} : memref<128x64xf32, #tpu.memory_space<vmem>>, vector<1x16xf32>,
        %add3A_337 = arith.constant 3 : i32
        %add3A_338 = arith.addi %mul3A_106, %add3A_337 : i32
        %get3A_339 = arith.index_cast %add3A_338 : i32 to index
        %get3A_340 = arith.constant 48 : index
        %get3A_341 = tpu.vector_load %arg11[%get3A_339, %get3A_340] {strides = array<i32>} : memref<128x64xf32, #tpu.memory_space<vmem>>, vector<1x16xf32>,
        %get3A_342 = vector.shape_cast %get3A_341 : vector<1x16xf32> to vector<16xf32>
        %mul3A_343 = vector.broadcast %squeeze3A_291 : f32 to vector<16xf32>
        %mul3A_344 = arith.mulf %get3A_342, %mul3A_343 : vector<16xf32>
        %add3A_345 = arith.constant 3 : i32
        %add3A_346 = arith.addi %mul3A_106, %add3A_345 : i32
        %swap3A_347 = arith.index_cast %add3A_346 : i32 to index
        %swap3A_348 = arith.constant 48 : index
        %swap3A_349 = tpu.vector_load %arg11[%swap3A_347, %swap3A_348] {strides = array<i32>} : memref<128x64xf32, #tpu.memory_space<vmem>>, vector<1x16xf32>,
        %swap3A_350 = vector.shape_cast %swap3A_349 : vector<1x16xf32> to vector<16xf32>
        %swap3A_351 = vector.shape_cast %mul3A_344 : vector<16xf32> to vector<1x16xf32>
        tpu.vector_store %arg11[%swap3A_347, %swap3A_348], %swap3A_351 {strides = array<i32>} : memref<128x64xf32, #tpu.memory_space<vmem>>, vector<1x16xf32>,
        %slice3A_352 = vector.extract_strided_slice %get3A_104 {offsets = [4], sizes = [1], strides = [1]} : vector<16xf32> to vector<1xf32>
        %squeeze3A_353 = vector.extract %slice3A_352[0] : f32 from vector<1xf32>
        %add3A_354 = arith.constant 4 : i32
        %add3A_355 = arith.addi %mul3A_106, %add3A_354 : i32
        %get3A_356 = arith.index_cast %add3A_355 : i32 to index
        %get3A_357 = arith.constant 0 : index
        %get3A_358 = tpu.vector_load %arg11[%get3A_356, %get3A_357] {strides = array<i32>} : memref<128x64xf32, #tpu.memory_space<vmem>>, vector<1x16xf32>,
        %get3A_359 = vector.shape_cast %get3A_358 : vector<1x16xf32> to vector<16xf32>
        %mul3A_360 = vector.broadcast %squeeze3A_353 : f32 to vector<16xf32>
        %mul3A_361 = arith.mulf %get3A_359, %mul3A_360 : vector<16xf32>
        %add3A_362 = arith.constant 4 : i32
        %add3A_363 = arith.addi %mul3A_106, %add3A_362 : i32
        %swap3A_364 = arith.index_cast %add3A_363 : i32 to index
        %swap3A_365 = arith.constant 0 : index
        %swap3A_366 = tpu.vector_load %arg11[%swap3A_364, %swap3A_365] {strides = array<i32>} : memref<128x64xf32, #tpu.memory_space<vmem>>, vector<1x16xf32>,
        %swap3A_367 = vector.shape_cast %swap3A_366 : vector<1x16xf32> to vector<16xf32>
        %swap3A_368 = vector.shape_cast %mul3A_361 : vector<16xf32> to vector<1x16xf32>
        tpu.vector_store %arg11[%swap3A_364, %swap3A_365], %swap3A_368 {strides = array<i32>} : memref<128x64xf32, #tpu.memory_space<vmem>>, vector<1x16xf32>,
        %add3A_369 = arith.constant 4 : i32
        %add3A_370 = arith.addi %mul3A_106, %add3A_369 : i32
        %get3A_371 = arith.index_cast %add3A_370 : i32 to index
        %get3A_372 = arith.constant 16 : index
        %get3A_373 = tpu.vector_load %arg11[%get3A_371, %get3A_372] {strides = array<i32>} : memref<128x64xf32, #tpu.memory_space<vmem>>, vector<1x16xf32>,
        %get3A_374 = vector.shape_cast %get3A_373 : vector<1x16xf32> to vector<16xf32>
        %mul3A_375 = vector.broadcast %squeeze3A_353 : f32 to vector<16xf32>
        %mul3A_376 = arith.mulf %get3A_374, %mul3A_375 : vector<16xf32>
        %add3A_377 = arith.constant 4 : i32
        %add3A_378 = arith.addi %mul3A_106, %add3A_377 : i32
        %swap3A_379 = arith.index_cast %add3A_378 : i32 to index
        %swap3A_380 = arith.constant 16 : index
        %swap3A_381 = tpu.vector_load %arg11[%swap3A_379, %swap3A_380] {strides = array<i32>} : memref<128x64xf32, #tpu.memory_space<vmem>>, vector<1x16xf32>,
        %swap3A_382 = vector.shape_cast %swap3A_381 : vector<1x16xf32> to vector<16xf32>
        %swap3A_383 = vector.shape_cast %mul3A_376 : vector<16xf32> to vector<1x16xf32>
        tpu.vector_store %arg11[%swap3A_379, %swap3A_380], %swap3A_383 {strides = array<i32>} : memref<128x64xf32, #tpu.memory_space<vmem>>, vector<1x16xf32>,
        %add3A_384 = arith.constant 4 : i32
        %add3A_385 = arith.addi %mul3A_106, %add3A_384 : i32
        %get3A_386 = arith.index_cast %add3A_385 : i32 to index
        %get3A_387 = arith.constant 32 : index
        %get3A_388 = tpu.vector_load %arg11[%get3A_386, %get3A_387] {strides = array<i32>} : memref<128x64xf32, #tpu.memory_space<vmem>>, vector<1x16xf32>,
        %get3A_389 = vector.shape_cast %get3A_388 : vector<1x16xf32> to vector<16xf32>
        %mul3A_390 = vector.broadcast %squeeze3A_353 : f32 to vector<16xf32>
        %mul3A_391 = arith.mulf %get3A_389, %mul3A_390 : vector<16xf32>
        %add3A_392 = arith.constant 4 : i32
        %add3A_393 = arith.addi %mul3A_106, %add3A_392 : i32
        %swap3A_394 = arith.index_cast %add3A_393 : i32 to index
        %swap3A_395 = arith.constant 32 : index
        %swap3A_396 = tpu.vector_load %arg11[%swap3A_394, %swap3A_395] {strides = array<i32>} : memref<128x64xf32, #tpu.memory_space<vmem>>, vector<1x16xf32>,
        %swap3A_397 = vector.shape_cast %swap3A_396 : vector<1x16xf32> to vector<16xf32>
        %swap3A_398 = vector.shape_cast %mul3A_391 : vector<16xf32> to vector<1x16xf32>
        tpu.vector_store %arg11[%swap3A_394, %swap3A_395], %swap3A_398 {strides = array<i32>} : memref<128x64xf32, #tpu.memory_space<vmem>>, vector<1x16xf32>,
        %add3A_399 = arith.constant 4 : i32
        %add3A_400 = arith.addi %mul3A_106, %add3A_399 : i32
        %get3A_401 = arith.index_cast %add3A_400 : i32 to index
        %get3A_402 = arith.constant 48 : index
        %get3A_403 = tpu.vector_load %arg11[%get3A_401, %get3A_402] {strides = array<i32>} : memref<128x64xf32, #tpu.memory_space<vmem>>, vector<1x16xf32>,
        %get3A_404 = vector.shape_cast %get3A_403 : vector<1x16xf32> to vector<16xf32>
        %mul3A_405 = vector.broadcast %squeeze3A_353 : f32 to vector<16xf32>
        %mul3A_406 = arith.mulf %get3A_404, %mul3A_405 : vector<16xf32>
        %add3A_407 = arith.constant 4 : i32
        %add3A_408 = arith.addi %mul3A_106, %add3A_407 : i32
        %swap3A_409 = arith.index_cast %add3A_408 : i32 to index
        %swap3A_410 = arith.constant 48 : index
        %swap3A_411 = tpu.vector_load %arg11[%swap3A_409, %swap3A_410] {strides = array<i32>} : memref<128x64xf32, #tpu.memory_space<vmem>>, vector<1x16xf32>,
        %swap3A_412 = vector.shape_cast %swap3A_411 : vector<1x16xf32> to vector<16xf32>
        %swap3A_413 = vector.shape_cast %mul3A_406 : vector<16xf32> to vector<1x16xf32>
        tpu.vector_store %arg11[%swap3A_409, %swap3A_410], %swap3A_413 {strides = array<i32>} : memref<128x64xf32, #tpu.memory_space<vmem>>, vector<1x16xf32>,
        %slice3A_414 = vector.extract_strided_slice %get3A_104 {offsets = [5], sizes = [1], strides = [1]} : vector<16xf32> to vector<1xf32>
        %squeeze3A_415 = vector.extract %slice3A_414[0] : f32 from vector<1xf32>
        %add3A_416 = arith.constant 5 : i32
        %add3A_417 = arith.addi %mul3A_106, %add3A_416 : i32
        %get3A_418 = arith.index_cast %add3A_417 : i32 to index
        %get3A_419 = arith.constant 0 : index
        %get3A_420 = tpu.vector_load %arg11[%get3A_418, %get3A_419] {strides = array<i32>} : memref<128x64xf32, #tpu.memory_space<vmem>>, vector<1x16xf32>,
        %get3A_421 = vector.shape_cast %get3A_420 : vector<1x16xf32> to vector<16xf32>
        %mul3A_422 = vector.broadcast %squeeze3A_415 : f32 to vector<16xf32>
        %mul3A_423 = arith.mulf %get3A_421, %mul3A_422 : vector<16xf32>
        %add3A_424 = arith.constant 5 : i32
        %add3A_425 = arith.addi %mul3A_106, %add3A_424 : i32
        %swap3A_426 = arith.index_cast %add3A_425 : i32 to index
        %swap3A_427 = arith.constant 0 : index
        %swap3A_428 = tpu.vector_load %arg11[%swap3A_426, %swap3A_427] {strides = array<i32>} : memref<128x64xf32, #tpu.memory_space<vmem>>, vector<1x16xf32>,
        %swap3A_429 = vector.shape_cast %swap3A_428 : vector<1x16xf32> to vector<16xf32>
        %swap3A_430 = vector.shape_cast %mul3A_423 : vector<16xf32> to vector<1x16xf32>
        tpu.vector_store %arg11[%swap3A_426, %swap3A_427], %swap3A_430 {strides = array<i32>} : memref<128x64xf32, #tpu.memory_space<vmem>>, vector<1x16xf32>,
        %add3A_431 = arith.constant 5 : i32
        %add3A_432 = arith.addi %mul3A_106, %add3A_431 : i32
        %get3A_433 = arith.index_cast %add3A_432 : i32 to index
        %get3A_434 = arith.constant 16 : index
        %get3A_435 = tpu.vector_load %arg11[%get3A_433, %get3A_434] {strides = array<i32>} : memref<128x64xf32, #tpu.memory_space<vmem>>, vector<1x16xf32>,
        %get3A_436 = vector.shape_cast %get3A_435 : vector<1x16xf32> to vector<16xf32>
        %mul3A_437 = vector.broadcast %squeeze3A_415 : f32 to vector<16xf32>
        %mul3A_438 = arith.mulf %get3A_436, %mul3A_437 : vector<16xf32>
        %add3A_439 = arith.constant 5 : i32
        %add3A_440 = arith.addi %mul3A_106, %add3A_439 : i32
        %swap3A_441 = arith.index_cast %add3A_440 : i32 to index
        %swap3A_442 = arith.constant 16 : index
        %swap3A_443 = tpu.vector_load %arg11[%swap3A_441, %swap3A_442] {strides = array<i32>} : memref<128x64xf32, #tpu.memory_space<vmem>>, vector<1x16xf32>,
        %swap3A_444 = vector.shape_cast %swap3A_443 : vector<1x16xf32> to vector<16xf32>
        %swap3A_445 = vector.shape_cast %mul3A_438 : vector<16xf32> to vector<1x16xf32>
        tpu.vector_store %arg11[%swap3A_441, %swap3A_442], %swap3A_445 {strides = array<i32>} : memref<128x64xf32, #tpu.memory_space<vmem>>, vector<1x16xf32>,
        %add3A_446 = arith.constant 5 : i32
        %add3A_447 = arith.addi %mul3A_106, %add3A_446 : i32
        %get3A_448 = arith.index_cast %add3A_447 : i32 to index
        %get3A_449 = arith.constant 32 : index
        %get3A_450 = tpu.vector_load %arg11[%get3A_448, %get3A_449] {strides = array<i32>} : memref<128x64xf32, #tpu.memory_space<vmem>>, vector<1x16xf32>,
        %get3A_451 = vector.shape_cast %get3A_450 : vector<1x16xf32> to vector<16xf32>
        %mul3A_452 = vector.broadcast %squeeze3A_415 : f32 to vector<16xf32>
        %mul3A_453 = arith.mulf %get3A_451, %mul3A_452 : vector<16xf32>
        %add3A_454 = arith.constant 5 : i32
        %add3A_455 = arith.addi %mul3A_106, %add3A_454 : i32
        %swap3A_456 = arith.index_cast %add3A_455 : i32 to index
        %swap3A_457 = arith.constant 32 : index
        %swap3A_458 = tpu.vector_load %arg11[%swap3A_456, %swap3A_457] {strides = array<i32>} : memref<128x64xf32, #tpu.memory_space<vmem>>, vector<1x16xf32>,
        %swap3A_459 = vector.shape_cast %swap3A_458 : vector<1x16xf32> to vector<16xf32>
        %swap3A_460 = vector.shape_cast %mul3A_453 : vector<16xf32> to vector<1x16xf32>
        tpu.vector_store %arg11[%swap3A_456, %swap3A_457], %swap3A_460 {strides = array<i32>} : memref<128x64xf32, #tpu.memory_space<vmem>>, vector<1x16xf32>,
        %add3A_461 = arith.constant 5 : i32
        %add3A_462 = arith.addi %mul3A_106, %add3A_461 : i32
        %get3A_463 = arith.index_cast %add3A_462 : i32 to index
        %get3A_464 = arith.constant 48 : index
        %get3A_465 = tpu.vector_load %arg11[%get3A_463, %get3A_464] {strides = array<i32>} : memref<128x64xf32, #tpu.memory_space<vmem>>, vector<1x16xf32>,
        %get3A_466 = vector.shape_cast %get3A_465 : vector<1x16xf32> to vector<16xf32>
        %mul3A_467 = vector.broadcast %squeeze3A_415 : f32 to vector<16xf32>
        %mul3A_468 = arith.mulf %get3A_466, %mul3A_467 : vector<16xf32>
        %add3A_469 = arith.constant 5 : i32
        %add3A_470 = arith.addi %mul3A_106, %add3A_469 : i32
        %swap3A_471 = arith.index_cast %add3A_470 : i32 to index
        %swap3A_472 = arith.constant 48 : index
        %swap3A_473 = tpu.vector_load %arg11[%swap3A_471, %swap3A_472] {strides = array<i32>} : memref<128x64xf32, #tpu.memory_space<vmem>>, vector<1x16xf32>,
        %swap3A_474 = vector.shape_cast %swap3A_473 : vector<1x16xf32> to vector<16xf32>
        %swap3A_475 = vector.shape_cast %mul3A_468 : vector<16xf32> to vector<1x16xf32>
        tpu.vector_store %arg11[%swap3A_471, %swap3A_472], %swap3A_475 {strides = array<i32>} : memref<128x64xf32, #tpu.memory_space<vmem>>, vector<1x16xf32>,
        %slice3A_476 = vector.extract_strided_slice %get3A_104 {offsets = [6], sizes = [1], strides = [1]} : vector<16xf32> to vector<1xf32>
        %squeeze3A_477 = vector.extract %slice3A_476[0] : f32 from vector<1xf32>
        %add3A_478 = arith.constant 6 : i32
        %add3A_479 = arith.addi %mul3A_106, %add3A_478 : i32
        %get3A_480 = arith.index_cast %add3A_479 : i32 to index
        %get3A_481 = arith.constant 0 : index
        %get3A_482 = tpu.vector_load %arg11[%get3A_480, %get3A_481] {strides = array<i32>} : memref<128x64xf32, #tpu.memory_space<vmem>>, vector<1x16xf32>,
        %get3A_483 = vector.shape_cast %get3A_482 : vector<1x16xf32> to vector<16xf32>
        %mul3A_484 = vector.broadcast %squeeze3A_477 : f32 to vector<16xf32>
        %mul3A_485 = arith.mulf %get3A_483, %mul3A_484 : vector<16xf32>
        %add3A_486 = arith.constant 6 : i32
        %add3A_487 = arith.addi %mul3A_106, %add3A_486 : i32
        %swap3A_488 = arith.index_cast %add3A_487 : i32 to index
        %swap3A_489 = arith.constant 0 : index
        %swap3A_490 = tpu.vector_load %arg11[%swap3A_488, %swap3A_489] {strides = array<i32>} : memref<128x64xf32, #tpu.memory_space<vmem>>, vector<1x16xf32>,
        %swap3A_491 = vector.shape_cast %swap3A_490 : vector<1x16xf32> to vector<16xf32>
        %swap3A_492 = vector.shape_cast %mul3A_485 : vector<16xf32> to vector<1x16xf32>
        tpu.vector_store %arg11[%swap3A_488, %swap3A_489], %swap3A_492 {strides = array<i32>} : memref<128x64xf32, #tpu.memory_space<vmem>>, vector<1x16xf32>,
        %add3A_493 = arith.constant 6 : i32
        %add3A_494 = arith.addi %mul3A_106, %add3A_493 : i32
        %get3A_495 = arith.index_cast %add3A_494 : i32 to index
        %get3A_496 = arith.constant 16 : index
        %get3A_497 = tpu.vector_load %arg11[%get3A_495, %get3A_496] {strides = array<i32>} : memref<128x64xf32, #tpu.memory_space<vmem>>, vector<1x16xf32>,
        %get3A_498 = vector.shape_cast %get3A_497 : vector<1x16xf32> to vector<16xf32>
        %mul3A_499 = vector.broadcast %squeeze3A_477 : f32 to vector<16xf32>
        %mul3A_500 = arith.mulf %get3A_498, %mul3A_499 : vector<16xf32>
        %add3A_501 = arith.constant 6 : i32
        %add3A_502 = arith.addi %mul3A_106, %add3A_501 : i32
        %swap3A_503 = arith.index_cast %add3A_502 : i32 to index
        %swap3A_504 = arith.constant 16 : index
        %swap3A_505 = tpu.vector_load %arg11[%swap3A_503, %swap3A_504] {strides = array<i32>} : memref<128x64xf32, #tpu.memory_space<vmem>>, vector<1x16xf32>,
        %swap3A_506 = vector.shape_cast %swap3A_505 : vector<1x16xf32> to vector<16xf32>
        %swap3A_507 = vector.shape_cast %mul3A_500 : vector<16xf32> to vector<1x16xf32>
        tpu.vector_store %arg11[%swap3A_503, %swap3A_504], %swap3A_507 {strides = array<i32>} : memref<128x64xf32, #tpu.memory_space<vmem>>, vector<1x16xf32>,
        %add3A_508 = arith.constant 6 : i32
        %add3A_509 = arith.addi %mul3A_106, %add3A_508 : i32
        %get3A_510 = arith.index_cast %add3A_509 : i32 to index
        %get3A_511 = arith.constant 32 : index
        %get3A_512 = tpu.vector_load %arg11[%get3A_510, %get3A_511] {strides = array<i32>} : memref<128x64xf32, #tpu.memory_space<vmem>>, vector<1x16xf32>,
        %get3A_513 = vector.shape_cast %get3A_512 : vector<1x16xf32> to vector<16xf32>
        %mul3A_514 = vector.broadcast %squeeze3A_477 : f32 to vector<16xf32>
        %mul3A_515 = arith.mulf %get3A_513, %mul3A_514 : vector<16xf32>
        %add3A_516 = arith.constant 6 : i32
        %add3A_517 = arith.addi %mul3A_106, %add3A_516 : i32
        %swap3A_518 = arith.index_cast %add3A_517 : i32 to index
        %swap3A_519 = arith.constant 32 : index
        %swap3A_520 = tpu.vector_load %arg11[%swap3A_518, %swap3A_519] {strides = array<i32>} : memref<128x64xf32, #tpu.memory_space<vmem>>, vector<1x16xf32>,
        %swap3A_521 = vector.shape_cast %swap3A_520 : vector<1x16xf32> to vector<16xf32>
        %swap3A_522 = vector.shape_cast %mul3A_515 : vector<16xf32> to vector<1x16xf32>
        tpu.vector_store %arg11[%swap3A_518, %swap3A_519], %swap3A_522 {strides = array<i32>} : memref<128x64xf32, #tpu.memory_space<vmem>>, vector<1x16xf32>,
        %add3A_523 = arith.constant 6 : i32
        %add3A_524 = arith.addi %mul3A_106, %add3A_523 : i32
        %get3A_525 = arith.index_cast %add3A_524 : i32 to index
        %get3A_526 = arith.constant 48 : index
        %get3A_527 = tpu.vector_load %arg11[%get3A_525, %get3A_526] {strides = array<i32>} : memref<128x64xf32, #tpu.memory_space<vmem>>, vector<1x16xf32>,
        %get3A_528 = vector.shape_cast %get3A_527 : vector<1x16xf32> to vector<16xf32>
        %mul3A_529 = vector.broadcast %squeeze3A_477 : f32 to vector<16xf32>
        %mul3A_530 = arith.mulf %get3A_528, %mul3A_529 : vector<16xf32>
        %add3A_531 = arith.constant 6 : i32
        %add3A_532 = arith.addi %mul3A_106, %add3A_531 : i32
        %swap3A_533 = arith.index_cast %add3A_532 : i32 to index
        %swap3A_534 = arith.constant 48 : index
        %swap3A_535 = tpu.vector_load %arg11[%swap3A_533, %swap3A_534] {strides = array<i32>} : memref<128x64xf32, #tpu.memory_space<vmem>>, vector<1x16xf32>,
        %swap3A_536 = vector.shape_cast %swap3A_535 : vector<1x16xf32> to vector<16xf32>
        %swap3A_537 = vector.shape_cast %mul3A_530 : vector<16xf32> to vector<1x16xf32>
        tpu.vector_store %arg11[%swap3A_533, %swap3A_534], %swap3A_537 {strides = array<i32>} : memref<128x64xf32, #tpu.memory_space<vmem>>, vector<1x16xf32>,
        %slice3A_538 = vector.extract_strided_slice %get3A_104 {offsets = [7], sizes = [1], strides = [1]} : vector<16xf32> to vector<1xf32>
        %squeeze3A_539 = vector.extract %slice3A_538[0] : f32 from vector<1xf32>
        %add3A_540 = arith.constant 7 : i32
        %add3A_541 = arith.addi %mul3A_106, %add3A_540 : i32
        %get3A_542 = arith.index_cast %add3A_541 : i32 to index
        %get3A_543 = arith.constant 0 : index
        %get3A_544 = tpu.vector_load %arg11[%get3A_542, %get3A_543] {strides = array<i32>} : memref<128x64xf32, #tpu.memory_space<vmem>>, vector<1x16xf32>,
        %get3A_545 = vector.shape_cast %get3A_544 : vector<1x16xf32> to vector<16xf32>
        %mul3A_546 = vector.broadcast %squeeze3A_539 : f32 to vector<16xf32>
        %mul3A_547 = arith.mulf %get3A_545, %mul3A_546 : vector<16xf32>
        %add3A_548 = arith.constant 7 : i32
        %add3A_549 = arith.addi %mul3A_106, %add3A_548 : i32
        %swap3A_550 = arith.index_cast %add3A_549 : i32 to index
        %swap3A_551 = arith.constant 0 : index
        %swap3A_552 = tpu.vector_load %arg11[%swap3A_550, %swap3A_551] {strides = array<i32>} : memref<128x64xf32, #tpu.memory_space<vmem>>, vector<1x16xf32>,
        %swap3A_553 = vector.shape_cast %swap3A_552 : vector<1x16xf32> to vector<16xf32>
        %swap3A_554 = vector.shape_cast %mul3A_547 : vector<16xf32> to vector<1x16xf32>
        tpu.vector_store %arg11[%swap3A_550, %swap3A_551], %swap3A_554 {strides = array<i32>} : memref<128x64xf32, #tpu.memory_space<vmem>>, vector<1x16xf32>,
        %add3A_555 = arith.constant 7 : i32
        %add3A_556 = arith.addi %mul3A_106, %add3A_555 : i32
        %get3A_557 = arith.index_cast %add3A_556 : i32 to index
        %get3A_558 = arith.constant 16 : index
        %get3A_559 = tpu.vector_load %arg11[%get3A_557, %get3A_558] {strides = array<i32>} : memref<128x64xf32, #tpu.memory_space<vmem>>, vector<1x16xf32>,
        %get3A_560 = vector.shape_cast %get3A_559 : vector<1x16xf32> to vector<16xf32>
        %mul3A_561 = vector.broadcast %squeeze3A_539 : f32 to vector<16xf32>
        %mul3A_562 = arith.mulf %get3A_560, %mul3A_561 : vector<16xf32>
        %add3A_563 = arith.constant 7 : i32
        %add3A_564 = arith.addi %mul3A_106, %add3A_563 : i32
        %swap3A_565 = arith.index_cast %add3A_564 : i32 to index
        %swap3A_566 = arith.constant 16 : index
        %swap3A_567 = tpu.vector_load %arg11[%swap3A_565, %swap3A_566] {strides = array<i32>} : memref<128x64xf32, #tpu.memory_space<vmem>>, vector<1x16xf32>,
        %swap3A_568 = vector.shape_cast %swap3A_567 : vector<1x16xf32> to vector<16xf32>
        %swap3A_569 = vector.shape_cast %mul3A_562 : vector<16xf32> to vector<1x16xf32>
        tpu.vector_store %arg11[%swap3A_565, %swap3A_566], %swap3A_569 {strides = array<i32>} : memref<128x64xf32, #tpu.memory_space<vmem>>, vector<1x16xf32>,
        %add3A_570 = arith.constant 7 : i32
        %add3A_571 = arith.addi %mul3A_106, %add3A_570 : i32
        %get3A_572 = arith.index_cast %add3A_571 : i32 to index
        %get3A_573 = arith.constant 32 : index
        %get3A_574 = tpu.vector_load %arg11[%get3A_572, %get3A_573] {strides = array<i32>} : memref<128x64xf32, #tpu.memory_space<vmem>>, vector<1x16xf32>,
        %get3A_575 = vector.shape_cast %get3A_574 : vector<1x16xf32> to vector<16xf32>
        %mul3A_576 = vector.broadcast %squeeze3A_539 : f32 to vector<16xf32>
        %mul3A_577 = arith.mulf %get3A_575, %mul3A_576 : vector<16xf32>
        %add3A_578 = arith.constant 7 : i32
        %add3A_579 = arith.addi %mul3A_106, %add3A_578 : i32
        %swap3A_580 = arith.index_cast %add3A_579 : i32 to index
        %swap3A_581 = arith.constant 32 : index
        %swap3A_582 = tpu.vector_load %arg11[%swap3A_580, %swap3A_581] {strides = array<i32>} : memref<128x64xf32, #tpu.memory_space<vmem>>, vector<1x16xf32>,
        %swap3A_583 = vector.shape_cast %swap3A_582 : vector<1x16xf32> to vector<16xf32>
        %swap3A_584 = vector.shape_cast %mul3A_577 : vector<16xf32> to vector<1x16xf32>
        tpu.vector_store %arg11[%swap3A_580, %swap3A_581], %swap3A_584 {strides = array<i32>} : memref<128x64xf32, #tpu.memory_space<vmem>>, vector<1x16xf32>,
        %add3A_585 = arith.constant 7 : i32
        %add3A_586 = arith.addi %mul3A_106, %add3A_585 : i32
        %get3A_587 = arith.index_cast %add3A_586 : i32 to index
        %get3A_588 = arith.constant 48 : index
        %get3A_589 = tpu.vector_load %arg11[%get3A_587, %get3A_588] {strides = array<i32>} : memref<128x64xf32, #tpu.memory_space<vmem>>, vector<1x16xf32>,
        %get3A_590 = vector.shape_cast %get3A_589 : vector<1x16xf32> to vector<16xf32>
        %mul3A_591 = vector.broadcast %squeeze3A_539 : f32 to vector<16xf32>
        %mul3A_592 = arith.mulf %get3A_590, %mul3A_591 : vector<16xf32>
        %add3A_593 = arith.constant 7 : i32
        %add3A_594 = arith.addi %mul3A_106, %add3A_593 : i32
        %swap3A_595 = arith.index_cast %add3A_594 : i32 to index
        %swap3A_596 = arith.constant 48 : index
        %swap3A_597 = tpu.vector_load %arg11[%swap3A_595, %swap3A_596] {strides = array<i32>} : memref<128x64xf32, #tpu.memory_space<vmem>>, vector<1x16xf32>,
        %swap3A_598 = vector.shape_cast %swap3A_597 : vector<1x16xf32> to vector<16xf32>
        %swap3A_599 = vector.shape_cast %mul3A_592 : vector<16xf32> to vector<1x16xf32>
        tpu.vector_store %arg11[%swap3A_595, %swap3A_596], %swap3A_599 {strides = array<i32>} : memref<128x64xf32, #tpu.memory_space<vmem>>, vector<1x16xf32>,
        %slice3A_600 = vector.extract_strided_slice %get3A_104 {offsets = [8], sizes = [1], strides = [1]} : vector<16xf32> to vector<1xf32>
        %squeeze3A_601 = vector.extract %slice3A_600[0] : f32 from vector<1xf32>
        %add3A_602 = arith.constant 8 : i32
        %add3A_603 = arith.addi %mul3A_106, %add3A_602 : i32
        %get3A_604 = arith.index_cast %add3A_603 : i32 to index
        %get3A_605 = arith.constant 0 : index
        %get3A_606 = tpu.vector_load %arg11[%get3A_604, %get3A_605] {strides = array<i32>} : memref<128x64xf32, #tpu.memory_space<vmem>>, vector<1x16xf32>,
        %get3A_607 = vector.shape_cast %get3A_606 : vector<1x16xf32> to vector<16xf32>
        %mul3A_608 = vector.broadcast %squeeze3A_601 : f32 to vector<16xf32>
        %mul3A_609 = arith.mulf %get3A_607, %mul3A_608 : vector<16xf32>
        %add3A_610 = arith.constant 8 : i32
        %add3A_611 = arith.addi %mul3A_106, %add3A_610 : i32
        %swap3A_612 = arith.index_cast %add3A_611 : i32 to index
        %swap3A_613 = arith.constant 0 : index
        %swap3A_614 = tpu.vector_load %arg11[%swap3A_612, %swap3A_613] {strides = array<i32>} : memref<128x64xf32, #tpu.memory_space<vmem>>, vector<1x16xf32>,
        %swap3A_615 = vector.shape_cast %swap3A_614 : vector<1x16xf32> to vector<16xf32>
        %swap3A_616 = vector.shape_cast %mul3A_609 : vector<16xf32> to vector<1x16xf32>
        tpu.vector_store %arg11[%swap3A_612, %swap3A_613], %swap3A_616 {strides = array<i32>} : memref<128x64xf32, #tpu.memory_space<vmem>>, vector<1x16xf32>,
        %add3A_617 = arith.constant 8 : i32
        %add3A_618 = arith.addi %mul3A_106, %add3A_617 : i32
        %get3A_619 = arith.index_cast %add3A_618 : i32 to index
        %get3A_620 = arith.constant 16 : index
        %get3A_621 = tpu.vector_load %arg11[%get3A_619, %get3A_620] {strides = array<i32>} : memref<128x64xf32, #tpu.memory_space<vmem>>, vector<1x16xf32>,
        %get3A_622 = vector.shape_cast %get3A_621 : vector<1x16xf32> to vector<16xf32>
        %mul3A_623 = vector.broadcast %squeeze3A_601 : f32 to vector<16xf32>
        %mul3A_624 = arith.mulf %get3A_622, %mul3A_623 : vector<16xf32>
        %add3A_625 = arith.constant 8 : i32
        %add3A_626 = arith.addi %mul3A_106, %add3A_625 : i32
        %swap3A_627 = arith.index_cast %add3A_626 : i32 to index
        %swap3A_628 = arith.constant 16 : index
        %swap3A_629 = tpu.vector_load %arg11[%swap3A_627, %swap3A_628] {strides = array<i32>} : memref<128x64xf32, #tpu.memory_space<vmem>>, vector<1x16xf32>,
        %swap3A_630 = vector.shape_cast %swap3A_629 : vector<1x16xf32> to vector<16xf32>
        %swap3A_631 = vector.shape_cast %mul3A_624 : vector<16xf32> to vector<1x16xf32>
        tpu.vector_store %arg11[%swap3A_627, %swap3A_628], %swap3A_631 {strides = array<i32>} : memref<128x64xf32, #tpu.memory_space<vmem>>, vector<1x16xf32>,
        %add3A_632 = arith.constant 8 : i32
        %add3A_633 = arith.addi %mul3A_106, %add3A_632 : i32
        %get3A_634 = arith.index_cast %add3A_633 : i32 to index
        %get3A_635 = arith.constant 32 : index
        %get3A_636 = tpu.vector_load %arg11[%get3A_634, %get3A_635] {strides = array<i32>} : memref<128x64xf32, #tpu.memory_space<vmem>>, vector<1x16xf32>,
        %get3A_637 = vector.shape_cast %get3A_636 : vector<1x16xf32> to vector<16xf32>
        %mul3A_638 = vector.broadcast %squeeze3A_601 : f32 to vector<16xf32>
        %mul3A_639 = arith.mulf %get3A_637, %mul3A_638 : vector<16xf32>
        %add3A_640 = arith.constant 8 : i32
        %add3A_641 = arith.addi %mul3A_106, %add3A_640 : i32
        %swap3A_642 = arith.index_cast %add3A_641 : i32 to index
        %swap3A_643 = arith.constant 32 : index
        %swap3A_644 = tpu.vector_load %arg11[%swap3A_642, %swap3A_643] {strides = array<i32>} : memref<128x64xf32, #tpu.memory_space<vmem>>, vector<1x16xf32>,
        %swap3A_645 = vector.shape_cast %swap3A_644 : vector<1x16xf32> to vector<16xf32>
        %swap3A_646 = vector.shape_cast %mul3A_639 : vector<16xf32> to vector<1x16xf32>
        tpu.vector_store %arg11[%swap3A_642, %swap3A_643], %swap3A_646 {strides = array<i32>} : memref<128x64xf32, #tpu.memory_space<vmem>>, vector<1x16xf32>,
        %add3A_647 = arith.constant 8 : i32
        %add3A_648 = arith.addi %mul3A_106, %add3A_647 : i32
        %get3A_649 = arith.index_cast %add3A_648 : i32 to index
        %get3A_650 = arith.constant 48 : index
        %get3A_651 = tpu.vector_load %arg11[%get3A_649, %get3A_650] {strides = array<i32>} : memref<128x64xf32, #tpu.memory_space<vmem>>, vector<1x16xf32>,
        %get3A_652 = vector.shape_cast %get3A_651 : vector<1x16xf32> to vector<16xf32>
        %mul3A_653 = vector.broadcast %squeeze3A_601 : f32 to vector<16xf32>
        %mul3A_654 = arith.mulf %get3A_652, %mul3A_653 : vector<16xf32>
        %add3A_655 = arith.constant 8 : i32
        %add3A_656 = arith.addi %mul3A_106, %add3A_655 : i32
        %swap3A_657 = arith.index_cast %add3A_656 : i32 to index
        %swap3A_658 = arith.constant 48 : index
        %swap3A_659 = tpu.vector_load %arg11[%swap3A_657, %swap3A_658] {strides = array<i32>} : memref<128x64xf32, #tpu.memory_space<vmem>>, vector<1x16xf32>,
        %swap3A_660 = vector.shape_cast %swap3A_659 : vector<1x16xf32> to vector<16xf32>
        %swap3A_661 = vector.shape_cast %mul3A_654 : vector<16xf32> to vector<1x16xf32>
        tpu.vector_store %arg11[%swap3A_657, %swap3A_658], %swap3A_661 {strides = array<i32>} : memref<128x64xf32, #tpu.memory_space<vmem>>, vector<1x16xf32>,
        %slice3A_662 = vector.extract_strided_slice %get3A_104 {offsets = [9], sizes = [1], strides = [1]} : vector<16xf32> to vector<1xf32>
        %squeeze3A_663 = vector.extract %slice3A_662[0] : f32 from vector<1xf32>
        %add3A_664 = arith.constant 9 : i32
        %add3A_665 = arith.addi %mul3A_106, %add3A_664 : i32
        %get3A_666 = arith.index_cast %add3A_665 : i32 to index
        %get3A_667 = arith.constant 0 : index
        %get3A_668 = tpu.vector_load %arg11[%get3A_666, %get3A_667] {strides = array<i32>} : memref<128x64xf32, #tpu.memory_space<vmem>>, vector<1x16xf32>,
        %get3A_669 = vector.shape_cast %get3A_668 : vector<1x16xf32> to vector<16xf32>
        %mul3A_670 = vector.broadcast %squeeze3A_663 : f32 to vector<16xf32>
        %mul3A_671 = arith.mulf %get3A_669, %mul3A_670 : vector<16xf32>
        %add3A_672 = arith.constant 9 : i32
        %add3A_673 = arith.addi %mul3A_106, %add3A_672 : i32
        %swap3A_674 = arith.index_cast %add3A_673 : i32 to index
        %swap3A_675 = arith.constant 0 : index
        %swap3A_676 = tpu.vector_load %arg11[%swap3A_674, %swap3A_675] {strides = array<i32>} : memref<128x64xf32, #tpu.memory_space<vmem>>, vector<1x16xf32>,
        %swap3A_677 = vector.shape_cast %swap3A_676 : vector<1x16xf32> to vector<16xf32>
        %swap3A_678 = vector.shape_cast %mul3A_671 : vector<16xf32> to vector<1x16xf32>
        tpu.vector_store %arg11[%swap3A_674, %swap3A_675], %swap3A_678 {strides = array<i32>} : memref<128x64xf32, #tpu.memory_space<vmem>>, vector<1x16xf32>,
        %add3A_679 = arith.constant 9 : i32
        %add3A_680 = arith.addi %mul3A_106, %add3A_679 : i32
        %get3A_681 = arith.index_cast %add3A_680 : i32 to index
        %get3A_682 = arith.constant 16 : index
        %get3A_683 = tpu.vector_load %arg11[%get3A_681, %get3A_682] {strides = array<i32>} : memref<128x64xf32, #tpu.memory_space<vmem>>, vector<1x16xf32>,
        %get3A_684 = vector.shape_cast %get3A_683 : vector<1x16xf32> to vector<16xf32>
        %mul3A_685 = vector.broadcast %squeeze3A_663 : f32 to vector<16xf32>
        %mul3A_686 = arith.mulf %get3A_684, %mul3A_685 : vector<16xf32>
        %add3A_687 = arith.constant 9 : i32
        %add3A_688 = arith.addi %mul3A_106, %add3A_687 : i32
        %swap3A_689 = arith.index_cast %add3A_688 : i32 to index
        %swap3A_690 = arith.constant 16 : index
        %swap3A_691 = tpu.vector_load %arg11[%swap3A_689, %swap3A_690] {strides = array<i32>} : memref<128x64xf32, #tpu.memory_space<vmem>>, vector<1x16xf32>,
        %swap3A_692 = vector.shape_cast %swap3A_691 : vector<1x16xf32> to vector<16xf32>
        %swap3A_693 = vector.shape_cast %mul3A_686 : vector<16xf32> to vector<1x16xf32>
        tpu.vector_store %arg11[%swap3A_689, %swap3A_690], %swap3A_693 {strides = array<i32>} : memref<128x64xf32, #tpu.memory_space<vmem>>, vector<1x16xf32>,
        %add3A_694 = arith.constant 9 : i32
        %add3A_695 = arith.addi %mul3A_106, %add3A_694 : i32
        %get3A_696 = arith.index_cast %add3A_695 : i32 to index
        %get3A_697 = arith.constant 32 : index
        %get3A_698 = tpu.vector_load %arg11[%get3A_696, %get3A_697] {strides = array<i32>} : memref<128x64xf32, #tpu.memory_space<vmem>>, vector<1x16xf32>,
        %get3A_699 = vector.shape_cast %get3A_698 : vector<1x16xf32> to vector<16xf32>
        %mul3A_700 = vector.broadcast %squeeze3A_663 : f32 to vector<16xf32>
        %mul3A_701 = arith.mulf %get3A_699, %mul3A_700 : vector<16xf32>
        %add3A_702 = arith.constant 9 : i32
        %add3A_703 = arith.addi %mul3A_106, %add3A_702 : i32
        %swap3A_704 = arith.index_cast %add3A_703 : i32 to index
        %swap3A_705 = arith.constant 32 : index
        %swap3A_706 = tpu.vector_load %arg11[%swap3A_704, %swap3A_705] {strides = array<i32>} : memref<128x64xf32, #tpu.memory_space<vmem>>, vector<1x16xf32>,
        %swap3A_707 = vector.shape_cast %swap3A_706 : vector<1x16xf32> to vector<16xf32>
        %swap3A_708 = vector.shape_cast %mul3A_701 : vector<16xf32> to vector<1x16xf32>
        tpu.vector_store %arg11[%swap3A_704, %swap3A_705], %swap3A_708 {strides = array<i32>} : memref<128x64xf32, #tpu.memory_space<vmem>>, vector<1x16xf32>,
        %add3A_709 = arith.constant 9 : i32
        %add3A_710 = arith.addi %mul3A_106, %add3A_709 : i32
        %get3A_711 = arith.index_cast %add3A_710 : i32 to index
        %get3A_712 = arith.constant 48 : index
        %get3A_713 = tpu.vector_load %arg11[%get3A_711, %get3A_712] {strides = array<i32>} : memref<128x64xf32, #tpu.memory_space<vmem>>, vector<1x16xf32>,
        %get3A_714 = vector.shape_cast %get3A_713 : vector<1x16xf32> to vector<16xf32>
        %mul3A_715 = vector.broadcast %squeeze3A_663 : f32 to vector<16xf32>
        %mul3A_716 = arith.mulf %get3A_714, %mul3A_715 : vector<16xf32>
        %add3A_717 = arith.constant 9 : i32
        %add3A_718 = arith.addi %mul3A_106, %add3A_717 : i32
        %swap3A_719 = arith.index_cast %add3A_718 : i32 to index
        %swap3A_720 = arith.constant 48 : index
        %swap3A_721 = tpu.vector_load %arg11[%swap3A_719, %swap3A_720] {strides = array<i32>} : memref<128x64xf32, #tpu.memory_space<vmem>>, vector<1x16xf32>,
        %swap3A_722 = vector.shape_cast %swap3A_721 : vector<1x16xf32> to vector<16xf32>
        %swap3A_723 = vector.shape_cast %mul3A_716 : vector<16xf32> to vector<1x16xf32>
        tpu.vector_store %arg11[%swap3A_719, %swap3A_720], %swap3A_723 {strides = array<i32>} : memref<128x64xf32, #tpu.memory_space<vmem>>, vector<1x16xf32>,
        %slice3A_724 = vector.extract_strided_slice %get3A_104 {offsets = [10], sizes = [1], strides = [1]} : vector<16xf32> to vector<1xf32>
        %squeeze3A_725 = vector.extract %slice3A_724[0] : f32 from vector<1xf32>
        %add3A_726 = arith.constant 10 : i32
        %add3A_727 = arith.addi %mul3A_106, %add3A_726 : i32
        %get3A_728 = arith.index_cast %add3A_727 : i32 to index
        %get3A_729 = arith.constant 0 : index
        %get3A_730 = tpu.vector_load %arg11[%get3A_728, %get3A_729] {strides = array<i32>} : memref<128x64xf32, #tpu.memory_space<vmem>>, vector<1x16xf32>,
        %get3A_731 = vector.shape_cast %get3A_730 : vector<1x16xf32> to vector<16xf32>
        %mul3A_732 = vector.broadcast %squeeze3A_725 : f32 to vector<16xf32>
        %mul3A_733 = arith.mulf %get3A_731, %mul3A_732 : vector<16xf32>
        %add3A_734 = arith.constant 10 : i32
        %add3A_735 = arith.addi %mul3A_106, %add3A_734 : i32
        %swap3A_736 = arith.index_cast %add3A_735 : i32 to index
        %swap3A_737 = arith.constant 0 : index
        %swap3A_738 = tpu.vector_load %arg11[%swap3A_736, %swap3A_737] {strides = array<i32>} : memref<128x64xf32, #tpu.memory_space<vmem>>, vector<1x16xf32>,
        %swap3A_739 = vector.shape_cast %swap3A_738 : vector<1x16xf32> to vector<16xf32>
        %swap3A_740 = vector.shape_cast %mul3A_733 : vector<16xf32> to vector<1x16xf32>
        tpu.vector_store %arg11[%swap3A_736, %swap3A_737], %swap3A_740 {strides = array<i32>} : memref<128x64xf32, #tpu.memory_space<vmem>>, vector<1x16xf32>,
        %add3A_741 = arith.constant 10 : i32
        %add3A_742 = arith.addi %mul3A_106, %add3A_741 : i32
        %get3A_743 = arith.index_cast %add3A_742 : i32 to index
        %get3A_744 = arith.constant 16 : index
        %get3A_745 = tpu.vector_load %arg11[%get3A_743, %get3A_744] {strides = array<i32>} : memref<128x64xf32, #tpu.memory_space<vmem>>, vector<1x16xf32>,
        %get3A_746 = vector.shape_cast %get3A_745 : vector<1x16xf32> to vector<16xf32>
        %mul3A_747 = vector.broadcast %squeeze3A_725 : f32 to vector<16xf32>
        %mul3A_748 = arith.mulf %get3A_746, %mul3A_747 : vector<16xf32>
        %add3A_749 = arith.constant 10 : i32
        %add3A_750 = arith.addi %mul3A_106, %add3A_749 : i32
        %swap3A_751 = arith.index_cast %add3A_750 : i32 to index
        %swap3A_752 = arith.constant 16 : index
        %swap3A_753 = tpu.vector_load %arg11[%swap3A_751, %swap3A_752] {strides = array<i32>} : memref<128x64xf32, #tpu.memory_space<vmem>>, vector<1x16xf32>,
        %swap3A_754 = vector.shape_cast %swap3A_753 : vector<1x16xf32> to vector<16xf32>
        %swap3A_755 = vector.shape_cast %mul3A_748 : vector<16xf32> to vector<1x16xf32>
        tpu.vector_store %arg11[%swap3A_751, %swap3A_752], %swap3A_755 {strides = array<i32>} : memref<128x64xf32, #tpu.memory_space<vmem>>, vector<1x16xf32>,
        %add3A_756 = arith.constant 10 : i32
        %add3A_757 = arith.addi %mul3A_106, %add3A_756 : i32
        %get3A_758 = arith.index_cast %add3A_757 : i32 to index
        %get3A_759 = arith.constant 32 : index
        %get3A_760 = tpu.vector_load %arg11[%get3A_758, %get3A_759] {strides = array<i32>} : memref<128x64xf32, #tpu.memory_space<vmem>>, vector<1x16xf32>,
        %get3A_761 = vector.shape_cast %get3A_760 : vector<1x16xf32> to vector<16xf32>
        %mul3A_762 = vector.broadcast %squeeze3A_725 : f32 to vector<16xf32>
        %mul3A_763 = arith.mulf %get3A_761, %mul3A_762 : vector<16xf32>
        %add3A_764 = arith.constant 10 : i32
        %add3A_765 = arith.addi %mul3A_106, %add3A_764 : i32
        %swap3A_766 = arith.index_cast %add3A_765 : i32 to index
        %swap3A_767 = arith.constant 32 : index
        %swap3A_768 = tpu.vector_load %arg11[%swap3A_766, %swap3A_767] {strides = array<i32>} : memref<128x64xf32, #tpu.memory_space<vmem>>, vector<1x16xf32>,
        %swap3A_769 = vector.shape_cast %swap3A_768 : vector<1x16xf32> to vector<16xf32>
        %swap3A_770 = vector.shape_cast %mul3A_763 : vector<16xf32> to vector<1x16xf32>
        tpu.vector_store %arg11[%swap3A_766, %swap3A_767], %swap3A_770 {strides = array<i32>} : memref<128x64xf32, #tpu.memory_space<vmem>>, vector<1x16xf32>,
        %add3A_771 = arith.constant 10 : i32
        %add3A_772 = arith.addi %mul3A_106, %add3A_771 : i32
        %get3A_773 = arith.index_cast %add3A_772 : i32 to index
        %get3A_774 = arith.constant 48 : index
        %get3A_775 = tpu.vector_load %arg11[%get3A_773, %get3A_774] {strides = array<i32>} : memref<128x64xf32, #tpu.memory_space<vmem>>, vector<1x16xf32>,
        %get3A_776 = vector.shape_cast %get3A_775 : vector<1x16xf32> to vector<16xf32>
        %mul3A_777 = vector.broadcast %squeeze3A_725 : f32 to vector<16xf32>
        %mul3A_778 = arith.mulf %get3A_776, %mul3A_777 : vector<16xf32>
        %add3A_779 = arith.constant 10 : i32
        %add3A_780 = arith.addi %mul3A_106, %add3A_779 : i32
        %swap3A_781 = arith.index_cast %add3A_780 : i32 to index
        %swap3A_782 = arith.constant 48 : index
        %swap3A_783 = tpu.vector_load %arg11[%swap3A_781, %swap3A_782] {strides = array<i32>} : memref<128x64xf32, #tpu.memory_space<vmem>>, vector<1x16xf32>,
        %swap3A_784 = vector.shape_cast %swap3A_783 : vector<1x16xf32> to vector<16xf32>
        %swap3A_785 = vector.shape_cast %mul3A_778 : vector<16xf32> to vector<1x16xf32>
        tpu.vector_store %arg11[%swap3A_781, %swap3A_782], %swap3A_785 {strides = array<i32>} : memref<128x64xf32, #tpu.memory_space<vmem>>, vector<1x16xf32>,
        %slice3A_786 = vector.extract_strided_slice %get3A_104 {offsets = [11], sizes = [1], strides = [1]} : vector<16xf32> to vector<1xf32>
        %squeeze3A_787 = vector.extract %slice3A_786[0] : f32 from vector<1xf32>
        %add3A_788 = arith.constant 11 : i32
        %add3A_789 = arith.addi %mul3A_106, %add3A_788 : i32
        %get3A_790 = arith.index_cast %add3A_789 : i32 to index
        %get3A_791 = arith.constant 0 : index
        %get3A_792 = tpu.vector_load %arg11[%get3A_790, %get3A_791] {strides = array<i32>} : memref<128x64xf32, #tpu.memory_space<vmem>>, vector<1x16xf32>,
        %get3A_793 = vector.shape_cast %get3A_792 : vector<1x16xf32> to vector<16xf32>
        %mul3A_794 = vector.broadcast %squeeze3A_787 : f32 to vector<16xf32>
        %mul3A_795 = arith.mulf %get3A_793, %mul3A_794 : vector<16xf32>
        %add3A_796 = arith.constant 11 : i32
        %add3A_797 = arith.addi %mul3A_106, %add3A_796 : i32
        %swap3A_798 = arith.index_cast %add3A_797 : i32 to index
        %swap3A_799 = arith.constant 0 : index
        %swap3A_800 = tpu.vector_load %arg11[%swap3A_798, %swap3A_799] {strides = array<i32>} : memref<128x64xf32, #tpu.memory_space<vmem>>, vector<1x16xf32>,
        %swap3A_801 = vector.shape_cast %swap3A_800 : vector<1x16xf32> to vector<16xf32>
        %swap3A_802 = vector.shape_cast %mul3A_795 : vector<16xf32> to vector<1x16xf32>
        tpu.vector_store %arg11[%swap3A_798, %swap3A_799], %swap3A_802 {strides = array<i32>} : memref<128x64xf32, #tpu.memory_space<vmem>>, vector<1x16xf32>,
        %add3A_803 = arith.constant 11 : i32
        %add3A_804 = arith.addi %mul3A_106, %add3A_803 : i32
        %get3A_805 = arith.index_cast %add3A_804 : i32 to index
        %get3A_806 = arith.constant 16 : index
        %get3A_807 = tpu.vector_load %arg11[%get3A_805, %get3A_806] {strides = array<i32>} : memref<128x64xf32, #tpu.memory_space<vmem>>, vector<1x16xf32>,
        %get3A_808 = vector.shape_cast %get3A_807 : vector<1x16xf32> to vector<16xf32>
        %mul3A_809 = vector.broadcast %squeeze3A_787 : f32 to vector<16xf32>
        %mul3A_810 = arith.mulf %get3A_808, %mul3A_809 : vector<16xf32>
        %add3A_811 = arith.constant 11 : i32
        %add3A_812 = arith.addi %mul3A_106, %add3A_811 : i32
        %swap3A_813 = arith.index_cast %add3A_812 : i32 to index
        %swap3A_814 = arith.constant 16 : index
        %swap3A_815 = tpu.vector_load %arg11[%swap3A_813, %swap3A_814] {strides = array<i32>} : memref<128x64xf32, #tpu.memory_space<vmem>>, vector<1x16xf32>,
        %swap3A_816 = vector.shape_cast %swap3A_815 : vector<1x16xf32> to vector<16xf32>
        %swap3A_817 = vector.shape_cast %mul3A_810 : vector<16xf32> to vector<1x16xf32>
        tpu.vector_store %arg11[%swap3A_813, %swap3A_814], %swap3A_817 {strides = array<i32>} : memref<128x64xf32, #tpu.memory_space<vmem>>, vector<1x16xf32>,
        %add3A_818 = arith.constant 11 : i32
        %add3A_819 = arith.addi %mul3A_106, %add3A_818 : i32
        %get3A_820 = arith.index_cast %add3A_819 : i32 to index
        %get3A_821 = arith.constant 32 : index
        %get3A_822 = tpu.vector_load %arg11[%get3A_820, %get3A_821] {strides = array<i32>} : memref<128x64xf32, #tpu.memory_space<vmem>>, vector<1x16xf32>,
        %get3A_823 = vector.shape_cast %get3A_822 : vector<1x16xf32> to vector<16xf32>
        %mul3A_824 = vector.broadcast %squeeze3A_787 : f32 to vector<16xf32>
        %mul3A_825 = arith.mulf %get3A_823, %mul3A_824 : vector<16xf32>
        %add3A_826 = arith.constant 11 : i32
        %add3A_827 = arith.addi %mul3A_106, %add3A_826 : i32
        %swap3A_828 = arith.index_cast %add3A_827 : i32 to index
        %swap3A_829 = arith.constant 32 : index
        %swap3A_830 = tpu.vector_load %arg11[%swap3A_828, %swap3A_829] {strides = array<i32>} : memref<128x64xf32, #tpu.memory_space<vmem>>, vector<1x16xf32>,
        %swap3A_831 = vector.shape_cast %swap3A_830 : vector<1x16xf32> to vector<16xf32>
        %swap3A_832 = vector.shape_cast %mul3A_825 : vector<16xf32> to vector<1x16xf32>
        tpu.vector_store %arg11[%swap3A_828, %swap3A_829], %swap3A_832 {strides = array<i32>} : memref<128x64xf32, #tpu.memory_space<vmem>>, vector<1x16xf32>,
        %add3A_833 = arith.constant 11 : i32
        %add3A_834 = arith.addi %mul3A_106, %add3A_833 : i32
        %get3A_835 = arith.index_cast %add3A_834 : i32 to index
        %get3A_836 = arith.constant 48 : index
        %get3A_837 = tpu.vector_load %arg11[%get3A_835, %get3A_836] {strides = array<i32>} : memref<128x64xf32, #tpu.memory_space<vmem>>, vector<1x16xf32>,
        %get3A_838 = vector.shape_cast %get3A_837 : vector<1x16xf32> to vector<16xf32>
        %mul3A_839 = vector.broadcast %squeeze3A_787 : f32 to vector<16xf32>
        %mul3A_840 = arith.mulf %get3A_838, %mul3A_839 : vector<16xf32>
        %add3A_841 = arith.constant 11 : i32
        %add3A_842 = arith.addi %mul3A_106, %add3A_841 : i32
        %swap3A_843 = arith.index_cast %add3A_842 : i32 to index
        %swap3A_844 = arith.constant 48 : index
        %swap3A_845 = tpu.vector_load %arg11[%swap3A_843, %swap3A_844] {strides = array<i32>} : memref<128x64xf32, #tpu.memory_space<vmem>>, vector<1x16xf32>,
        %swap3A_846 = vector.shape_cast %swap3A_845 : vector<1x16xf32> to vector<16xf32>
        %swap3A_847 = vector.shape_cast %mul3A_840 : vector<16xf32> to vector<1x16xf32>
        tpu.vector_store %arg11[%swap3A_843, %swap3A_844], %swap3A_847 {strides = array<i32>} : memref<128x64xf32, #tpu.memory_space<vmem>>, vector<1x16xf32>,
        %slice3A_848 = vector.extract_strided_slice %get3A_104 {offsets = [12], sizes = [1], strides = [1]} : vector<16xf32> to vector<1xf32>
        %squeeze3A_849 = vector.extract %slice3A_848[0] : f32 from vector<1xf32>
        %add3A_850 = arith.constant 12 : i32
        %add3A_851 = arith.addi %mul3A_106, %add3A_850 : i32
        %get3A_852 = arith.index_cast %add3A_851 : i32 to index
        %get3A_853 = arith.constant 0 : index
        %get3A_854 = tpu.vector_load %arg11[%get3A_852, %get3A_853] {strides = array<i32>} : memref<128x64xf32, #tpu.memory_space<vmem>>, vector<1x16xf32>,
        %get3A_855 = vector.shape_cast %get3A_854 : vector<1x16xf32> to vector<16xf32>
        %mul3A_856 = vector.broadcast %squeeze3A_849 : f32 to vector<16xf32>
        %mul3A_857 = arith.mulf %get3A_855, %mul3A_856 : vector<16xf32>
        %add3A_858 = arith.constant 12 : i32
        %add3A_859 = arith.addi %mul3A_106, %add3A_858 : i32
        %swap3A_860 = arith.index_cast %add3A_859 : i32 to index
        %swap3A_861 = arith.constant 0 : index
        %swap3A_862 = tpu.vector_load %arg11[%swap3A_860, %swap3A_861] {strides = array<i32>} : memref<128x64xf32, #tpu.memory_space<vmem>>, vector<1x16xf32>,
        %swap3A_863 = vector.shape_cast %swap3A_862 : vector<1x16xf32> to vector<16xf32>
        %swap3A_864 = vector.shape_cast %mul3A_857 : vector<16xf32> to vector<1x16xf32>
        tpu.vector_store %arg11[%swap3A_860, %swap3A_861], %swap3A_864 {strides = array<i32>} : memref<128x64xf32, #tpu.memory_space<vmem>>, vector<1x16xf32>,
        %add3A_865 = arith.constant 12 : i32
        %add3A_866 = arith.addi %mul3A_106, %add3A_865 : i32
        %get3A_867 = arith.index_cast %add3A_866 : i32 to index
        %get3A_868 = arith.constant 16 : index
        %get3A_869 = tpu.vector_load %arg11[%get3A_867, %get3A_868] {strides = array<i32>} : memref<128x64xf32, #tpu.memory_space<vmem>>, vector<1x16xf32>,
        %get3A_870 = vector.shape_cast %get3A_869 : vector<1x16xf32> to vector<16xf32>
        %mul3A_871 = vector.broadcast %squeeze3A_849 : f32 to vector<16xf32>
        %mul3A_872 = arith.mulf %get3A_870, %mul3A_871 : vector<16xf32>
        %add3A_873 = arith.constant 12 : i32
        %add3A_874 = arith.addi %mul3A_106, %add3A_873 : i32
        %swap3A_875 = arith.index_cast %add3A_874 : i32 to index
        %swap3A_876 = arith.constant 16 : index
        %swap3A_877 = tpu.vector_load %arg11[%swap3A_875, %swap3A_876] {strides = array<i32>} : memref<128x64xf32, #tpu.memory_space<vmem>>, vector<1x16xf32>,
        %swap3A_878 = vector.shape_cast %swap3A_877 : vector<1x16xf32> to vector<16xf32>
        %swap3A_879 = vector.shape_cast %mul3A_872 : vector<16xf32> to vector<1x16xf32>
        tpu.vector_store %arg11[%swap3A_875, %swap3A_876], %swap3A_879 {strides = array<i32>} : memref<128x64xf32, #tpu.memory_space<vmem>>, vector<1x16xf32>,
        %add3A_880 = arith.constant 12 : i32
        %add3A_881 = arith.addi %mul3A_106, %add3A_880 : i32
        %get3A_882 = arith.index_cast %add3A_881 : i32 to index
        %get3A_883 = arith.constant 32 : index
        %get3A_884 = tpu.vector_load %arg11[%get3A_882, %get3A_883] {strides = array<i32>} : memref<128x64xf32, #tpu.memory_space<vmem>>, vector<1x16xf32>,
        %get3A_885 = vector.shape_cast %get3A_884 : vector<1x16xf32> to vector<16xf32>
        %mul3A_886 = vector.broadcast %squeeze3A_849 : f32 to vector<16xf32>
        %mul3A_887 = arith.mulf %get3A_885, %mul3A_886 : vector<16xf32>
        %add3A_888 = arith.constant 12 : i32
        %add3A_889 = arith.addi %mul3A_106, %add3A_888 : i32
        %swap3A_890 = arith.index_cast %add3A_889 : i32 to index
        %swap3A_891 = arith.constant 32 : index
        %swap3A_892 = tpu.vector_load %arg11[%swap3A_890, %swap3A_891] {strides = array<i32>} : memref<128x64xf32, #tpu.memory_space<vmem>>, vector<1x16xf32>,
        %swap3A_893 = vector.shape_cast %swap3A_892 : vector<1x16xf32> to vector<16xf32>
        %swap3A_894 = vector.shape_cast %mul3A_887 : vector<16xf32> to vector<1x16xf32>
        tpu.vector_store %arg11[%swap3A_890, %swap3A_891], %swap3A_894 {strides = array<i32>} : memref<128x64xf32, #tpu.memory_space<vmem>>, vector<1x16xf32>,
        %add3A_895 = arith.constant 12 : i32
        %add3A_896 = arith.addi %mul3A_106, %add3A_895 : i32
        %get3A_897 = arith.index_cast %add3A_896 : i32 to index
        %get3A_898 = arith.constant 48 : index
        %get3A_899 = tpu.vector_load %arg11[%get3A_897, %get3A_898] {strides = array<i32>} : memref<128x64xf32, #tpu.memory_space<vmem>>, vector<1x16xf32>,
        %get3A_900 = vector.shape_cast %get3A_899 : vector<1x16xf32> to vector<16xf32>
        %mul3A_901 = vector.broadcast %squeeze3A_849 : f32 to vector<16xf32>
        %mul3A_902 = arith.mulf %get3A_900, %mul3A_901 : vector<16xf32>
        %add3A_903 = arith.constant 12 : i32
        %add3A_904 = arith.addi %mul3A_106, %add3A_903 : i32
        %swap3A_905 = arith.index_cast %add3A_904 : i32 to index
        %swap3A_906 = arith.constant 48 : index
        %swap3A_907 = tpu.vector_load %arg11[%swap3A_905, %swap3A_906] {strides = array<i32>} : memref<128x64xf32, #tpu.memory_space<vmem>>, vector<1x16xf32>,
        %swap3A_908 = vector.shape_cast %swap3A_907 : vector<1x16xf32> to vector<16xf32>
        %swap3A_909 = vector.shape_cast %mul3A_902 : vector<16xf32> to vector<1x16xf32>
        tpu.vector_store %arg11[%swap3A_905, %swap3A_906], %swap3A_909 {strides = array<i32>} : memref<128x64xf32, #tpu.memory_space<vmem>>, vector<1x16xf32>,
        %slice3A_910 = vector.extract_strided_slice %get3A_104 {offsets = [13], sizes = [1], strides = [1]} : vector<16xf32> to vector<1xf32>
        %squeeze3A_911 = vector.extract %slice3A_910[0] : f32 from vector<1xf32>
        %add3A_912 = arith.constant 13 : i32
        %add3A_913 = arith.addi %mul3A_106, %add3A_912 : i32
        %get3A_914 = arith.index_cast %add3A_913 : i32 to index
        %get3A_915 = arith.constant 0 : index
        %get3A_916 = tpu.vector_load %arg11[%get3A_914, %get3A_915] {strides = array<i32>} : memref<128x64xf32, #tpu.memory_space<vmem>>, vector<1x16xf32>,
        %get3A_917 = vector.shape_cast %get3A_916 : vector<1x16xf32> to vector<16xf32>
        %mul3A_918 = vector.broadcast %squeeze3A_911 : f32 to vector<16xf32>
        %mul3A_919 = arith.mulf %get3A_917, %mul3A_918 : vector<16xf32>
        %add3A_920 = arith.constant 13 : i32
        %add3A_921 = arith.addi %mul3A_106, %add3A_920 : i32
        %swap3A_922 = arith.index_cast %add3A_921 : i32 to index
        %swap3A_923 = arith.constant 0 : index
        %swap3A_924 = tpu.vector_load %arg11[%swap3A_922, %swap3A_923] {strides = array<i32>} : memref<128x64xf32, #tpu.memory_space<vmem>>, vector<1x16xf32>,
        %swap3A_925 = vector.shape_cast %swap3A_924 : vector<1x16xf32> to vector<16xf32>
        %swap3A_926 = vector.shape_cast %mul3A_919 : vector<16xf32> to vector<1x16xf32>
        tpu.vector_store %arg11[%swap3A_922, %swap3A_923], %swap3A_926 {strides = array<i32>} : memref<128x64xf32, #tpu.memory_space<vmem>>, vector<1x16xf32>,
        %add3A_927 = arith.constant 13 : i32
        %add3A_928 = arith.addi %mul3A_106, %add3A_927 : i32
        %get3A_929 = arith.index_cast %add3A_928 : i32 to index
        %get3A_930 = arith.constant 16 : index
        %get3A_931 = tpu.vector_load %arg11[%get3A_929, %get3A_930] {strides = array<i32>} : memref<128x64xf32, #tpu.memory_space<vmem>>, vector<1x16xf32>,
        %get3A_932 = vector.shape_cast %get3A_931 : vector<1x16xf32> to vector<16xf32>
        %mul3A_933 = vector.broadcast %squeeze3A_911 : f32 to vector<16xf32>
        %mul3A_934 = arith.mulf %get3A_932, %mul3A_933 : vector<16xf32>
        %add3A_935 = arith.constant 13 : i32
        %add3A_936 = arith.addi %mul3A_106, %add3A_935 : i32
        %swap3A_937 = arith.index_cast %add3A_936 : i32 to index
        %swap3A_938 = arith.constant 16 : index
        %swap3A_939 = tpu.vector_load %arg11[%swap3A_937, %swap3A_938] {strides = array<i32>} : memref<128x64xf32, #tpu.memory_space<vmem>>, vector<1x16xf32>,
        %swap3A_940 = vector.shape_cast %swap3A_939 : vector<1x16xf32> to vector<16xf32>
        %swap3A_941 = vector.shape_cast %mul3A_934 : vector<16xf32> to vector<1x16xf32>
        tpu.vector_store %arg11[%swap3A_937, %swap3A_938], %swap3A_941 {strides = array<i32>} : memref<128x64xf32, #tpu.memory_space<vmem>>, vector<1x16xf32>,
        %add3A_942 = arith.constant 13 : i32
        %add3A_943 = arith.addi %mul3A_106, %add3A_942 : i32
        %get3A_944 = arith.index_cast %add3A_943 : i32 to index
        %get3A_945 = arith.constant 32 : index
        %get3A_946 = tpu.vector_load %arg11[%get3A_944, %get3A_945] {strides = array<i32>} : memref<128x64xf32, #tpu.memory_space<vmem>>, vector<1x16xf32>,
        %get3A_947 = vector.shape_cast %get3A_946 : vector<1x16xf32> to vector<16xf32>
        %mul3A_948 = vector.broadcast %squeeze3A_911 : f32 to vector<16xf32>
        %mul3A_949 = arith.mulf %get3A_947, %mul3A_948 : vector<16xf32>
        %add3A_950 = arith.constant 13 : i32
        %add3A_951 = arith.addi %mul3A_106, %add3A_950 : i32
        %swap3A_952 = arith.index_cast %add3A_951 : i32 to index
        %swap3A_953 = arith.constant 32 : index
        %swap3A_954 = tpu.vector_load %arg11[%swap3A_952, %swap3A_953] {strides = array<i32>} : memref<128x64xf32, #tpu.memory_space<vmem>>, vector<1x16xf32>,
        %swap3A_955 = vector.shape_cast %swap3A_954 : vector<1x16xf32> to vector<16xf32>
        %swap3A_956 = vector.shape_cast %mul3A_949 : vector<16xf32> to vector<1x16xf32>
        tpu.vector_store %arg11[%swap3A_952, %swap3A_953], %swap3A_956 {strides = array<i32>} : memref<128x64xf32, #tpu.memory_space<vmem>>, vector<1x16xf32>,
        %add3A_957 = arith.constant 13 : i32
        %add3A_958 = arith.addi %mul3A_106, %add3A_957 : i32
        %get3A_959 = arith.index_cast %add3A_958 : i32 to index
        %get3A_960 = arith.constant 48 : index
        %get3A_961 = tpu.vector_load %arg11[%get3A_959, %get3A_960] {strides = array<i32>} : memref<128x64xf32, #tpu.memory_space<vmem>>, vector<1x16xf32>,
        %get3A_962 = vector.shape_cast %get3A_961 : vector<1x16xf32> to vector<16xf32>
        %mul3A_963 = vector.broadcast %squeeze3A_911 : f32 to vector<16xf32>
        %mul3A_964 = arith.mulf %get3A_962, %mul3A_963 : vector<16xf32>
        %add3A_965 = arith.constant 13 : i32
        %add3A_966 = arith.addi %mul3A_106, %add3A_965 : i32
        %swap3A_967 = arith.index_cast %add3A_966 : i32 to index
        %swap3A_968 = arith.constant 48 : index
        %swap3A_969 = tpu.vector_load %arg11[%swap3A_967, %swap3A_968] {strides = array<i32>} : memref<128x64xf32, #tpu.memory_space<vmem>>, vector<1x16xf32>,
        %swap3A_970 = vector.shape_cast %swap3A_969 : vector<1x16xf32> to vector<16xf32>
        %swap3A_971 = vector.shape_cast %mul3A_964 : vector<16xf32> to vector<1x16xf32>
        tpu.vector_store %arg11[%swap3A_967, %swap3A_968], %swap3A_971 {strides = array<i32>} : memref<128x64xf32, #tpu.memory_space<vmem>>, vector<1x16xf32>,
        %slice3A_972 = vector.extract_strided_slice %get3A_104 {offsets = [14], sizes = [1], strides = [1]} : vector<16xf32> to vector<1xf32>
        %squeeze3A_973 = vector.extract %slice3A_972[0] : f32 from vector<1xf32>
        %add3A_974 = arith.constant 14 : i32
        %add3A_975 = arith.addi %mul3A_106, %add3A_974 : i32
        %get3A_976 = arith.index_cast %add3A_975 : i32 to index
        %get3A_977 = arith.constant 0 : index
        %get3A_978 = tpu.vector_load %arg11[%get3A_976, %get3A_977] {strides = array<i32>} : memref<128x64xf32, #tpu.memory_space<vmem>>, vector<1x16xf32>,
        %get3A_979 = vector.shape_cast %get3A_978 : vector<1x16xf32> to vector<16xf32>
        %mul3A_980 = vector.broadcast %squeeze3A_973 : f32 to vector<16xf32>
        %mul3A_981 = arith.mulf %get3A_979, %mul3A_980 : vector<16xf32>
        %add3A_982 = arith.constant 14 : i32
        %add3A_983 = arith.addi %mul3A_106, %add3A_982 : i32
        %swap3A_984 = arith.index_cast %add3A_983 : i32 to index
        %swap3A_985 = arith.constant 0 : index
        %swap3A_986 = tpu.vector_load %arg11[%swap3A_984, %swap3A_985] {strides = array<i32>} : memref<128x64xf32, #tpu.memory_space<vmem>>, vector<1x16xf32>,
        %swap3A_987 = vector.shape_cast %swap3A_986 : vector<1x16xf32> to vector<16xf32>
        %swap3A_988 = vector.shape_cast %mul3A_981 : vector<16xf32> to vector<1x16xf32>
        tpu.vector_store %arg11[%swap3A_984, %swap3A_985], %swap3A_988 {strides = array<i32>} : memref<128x64xf32, #tpu.memory_space<vmem>>, vector<1x16xf32>,
        %add3A_989 = arith.constant 14 : i32
        %add3A_990 = arith.addi %mul3A_106, %add3A_989 : i32
        %get3A_991 = arith.index_cast %add3A_990 : i32 to index
        %get3A_992 = arith.constant 16 : index
        %get3A_993 = tpu.vector_load %arg11[%get3A_991, %get3A_992] {strides = array<i32>} : memref<128x64xf32, #tpu.memory_space<vmem>>, vector<1x16xf32>,
        %get3A_994 = vector.shape_cast %get3A_993 : vector<1x16xf32> to vector<16xf32>
        %mul3A_995 = vector.broadcast %squeeze3A_973 : f32 to vector<16xf32>
        %mul3A_996 = arith.mulf %get3A_994, %mul3A_995 : vector<16xf32>
        %add3A_997 = arith.constant 14 : i32
        %add3A_998 = arith.addi %mul3A_106, %add3A_997 : i32
        %swap3A_999 = arith.index_cast %add3A_998 : i32 to index
        %swap3A_1000 = arith.constant 16 : index
        %swap3A_1001 = tpu.vector_load %arg11[%swap3A_999, %swap3A_1000] {strides = array<i32>} : memref<128x64xf32, #tpu.memory_space<vmem>>, vector<1x16xf32>,
        %swap3A_1002 = vector.shape_cast %swap3A_1001 : vector<1x16xf32> to vector<16xf32>
        %swap3A_1003 = vector.shape_cast %mul3A_996 : vector<16xf32> to vector<1x16xf32>
        tpu.vector_store %arg11[%swap3A_999, %swap3A_1000], %swap3A_1003 {strides = array<i32>} : memref<128x64xf32, #tpu.memory_space<vmem>>, vector<1x16xf32>,
        %add3A_1004 = arith.constant 14 : i32
        %add3A_1005 = arith.addi %mul3A_106, %add3A_1004 : i32
        %get3A_1006 = arith.index_cast %add3A_1005 : i32 to index
        %get3A_1007 = arith.constant 32 : index
        %get3A_1008 = tpu.vector_load %arg11[%get3A_1006, %get3A_1007] {strides = array<i32>} : memref<128x64xf32, #tpu.memory_space<vmem>>, vector<1x16xf32>,
        %get3A_1009 = vector.shape_cast %get3A_1008 : vector<1x16xf32> to vector<16xf32>
        %mul3A_1010 = vector.broadcast %squeeze3A_973 : f32 to vector<16xf32>
        %mul3A_1011 = arith.mulf %get3A_1009, %mul3A_1010 : vector<16xf32>
        %add3A_1012 = arith.constant 14 : i32
        %add3A_1013 = arith.addi %mul3A_106, %add3A_1012 : i32
        %swap3A_1014 = arith.index_cast %add3A_1013 : i32 to index
        %swap3A_1015 = arith.constant 32 : index
        %swap3A_1016 = tpu.vector_load %arg11[%swap3A_1014, %swap3A_1015] {strides = array<i32>} : memref<128x64xf32, #tpu.memory_space<vmem>>, vector<1x16xf32>,
        %swap3A_1017 = vector.shape_cast %swap3A_1016 : vector<1x16xf32> to vector<16xf32>
        %swap3A_1018 = vector.shape_cast %mul3A_1011 : vector<16xf32> to vector<1x16xf32>
        tpu.vector_store %arg11[%swap3A_1014, %swap3A_1015], %swap3A_1018 {strides = array<i32>} : memref<128x64xf32, #tpu.memory_space<vmem>>, vector<1x16xf32>,
        %add3A_1019 = arith.constant 14 : i32
        %add3A_1020 = arith.addi %mul3A_106, %add3A_1019 : i32
        %get3A_1021 = arith.index_cast %add3A_1020 : i32 to index
        %get3A_1022 = arith.constant 48 : index
        %get3A_1023 = tpu.vector_load %arg11[%get3A_1021, %get3A_1022] {strides = array<i32>} : memref<128x64xf32, #tpu.memory_space<vmem>>, vector<1x16xf32>,
        %get3A_1024 = vector.shape_cast %get3A_1023 : vector<1x16xf32> to vector<16xf32>
        %mul3A_1025 = vector.broadcast %squeeze3A_973 : f32 to vector<16xf32>
        %mul3A_1026 = arith.mulf %get3A_1024, %mul3A_1025 : vector<16xf32>
        %add3A_1027 = arith.constant 14 : i32
        %add3A_1028 = arith.addi %mul3A_106, %add3A_1027 : i32
        %swap3A_1029 = arith.index_cast %add3A_1028 : i32 to index
        %swap3A_1030 = arith.constant 48 : index
        %swap3A_1031 = tpu.vector_load %arg11[%swap3A_1029, %swap3A_1030] {strides = array<i32>} : memref<128x64xf32, #tpu.memory_space<vmem>>, vector<1x16xf32>,
        %swap3A_1032 = vector.shape_cast %swap3A_1031 : vector<1x16xf32> to vector<16xf32>
        %swap3A_1033 = vector.shape_cast %mul3A_1026 : vector<16xf32> to vector<1x16xf32>
        tpu.vector_store %arg11[%swap3A_1029, %swap3A_1030], %swap3A_1033 {strides = array<i32>} : memref<128x64xf32, #tpu.memory_space<vmem>>, vector<1x16xf32>,
        %slice3A_1034 = vector.extract_strided_slice %get3A_104 {offsets = [15], sizes = [1], strides = [1]} : vector<16xf32> to vector<1xf32>
        %squeeze3A_1035 = vector.extract %slice3A_1034[0] : f32 from vector<1xf32>
        %add3A_1036 = arith.constant 15 : i32
        %add3A_1037 = arith.addi %mul3A_106, %add3A_1036 : i32
        %get3A_1038 = arith.index_cast %add3A_1037 : i32 to index
        %get3A_1039 = arith.constant 0 : index
        %get3A_1040 = tpu.vector_load %arg11[%get3A_1038, %get3A_1039] {strides = array<i32>} : memref<128x64xf32, #tpu.memory_space<vmem>>, vector<1x16xf32>,
        %get3A_1041 = vector.shape_cast %get3A_1040 : vector<1x16xf32> to vector<16xf32>
        %mul3A_1042 = vector.broadcast %squeeze3A_1035 : f32 to vector<16xf32>
        %mul3A_1043 = arith.mulf %get3A_1041, %mul3A_1042 : vector<16xf32>
        %add3A_1044 = arith.constant 15 : i32
        %add3A_1045 = arith.addi %mul3A_106, %add3A_1044 : i32
        %swap3A_1046 = arith.index_cast %add3A_1045 : i32 to index
        %swap3A_1047 = arith.constant 0 : index
        %swap3A_1048 = tpu.vector_load %arg11[%swap3A_1046, %swap3A_1047] {strides = array<i32>} : memref<128x64xf32, #tpu.memory_space<vmem>>, vector<1x16xf32>,
        %swap3A_1049 = vector.shape_cast %swap3A_1048 : vector<1x16xf32> to vector<16xf32>
        %swap3A_1050 = vector.shape_cast %mul3A_1043 : vector<16xf32> to vector<1x16xf32>
        tpu.vector_store %arg11[%swap3A_1046, %swap3A_1047], %swap3A_1050 {strides = array<i32>} : memref<128x64xf32, #tpu.memory_space<vmem>>, vector<1x16xf32>,
        %add3A_1051 = arith.constant 15 : i32
        %add3A_1052 = arith.addi %mul3A_106, %add3A_1051 : i32
        %get3A_1053 = arith.index_cast %add3A_1052 : i32 to index
        %get3A_1054 = arith.constant 16 : index
        %get3A_1055 = tpu.vector_load %arg11[%get3A_1053, %get3A_1054] {strides = array<i32>} : memref<128x64xf32, #tpu.memory_space<vmem>>, vector<1x16xf32>,
        %get3A_1056 = vector.shape_cast %get3A_1055 : vector<1x16xf32> to vector<16xf32>
        %mul3A_1057 = vector.broadcast %squeeze3A_1035 : f32 to vector<16xf32>
        %mul3A_1058 = arith.mulf %get3A_1056, %mul3A_1057 : vector<16xf32>
        %add3A_1059 = arith.constant 15 : i32
        %add3A_1060 = arith.addi %mul3A_106, %add3A_1059 : i32
        %swap3A_1061 = arith.index_cast %add3A_1060 : i32 to index
        %swap3A_1062 = arith.constant 16 : index
        %swap3A_1063 = tpu.vector_load %arg11[%swap3A_1061, %swap3A_1062] {strides = array<i32>} : memref<128x64xf32, #tpu.memory_space<vmem>>, vector<1x16xf32>,
        %swap3A_1064 = vector.shape_cast %swap3A_1063 : vector<1x16xf32> to vector<16xf32>
        %swap3A_1065 = vector.shape_cast %mul3A_1058 : vector<16xf32> to vector<1x16xf32>
        tpu.vector_store %arg11[%swap3A_1061, %swap3A_1062], %swap3A_1065 {strides = array<i32>} : memref<128x64xf32, #tpu.memory_space<vmem>>, vector<1x16xf32>,
        %add3A_1066 = arith.constant 15 : i32
        %add3A_1067 = arith.addi %mul3A_106, %add3A_1066 : i32
        %get3A_1068 = arith.index_cast %add3A_1067 : i32 to index
        %get3A_1069 = arith.constant 32 : index
        %get3A_1070 = tpu.vector_load %arg11[%get3A_1068, %get3A_1069] {strides = array<i32>} : memref<128x64xf32, #tpu.memory_space<vmem>>, vector<1x16xf32>,
        %get3A_1071 = vector.shape_cast %get3A_1070 : vector<1x16xf32> to vector<16xf32>
        %mul3A_1072 = vector.broadcast %squeeze3A_1035 : f32 to vector<16xf32>
        %mul3A_1073 = arith.mulf %get3A_1071, %mul3A_1072 : vector<16xf32>
        %add3A_1074 = arith.constant 15 : i32
        %add3A_1075 = arith.addi %mul3A_106, %add3A_1074 : i32
        %swap3A_1076 = arith.index_cast %add3A_1075 : i32 to index
        %swap3A_1077 = arith.constant 32 : index
        %swap3A_1078 = tpu.vector_load %arg11[%swap3A_1076, %swap3A_1077] {strides = array<i32>} : memref<128x64xf32, #tpu.memory_space<vmem>>, vector<1x16xf32>,
        %swap3A_1079 = vector.shape_cast %swap3A_1078 : vector<1x16xf32> to vector<16xf32>
        %swap3A_1080 = vector.shape_cast %mul3A_1073 : vector<16xf32> to vector<1x16xf32>
        tpu.vector_store %arg11[%swap3A_1076, %swap3A_1077], %swap3A_1080 {strides = array<i32>} : memref<128x64xf32, #tpu.memory_space<vmem>>, vector<1x16xf32>,
        %add3A_1081 = arith.constant 15 : i32
        %add3A_1082 = arith.addi %mul3A_106, %add3A_1081 : i32
        %get3A_1083 = arith.index_cast %add3A_1082 : i32 to index
        %get3A_1084 = arith.constant 48 : index
        %get3A_1085 = tpu.vector_load %arg11[%get3A_1083, %get3A_1084] {strides = array<i32>} : memref<128x64xf32, #tpu.memory_space<vmem>>, vector<1x16xf32>,
        %get3A_1086 = vector.shape_cast %get3A_1085 : vector<1x16xf32> to vector<16xf32>
        %mul3A_1087 = vector.broadcast %squeeze3A_1035 : f32 to vector<16xf32>
        %mul3A_1088 = arith.mulf %get3A_1086, %mul3A_1087 : vector<16xf32>
        %add3A_1089 = arith.constant 15 : i32
        %add3A_1090 = arith.addi %mul3A_106, %add3A_1089 : i32
        %swap3A_1091 = arith.index_cast %add3A_1090 : i32 to index
        %swap3A_1092 = arith.constant 48 : index
        %swap3A_1093 = tpu.vector_load %arg11[%swap3A_1091, %swap3A_1092] {strides = array<i32>} : memref<128x64xf32, #tpu.memory_space<vmem>>, vector<1x16xf32>,
        %swap3A_1094 = vector.shape_cast %swap3A_1093 : vector<1x16xf32> to vector<16xf32>
        %swap3A_1095 = vector.shape_cast %mul3A_1088 : vector<16xf32> to vector<1x16xf32>
        tpu.vector_store %arg11[%swap3A_1091, %swap3A_1092], %swap3A_1095 {strides = array<i32>} : memref<128x64xf32, #tpu.memory_space<vmem>>, vector<1x16xf32>,
        %scan3A_1096 = arith.constant 0 : i32
        scf.yield %scan3A_1096 : i32
      }
      %scan3A_96 = arith.constant 8 : i32
      "tpu.region"() ({
        %run_scoped3A_98 = tpu.sem_alloc : memref<!tpu.dma_semaphore, #tpu.memory_space<semaphore_mem>>
        %dma_start3A_99 = arith.constant 0 : i32
        %dma_start3A_100 = tpu.memref_slice %arg8[%scan3A_78, %dma_start3A_99] : memref<80x128xi32, #tpu.memory_space<vmem>> -> memref<1x128xi32, #tpu.memory_space<vmem>>
        %dma_start3A_101 = tpu.memref_squeeze %dma_start3A_100 : memref<1x128xi32, #tpu.memory_space<vmem>> -> memref<128xi32, #tpu.memory_space<vmem>>
        %dma_start3A_102 = arith.constant 0 : i32
        %dma_start3A_103 = arith.constant 0 : i32
        %dma_start3A_104 = tpu.memref_slice %arg13[%dma_start3A_102, %dma_start3A_103] : memref<10240x64xf32, #tpu.memory_space<vmem_shared>> -> memref<10240x64xf32, #tpu.memory_space<vmem_shared>>
        tpu.enqueue_indirect_dma source(%arg11 : memref<128x64xf32, #tpu.memory_space<vmem>>) target(%dma_start3A_104 : memref<10240x64xf32, #tpu.memory_space<vmem_shared>>) offsets(%dma_start3A_101 : memref<128xi32, #tpu.memory_space<vmem>>) semaphore(%run_scoped3A_98 : memref<!tpu.dma_semaphore, #tpu.memory_space<semaphore_mem>>) {add = true}
        %dma_wait3A_105 = arith.constant 0 : i32
        %dma_wait3A_106 = tpu.memref_slice %arg8[%scan3A_78, %dma_wait3A_105] : memref<80x128xi32, #tpu.memory_space<vmem>> -> memref<1x128xi32, #tpu.memory_space<vmem>>
        %dma_wait3A_107 = tpu.memref_squeeze %dma_wait3A_106 : memref<1x128xi32, #tpu.memory_space<vmem>> -> memref<128xi32, #tpu.memory_space<vmem>>
        %dma_wait3A_108 = arith.constant 0 : i32
        %dma_wait3A_109 = arith.constant 0 : i32
        %dma_wait3A_110 = tpu.memref_slice %arg13[%dma_wait3A_108, %dma_wait3A_109] : memref<10240x64xf32, #tpu.memory_space<vmem_shared>> -> memref<10240x64xf32, #tpu.memory_space<vmem_shared>>
        tpu.wait_indirect_dma semaphore(%run_scoped3A_98 : memref<!tpu.dma_semaphore, #tpu.memory_space<semaphore_mem>>) src(%arg11 : memref<128x64xf32, #tpu.memory_space<vmem>>) dst(%dma_wait3A_110 : memref<10240x64xf32, #tpu.memory_space<vmem_shared>>)
        tpu.yield
      }) : () -> ()
      %scan3A_97 = arith.constant 0 : i32
      scf.yield %scan3A_97 : i32
    }
    %scan3A_70 = arith.constant 80 : i32
    %barrier3A_71 = arith.constant 0 : index
    tpu.barrier barrier_id(%barrier3A_71)
    %mul3A_72 = arith.constant 640 : i32
    %mul3A_73 = arith.muli %arg1, %mul3A_72 : i32
    %mul3A_74 = arith.constant 640 : i32
    %mul3A_75 = arith.muli %arg1, %mul3A_74 : i32
    %run_scoped3A_76 = arith.constant 1 : i32
    "tpu.region"() ({
      %run_scoped3A_78 = tpu.sem_alloc : memref<!tpu.dma_semaphore, #tpu.memory_space<semaphore_mem>>
      %dma_start3A = arith.constant 0 : i32
      %dma_start3A_79 = tpu.memref_slice %arg7[%arg0, %run_scoped3A_76, %mul3A_75, %dma_start3A] : memref<2x2x10240x64xf32, #tpu.memory_space<hbm>> -> memref<1x1x640x64xf32, #tpu.memory_space<hbm>>
      %dma_start3A_80 = tpu.memref_squeeze %dma_start3A_79 : memref<1x1x640x64xf32, #tpu.memory_space<hbm>> -> memref<640x64xf32, #tpu.memory_space<hbm>>
      %dma_start3A_81 = arith.constant 0 : i32
      %dma_start3A_82 = tpu.memref_slice %arg13[%mul3A_73, %dma_start3A_81] : memref<10240x64xf32, #tpu.memory_space<vmem_shared>> -> memref<640x64xf32, #tpu.memory_space<vmem_shared>>
      tpu.enqueue_dma source(%dma_start3A_82 : memref<640x64xf32, #tpu.memory_space<vmem_shared>>) target(%dma_start3A_80 : memref<640x64xf32, #tpu.memory_space<hbm>>) target_semaphore(%run_scoped3A_78 : memref<!tpu.dma_semaphore, #tpu.memory_space<semaphore_mem>>)
      %dma_wait3A = arith.constant 0 : i32
      %dma_wait3A_83 = tpu.memref_slice %arg7[%arg0, %run_scoped3A_76, %mul3A_75, %dma_wait3A] : memref<2x2x10240x64xf32, #tpu.memory_space<hbm>> -> memref<1x1x640x64xf32, #tpu.memory_space<hbm>>
      %dma_wait3A_84 = tpu.memref_squeeze %dma_wait3A_83 : memref<1x1x640x64xf32, #tpu.memory_space<hbm>> -> memref<640x64xf32, #tpu.memory_space<hbm>>
      %dma_wait3A_85 = arith.constant 0 : i32
      %dma_wait3A_86 = tpu.memref_slice %arg13[%mul3A_73, %dma_wait3A_85] : memref<10240x64xf32, #tpu.memory_space<vmem_shared>> -> memref<640x64xf32, #tpu.memory_space<vmem_shared>>
      tpu.wait_dma2 semaphore(%run_scoped3A_78 : memref<!tpu.dma_semaphore, #tpu.memory_space<semaphore_mem>>) src(%dma_wait3A_86 : memref<640x64xf32, #tpu.memory_space<vmem_shared>>) dst(%dma_wait3A_84 : memref<640x64xf32, #tpu.memory_space<hbm>>)
      tpu.yield
    }) : () -> ()
    %barrier3A_77 = arith.constant 0 : index
    tpu.barrier barrier_id(%barrier3A_77)
    return
  }
}

module attributes {stable_mosaic.version = 14 : i64} {
  func.func @_combine_body(%arg0: i32, %arg1: memref<2x2x1000x64xf32, #tpu.memory_space<vmem>>, %arg2: memref<1000x128xf32, #tpu.memory_space<vmem>>) attributes {dimension_semantics = [#tpu.dimension_semantics<arbitrary>], iteration_bounds = array<i64: 10>, scalar_prefetch = 0 : i64, scratch_operands = 0 : i64, tpu.core_type = #tpu.core_type<tc>, window_params = [{transform_indices = @transform_0, window_bounds = array<i64: 2, 2, 1000, 64>}, {transform_indices = @transform_1, window_bounds = array<i64: 1000, 128>}]} {
    %get3A = arith.constant 0 : index
    %get3A_0 = arith.constant 0 : index
    %get3A_1 = arith.constant 0 : index
    %get3A_2 = arith.constant 0 : index
    %get3A_3 = vector.load %arg1[%get3A, %get3A_0, %get3A_1, %get3A_2] : memref<2x2x1000x64xf32, #tpu.memory_space<vmem>>, vector<1x1x1000x64xf32>
    %get3A_4 = vector.shape_cast %get3A_3 : vector<1x1x1000x64xf32> to vector<1000x64xf32>
    %get3A_5 = arith.constant 1 : index
    %get3A_6 = arith.constant 0 : index
    %get3A_7 = arith.constant 0 : index
    %get3A_8 = arith.constant 0 : index
    %get3A_9 = vector.load %arg1[%get3A_5, %get3A_6, %get3A_7, %get3A_8] : memref<2x2x1000x64xf32, #tpu.memory_space<vmem>>, vector<1x1x1000x64xf32>
    %get3A_10 = vector.shape_cast %get3A_9 : vector<1x1x1000x64xf32> to vector<1000x64xf32>
    %add3A = arith.addf %get3A_4, %get3A_10 : vector<1000x64xf32>
    %swap3A = arith.constant 0 : index
    %swap3A_11 = arith.constant 0 : index
    %swap3A_12 = vector.load %arg2[%swap3A, %swap3A_11] : memref<1000x128xf32, #tpu.memory_space<vmem>>, vector<1000x64xf32>
    tpu.vector_store %arg2[%swap3A, %swap3A_11], %add3A {strides = array<i32>} : memref<1000x128xf32, #tpu.memory_space<vmem>>, vector<1000x64xf32>,
    %get3A_13 = arith.constant 0 : index
    %get3A_14 = arith.constant 1 : index
    %get3A_15 = arith.constant 0 : index
    %get3A_16 = arith.constant 0 : index
    %get3A_17 = vector.load %arg1[%get3A_13, %get3A_14, %get3A_15, %get3A_16] : memref<2x2x1000x64xf32, #tpu.memory_space<vmem>>, vector<1x1x1000x64xf32>
    %get3A_18 = vector.shape_cast %get3A_17 : vector<1x1x1000x64xf32> to vector<1000x64xf32>
    %get3A_19 = arith.constant 1 : index
    %get3A_20 = arith.constant 1 : index
    %get3A_21 = arith.constant 0 : index
    %get3A_22 = arith.constant 0 : index
    %get3A_23 = vector.load %arg1[%get3A_19, %get3A_20, %get3A_21, %get3A_22] : memref<2x2x1000x64xf32, #tpu.memory_space<vmem>>, vector<1x1x1000x64xf32>
    %get3A_24 = vector.shape_cast %get3A_23 : vector<1x1x1000x64xf32> to vector<1000x64xf32>
    %add3A_25 = arith.addf %get3A_18, %get3A_24 : vector<1000x64xf32>
    %swap3A_26 = arith.constant 0 : index
    %swap3A_27 = arith.constant 64 : index
    %swap3A_28 = vector.load %arg2[%swap3A_26, %swap3A_27] : memref<1000x128xf32, #tpu.memory_space<vmem>>, vector<1000x64xf32>
    tpu.vector_store %arg2[%swap3A_26, %swap3A_27], %add3A_25 {strides = array<i32>} : memref<1000x128xf32, #tpu.memory_space<vmem>>, vector<1000x64xf32>,
    return
  }
  func.func @transform_0(%arg0: i32) -> (i32, i32, i32, i32) {
    %c0_i32 = arith.constant 0 : i32
    %c0_i32_0 = arith.constant 0 : i32
    %c0_i32_1 = arith.constant 0 : i32
    %c0_i32_2 = arith.constant 0 : i32
    return %c0_i32, %c0_i32_0, %arg0, %c0_i32_1 : i32, i32, i32, i32
  }
  func.func @transform_1(%arg0: i32) -> (i32, i32) {
    %c0_i32 = arith.constant 0 : i32
    %c0_i32_0 = arith.constant 0 : i32
    return %arg0, %c0_i32 : i32, i32
  }
}

</mosaic_0001>

<sc_bundles>
// kernel: kernel.4.cloned.1.call-start
scs
__scs_entry_jumppad:
0x0: {  	(pc) =	sbr.rel $0x88, $3  }
0x1: {  	(tag) =	ssettag $0x0;
	lr =	simm.s32 $0x1  }
0x2: {  	[smem:$0x3F9E] =	sst lr;
	_ =	strace $0xD0000000  }
0x3: {  	_ = 	snop  }
0x4: {  	_ = 	snop  }
0x5: {  	_ = 	snop  }
0x6: {  	_ = 	snop  }
0x7: {  	_ = 	snop  }
__scs_overlays_trampoline_lowered:
0x8: {  	[smem:$0x3FAD] =	sst s0  }
0x9: {  	[smem:$0x3FAE] =	sst s1  }
0xa: {  	[smem:$0x3FAF] =	sst s2  }
0xb: {  	[smem:$0x3FB0] =	sst s3  }
0xc: {  	[smem:$0x3FB1] =	sst s4  }
0xd: {  	[smem:$0x3FB2] =	sst s5  }
0xe: {  	[smem:$0x3FB3] =	sst s6  }
0xf: {  	[smem:$0x3FB4] =	sst s7  }
0x10: {  	[smem:$0x3FB5] =	sst s8  }
0x11: {  	[smem:$0x3FB6] =	sst s9;
	s0 =	simm.s32 @!p0 $0x0  }
0x12: {  	s1 =	sld [smem:$0x3F9C];
	s0 =	simm.s32 @p0 $0x1  }
0x13: {  	[smem:$0x3FB7] =	sst s0;
	s0 =	simm.s32 @!p1 $0x0  }
0x14: {  	s2 =	sld [smem:$0x3F9B];
	s0 =	simm.s32 @p1 $0x1  }
0x15: {  	[smem:$0x3FB8] =	sst s0;
	s0 =	simm.s32 @!p2 $0x0  }
0x16: {  	s3 =	sld [smem:$0x3FDB];
	s0 =	simm.s32 @p2 $0x1  }
0x17: {  	s4 =	simm.s32 $0x1BF5;
	[smem:$0x3FBA] =	sst s0  }
0x18: {  	s0 =	sld [smem:$0x3F9D];
	_ =	swait.ge [sflag:s4], $0x0  }
0x19: {  	s7 =	sld [smem:$0x3F9E]  }
0x1a: {  	s8 =	sadd.s32 $0xFFFFE003, lr  }
0x1b: {  	s9 =	sadd.s32 $0xFFFFFEF7, lr;
	s5 =	simm.s32 $0xFFFFFFFF;
	p2 =	slt.u32 s8, $0xFFFFF086  }
0x1c: {  	p1 =	slt.u32 s9, $0xF7A;
	s5 =	simm.s32 @!p2 $0x0  }
0x1d: {  	s5 =	simm.s32 @p1 $0x1;
	p0 =	seq.s32 s7, s2  }
0x1e: {  	s7 =	smul.u32 @!p0 $0xF7A, s2;
	p2 =	seq.s32 @!p0 s5, $0x0  }
0x1f: {  	s9 =	smul.u32 $0xF7A, s1;
	s8 =	simm.s32 @!p0 $0x1BF5;
	p2 =	por !p2, p0  }
0x20: {  	[sflag:s8] =	ssyncset.s32 @!p0 $0xFFFFF086;
	s6 =	sadd.s32 @!p0 s3, s7;
	s7 =	simm.s32 @!p0 $0x108  }
0x21: {  	s3 =	sadd.s32 s3, s9;
	s6 =	sadd.s32 @!p0 $0x88, s6;
	s7 =	simm.s32 @p2 $0x1082  }
0x22: {  	[simem:s7], [sflag:s8] =	dma.local @!p0 [hbm:s6], $0xF7A  }
0x23: {  	s9 =	sor.u32 $0xD0000000, s2;
	s6 =	simm.s32 $0x108;
	_ =	swait.ge @!p0 [sflag:s8], $0x0  }
0x24: {  	s3 =	sadd.s32 $0x88, s3;
	s6 =	simm.s32 @!p1 $0x1082;
	[sflag:s4] =	ssyncset.s32 $0xFFFFF086  }
0x25: {  	[simem:s6], [sflag:s4] =	dma.local [hbm:s3], $0xF7A  }
0x26: {  	[smem:$0x3F9E] =	sst s1;
	(tag) =	ssettag s2;
	_ =	strace s9  }
0x27: {  	s1 =	sld [smem:$0x3FAE]  }
0x28: {  	s2 =	sld [smem:$0x3FAF]  }
0x29: {  	s4 =	sld [smem:$0x3FB1]  }
0x2a: {  	p0 =	seq.s32 s5, $0x0;
	s5 =	sld [smem:$0x3FB2]  }
0x2b: {  	s6 =	sld [smem:$0x3FB3]  }
0x2c: {  	s7 =	sld [smem:$0x3FB4]  }
0x2d: {  	s3 =	simm.s32 $0x108;
	s8 =	sld [smem:$0x3FB5]  }
0x2e: {  	s3 =	simm.s32 @!p0 $0x1082;
	s9 =	sld [smem:$0x3FB6]  }
0x2f: {  	lr =	sadd.s32 s0, s3;
	s0 =	sld [smem:$0x3FAD]  }
0x30: {  	s3 =	sld [smem:$0x3FB0]  }
0x31: {  	[smem:$0x3FB9] =	sst s10  }
0x32: {  	s10 =	sld [smem:$0x3FB7];
	_ =	sdelay $0x3  }
0x33: {  	p0 =	seq.s32 s10, $0x1;
	s10 =	sld [smem:$0x3FB9];
	_ =	sdelay $0x3  }
0x34: {  	[smem:$0x3FB9] =	sst s10  }
0x35: {  	s10 =	sld [smem:$0x3FB8];
	_ =	sdelay $0x3  }
0x36: {  	p1 =	seq.s32 s10, $0x1;
	s10 =	sld [smem:$0x3FB9];
	_ =	sdelay $0x3  }
0x37: {  	[smem:$0x3FB9] =	sst s10  }
0x38: {  	s10 =	sld [smem:$0x3FBA]  }
0x39: {  	_ = 	snop;
	(pc) =	sbr.ind lr, $3  }
0x3a: {  	_ = 	snop  }
0x3b: {  	_ = 	snop  }
0x3c: {  	p2 =	seq.s32 s10, $0x1;
	s10 =	sld [smem:$0x3FB9]  }
0x3d: {  	_ =	shalt  }
0x3e: {  	_ =	shalt  }
0x3f: {  	_ =	shalt  }
0x40: {  	_ =	shalt  }
0x41: {  	_ =	shalt  }
0x42: {  	_ =	shalt  }
0x43: {  	_ =	shalt  }
0x44: {  	_ =	shalt  }
0x45: {  	_ =	shalt  }
0x46: {  	_ =	shalt  }
0x47: {  	_ =	shalt  }
0x48: {  	_ =	shalt  }
0x49: {  	_ =	shalt  }
0x4a: {  	_ =	shalt  }
0x4b: {  	_ =	shalt  }
0x4c: {  	_ =	shalt  }
0x4d: {  	_ =	shalt  }
0x4e: {  	_ =	shalt  }
0x4f: {  	_ =	shalt  }
0x50: {  	_ =	shalt  }
0x51: {  	_ =	shalt  }
0x52: {  	_ =	shalt  }
0x53: {  	_ =	shalt  }
0x54: {  	_ =	shalt  }
0x55: {  	_ =	shalt  }
0x56: {  	_ =	shalt  }
0x57: {  	_ =	shalt  }
0x58: {  	_ =	shalt  }
0x59: {  	_ =	shalt  }
0x5a: {  	_ =	shalt  }
0x5b: {  	_ =	shalt  }
0x5c: {  	_ =	shalt  }
0x5d: {  	_ =	shalt  }
0x5e: {  	_ =	shalt  }
0x5f: {  	_ =	shalt  }
0x60: {  	_ =	shalt  }
0x61: {  	_ =	shalt  }
0x62: {  	_ =	shalt  }
0x63: {  	_ =	shalt  }
0x64: {  	_ =	shalt  }
0x65: {  	_ =	shalt  }
0x66: {  	_ =	shalt  }
0x67: {  	_ =	shalt  }
0x68: {  	_ =	shalt  }
0x69: {  	_ =	shalt  }
0x6a: {  	_ =	shalt  }
0x6b: {  	_ =	shalt  }
0x6c: {  	_ =	shalt  }
0x6d: {  	_ =	shalt  }
0x6e: {  	_ =	shalt  }
0x6f: {  	_ =	shalt  }
0x70: {  	_ =	shalt  }
0x71: {  	_ =	shalt  }
0x72: {  	_ =	shalt  }
0x73: {  	_ =	shalt  }
0x74: {  	_ =	shalt  }
0x75: {  	_ =	shalt  }
0x76: {  	_ =	shalt  }
0x77: {  	_ =	shalt  }
0x78: {  	_ =	shalt  }
0x79: {  	_ =	shalt  }
0x7a: {  	_ =	shalt  }
0x7b: {  	_ =	shalt  }
0x7c: {  	_ =	shalt  }
0x7d: {  	_ =	shalt  }
0x7e: {  	_ =	shalt  }
0x7f: {  	_ =	shalt  }
0x80: {  	_ =	shalt  }
0x81: {  	_ =	shalt  }
0x82: {  	_ =	shalt  }
0x83: {  	_ =	shalt  }
0x84: {  	_ =	shalt  }
0x85: {  	_ =	shalt  }
0x86: {  	_ =	shalt  }
0x87: {  	_ =	shalt  }
.Lfunc_end0:
.L_simem_size_0:
called_computation_lowered:
.L_overlay_start_0:
0x88: {  	s2 =	sld [smem:$0x3FD9]  }
0x89: {  	s3 =	sld [smem:$0x3FFE];
	_ =	sdelay $0x1  }
0x8a: {  	s1 =	srdreg.scid  }
0x8b: {  	s0 =	sand.u32 $0x1, s1  }
0x8c: {  	s17 =	sshll.u32 s0, $0xA;
	s2 =	sadd.s32 s3, s2  }
0x8d: {  	s2 =	sadd.s32 s2, s17  }
0x8e: {  	[smem:$0x3FC5] =	sst s2  }
0x8f: {  	_ = 	snop  }
0x90: {  	s2 =	sld [smem:$0x3FD0];
	(tm) =	ssettm $0x1  }
0x91: {  	s18 =	sld [smem:$0x3FFB];
	_ =	sdelay $0x3  }
0x92: {  	_ =	strace s18  }
0x93: {  	s3 =	sld [smem:$0x3FFC];
	_ =	sdelay $0x3  }
0x94: {  	_ =	strace s3  }
0x95: {  	s3 =	sld [smem:$0x3FFD];
	_ =	sdelay $0x3  }
0x96: {  	_ =	strace s3  }
0x97: {  	_ =	strace $0x8FFFFFFF  }
0x98: {  	s19 =	sld [smem:$0x3FDB];
	_ =	sdelay $0x1  }
0x99: {  	s4 =	simm.s32 $_scs_section_size  }
0x9a: {  	s5 =	simm.s32 $_size__tile_overlayer_lowered;
	s6 =	simm.s32 $_tile_overlayer_lowered  }
0x9b: {  	s22 =	simm.s32 $0x1BFF;
	s21 =	sshll.u32 s6, $0x1;
	s3 =	sadd.s32 s4, s19  }
0x9c: {  	s7 =	simm.s32 $0x0;
	s20 =	sshll.u32 s5, $0x1;
	s5 =	sadd.s32 s21, s3  }
0x9d: {  	[timem:s7], [sflag:s22] =	dma.local [hbm:s5], s20  }
0x9e: {  	_ =	swait.ge [sflag:s22], s20  }
0x9f: {  	s4 =	ssub.s32 $0x0, s20;
	[sflag:s22] =	ssyncset.done $0x0  }
0xa0: {  	[sflag:s22] =	ssyncadd.s32 s4;
	_ =	sdelay $0x1  }
0xa1: {  	s23 =	simm.s32 $0x1B8B  }
0xa2: {  	_ =	swait.ge [sflag:s23], $0x1  }
0xa3: {  	[sflag:s23] =	ssyncset.done $0x0  }
0xa4: {  	s25 =	simm.s32 $0x1B8E;
	s24 =	sld [smem:$0x3FFE];
	[sflag:s23] =	ssyncadd.s32 $0xFFFFFFFF  }
0xa5: {  	s26 =	simm.s32 $execute0_lowered;
	[smem:$0x3FD2] =	sst s25  }
0xa6: {  	s5 =	sshll.u32 s26, $0x1;
	_ =	strace $0x80000046;
	[dreg:$0x1] =	wrdreg $0xFFFFFFFF  }
0xa7: {  	s28 =	simm.s32 $_size_execute0_lowered;
	s3 =	sadd.s32 s3, s5;
	[dreg:$0x0] =	wrdreg $0x0  }
0xa8: {  	s5 =	sshll.u32 s28, $0x1;
	[dreg:$0x2] =	wrdreg s3  }
0xa9: {  	[dreg:$0x3] =	wrdreg s5  }
0xaa: {  	[dreg:$0x4] =	wrdreg $0xC0  }
0xab: {  	_ =	task [dreg:s7], $0x5FFFF  }
0xac: {  	[dreg:$0x1] =	wrdreg $0xFFFFFFFF  }
0xad: {  	[dreg:$0x0] =	wrdreg $0x60  }
0xae: {  	[dreg:$0x2] =	wrdreg s24  }
0xaf: {  	[dreg:$0x3] =	wrdreg s2  }
0xb0: {  	[dreg:$0x4] =	wrdreg $0xB8000  }
0xb1: {  	[dreg:$0x5] =	wrdreg $0x9  }
0xb2: {  	_ =	task.clear_ibuf [dreg:s7], $0x6FFFF;
	_ =	strace $0x90000046  }
0xb3: {  	s29 =	simm.s32 $0x9;
	_ =	strace $0x80000048  }
0xb4: {  	_ =	swait.ge [sflag:s29], $0x1  }
0xb5: {  	[sflag:s29] =	ssyncadd.s32 $0xFFFFFFFF  }
0xb6: {  	_ =	strace $0x90000048  }
0xb7: {  	_ =	sfence  }
0xb8: {  	s30 =	sld [smem:$0x0];
	_ =	sdelay $0x2  }
0xb9: {  	s31 =	sshll.u32 s1, $0xD;
	s1 =	sshrl.u32 s1, $0x2  }
0xba: {  	s3 =	sand.u32 $0x4000, s31;
	s1 =	sadd.s32 s1, s30  }
0xbb: {  	s0 =	sor.u32 s3, s0;
	s1 =	sshll.u32 s1, $0x11  }
0xbc: {  	s0 =	sor.u32 s1, s0  }
0xbd: {  	s0 =	sadd.s32 $0x8F2B, s0  }
0xbe: {  	[sflag:s0] =	ssyncadd.remote.s32 $0x1  }
0xbf: {  	_ =	sfence.sel $0xFFFF  }
0xc0: {  	[dreg:$0x0] =	wrdreg $0xFFFFFFFF;
	(pc) =	sbr.abs _section_cstart, $3  }
0xc1: {  	[dreg:$0x1] =	wrdreg $0xFFFFFFFF  }
0xc2: {  	_ =	task.clear_ibuf [dreg:s7], $0x2FFFF;
	_ =	strace $0x9FFFFFFF  }
0xc3: {  	(tm) =	ssettm $0x7FFFFFFF  }
tec
execute0_lowered:
.L_overlay_start_1:
0x0: {  	(tag) =	ssettag $0x1  }
0x1: {  	s6 =	rddreg [dreg:$0x0]  }
0x2: {  	s0 =	srdreg.scid;
	s2 =	rddreg [dreg:$0x1];
	s17 =	simm.s32 $0x2  }
0x3: {  	s19 =	simm.s32 $0x5000;
	s20 =	simm.s32 $0x9800;
	s21 =	simm.s32 $0x80  }
0x4: {  	s22 =	simm.s32 $0x7800;
	s1 =	sand.u32 $0x1, s0;
	s0 =	stileid.u32  }
0x5: {  	s23 =	simm.s32 $0x1;
	s24 =	simm.s32 $0x0;
	s9 =	smul.u32 $0xA000, s0  }
0x6: {  	s3 =	sshll.u32 s1, $0x4;
	s7 =	smul.u32 $0x140000, s1;
	s1 =	ssub.s32 $0x2, s1  }
0x7: {  	s11 =	smul.u32 $0x28000, s0;
	s4 =	sor.u32 s0, s3;
	s3 =	rddreg [dreg:$0x2]  }
0x8: {  	s10 =	sshrl.u32 s1, $0x1;
	s5 =	smul.u32 $0x500, s4;
	s4 =	simm.s32 $0x0  }
0x9: {  	s30 =	sadd.s32 s9, s7;
	s1 =	ssub.s32 s1, s10;
	s31 =	sshrl.u32 s11, $0x2  }
0xa: {  	s9 =	sadd.s32 s9, s3;
	[smem:$0x7FF] =	sst s4;
	s7 =	sshrl.u32 s30, $0x3  }
0xb: {  	s13 =	sadd.s32 s31, s3;
	s16 =	smax.u32 s1, $0x1;
	_ =	strace $0x80000047  }
0xc: {  	s8 =	sadd.s32 s5, s6;
	s5 =	sadd.s32 $0x14200, s6;
	s15 =	sadd.s32 s7, s6  }
0xd: {  	s10 =	sadd.s32 $0x2000, s13;
	s11 =	sadd.s32 $0x4000, s13;
	s12 =	sadd.s32 $0x6000, s13  }
0xe: {  	s13 =	sadd.s32 $0x8000, s13;
	s6 =	sadd.s32 $0xA200, s8;
	s7 =	sadd.s32 $0x200, s8  }
0xf: {  	v0 =	vimm.f32 $0.0e+00;
	s8 =	sadd.s32 $0x27C00, s8;
	s14 =	sadd.s32 $0x31C00, s15;
	s15 =	sadd.s32 $0x45C00, s15  }
.LBB2_1:
0x10: {  	[tilespmem:s4], [sflag:$0x2] =	stream.linear.gather [hbm4b:s6+s4], $0x2800, $0x38;
	[tilespmem:$0x15800] =	vst v63  }
0x11: {  	_ =	swait.ge [sflag:s17], $0x2800  }
0x12: {  	[sflag:s17] =	ssyncset.done $0x0  }
0x13: {  	s1 =	simm.s32 $0x2800;
	[sflag:s17] =	ssyncadd.s32 $0xFFFFD800  }
0x14: {  	[tilespmem:s1], [sflag:$0x2] =	stream.linear.gather [hbm4b:s7+s4], $0x2800, $0x38;
	[tilespmem:$0x15800] =	vst v63  }
0x15: {  	_ =	swait.ge [sflag:s17], $0x2800  }
0x16: {  	[sflag:s17] =	ssyncset.done $0x0  }
0x17: {  	[sflag:s17] =	ssyncadd.s32 $0xFFFFD800  }
0x18: {  	[tilespmem:s19], [sflag:$0x2] =	stream.linear.gather [hbm4b:s8+s4], $0x2800, $0x38;
	[tilespmem:$0x15800] =	vst v63  }
0x19: {  	_ =	swait.ge [sflag:s17], $0x2800  }
0x1a: {  	[sflag:s17] =	ssyncset.done $0x0  }
0x1b: {  	s25 =	simm.s32 $0x100;
	s1 =	simm.s32 $0x0;
	[sflag:s17] =	ssyncadd.s32 $0xFFFFD800  }
.LBB2_2:
0x1c: {  	p0 =	sne.s32 s25, $0x7F00;
	[tilespmem:s1+$0x9830] =	vst v0;
	s26 =	smov.u32 s25;
	s25 =	sadd.s32 $0x100, s25  }
.Ltmp0:
0x1d: {  	[tilespmem:s1+$0x9820] =	vst v0;
	(pc) =	sbr.rel @p0 .LBB2_2-.Ltmp0, $3  }
0x1e: {  	[tilespmem:s1+$0x9800] =	vst v0  }
0x1f: {  	[tilespmem:s1+$0x9810] =	vst v0;
	_ =	sdelay $0x1  }
0x20: {  	s1 =	sshra.s32 s26, $0x2  }
0x21: {  	[tilespmem:s1+$0x9830] =	vst v0  }
0x22: {  	[tilespmem:s1+$0x9820] =	vst v0  }
0x23: {  	[tilespmem:s1+$0x9800] =	vst v0  }
0x24: {  	[tilespmem:s1+$0x9810] =	vst v0  }
0x25: {  	[spmem:s9] =	stream.linear.scatter [tilespmem:s20], [sflag:$0x2], $0x2000, $0x38;
	[tilespmem:$0x15800] =	vst v63  }
0x26: {  	_ =	swait.ge [sflag:s17], $0x2000  }
0x27: {  	[sflag:s17] =	ssyncset.done $0x0  }
0x28: {  	[sflag:s17] =	ssyncadd.s32 $0xFFFFE000  }
0x29: {  	[spmem:s10] =	stream.linear.scatter [tilespmem:s20], [sflag:$0x2], $0x2000, $0x38;
	[tilespmem:$0x15800] =	vst v63  }
0x2a: {  	_ =	swait.ge [sflag:s17], $0x2000  }
0x2b: {  	[sflag:s17] =	ssyncset.done $0x0  }
0x2c: {  	[sflag:s17] =	ssyncadd.s32 $0xFFFFE000  }
0x2d: {  	[spmem:s11] =	stream.linear.scatter [tilespmem:s20], [sflag:$0x2], $0x2000, $0x38;
	[tilespmem:$0x15800] =	vst v63  }
0x2e: {  	_ =	swait.ge [sflag:s17], $0x2000  }
0x2f: {  	[sflag:s17] =	ssyncset.done $0x0  }
0x30: {  	[sflag:s17] =	ssyncadd.s32 $0xFFFFE000  }
0x31: {  	[spmem:s12] =	stream.linear.scatter [tilespmem:s20], [sflag:$0x2], $0x2000, $0x38;
	[tilespmem:$0x15800] =	vst v63  }
0x32: {  	_ =	swait.ge [sflag:s17], $0x2000  }
0x33: {  	[sflag:s17] =	ssyncset.done $0x0  }
0x34: {  	[sflag:s17] =	ssyncadd.s32 $0xFFFFE000  }
0x35: {  	[spmem:s13] =	stream.linear.scatter [tilespmem:s20], [sflag:$0x2], $0x2000, $0x38;
	[tilespmem:$0x15800] =	vst v63  }
0x36: {  	_ =	swait.ge [sflag:s17], $0x2000  }
0x37: {  	[sflag:s17] =	ssyncset.done $0x0  }
0x38: {  	[sflag:s17] =	ssyncadd.s32 $0xFFFFE000  }
0x39: {  	s25 =	simm.s32 $0x0;
	s26 =	simm.s32 $0x5000;
	[bflag:$0x0] =	sbarrier.arrive $0xFFFF  }
.LBB2_4:
0x3a: {  	s28 =	sshll.u32 s25, $0x7  }
0x3b: {  	s1 =	sadd.s32 $0x2800, s28  }
0x3c: {  	v1 =	vmov s26;
	[tilespmem:s22], [sflag:$0x1] =	stream.indirect.gather [hbm4b:s2+s21], $0x40, s1, s21, $0xb8;
	[tilespmem:$0x15800] =	vst v63  }
0x3d: {  	_ =	swait.ge [sflag:s23], $0x2000  }
0x3e: {  	[sflag:s23] =	ssyncset.done $0x0  }
0x3f: {  	s29 =	simm.s32 $0x7A00;
	s30 =	simm.s32 $0x0;
	[sflag:s23] =	ssyncadd.s32 $0xFFFFE000  }
.LBB2_5:
0x40: {  	s1 =	sshra.s32 s30, $0x2  }
0x41: {  	v2 =	vld.idx.msk [tilespmem:v1+s1+$0x0 ss:$0x1], $0xffff;
	_ =	sdelay $0x1  }
0x42: {  	v3 =	vld [tilespmem:s29+$0xFFFFFE00];
	_ =	sdelay $0x2  }
0x43: {  	v4 =	vbroadcast v2, $0x0;
	_ =	sdelay $0x1  }
0x44: {  	v3 =	vmul.f32 v4, v3;
	_ =	sdelay $0x1  }
0x45: {  	[tilespmem:s29+$0xFFFFFE00] =	vst v3;
	v3 =	vld [tilespmem:s29+$0xFFFFFE10];
	_ =	sdelay $0x4  }
0x46: {  	v3 =	vmul.f32 v3, v4;
	_ =	sdelay $0x1  }
0x47: {  	[tilespmem:s29+$0xFFFFFE10] =	vst v3;
	v3 =	vld [tilespmem:s29+$0xFFFFFE20];
	_ =	sdelay $0x4  }
0x48: {  	v3 =	vmul.f32 v3, v4;
	_ =	sdelay $0x1  }
0x49: {  	[tilespmem:s29+$0xFFFFFE20] =	vst v3;
	v3 =	vld [tilespmem:s29+$0xFFFFFE30];
	_ =	sdelay $0x4  }
0x4a: {  	v3 =	vmul.f32 v3, v4;
	_ =	sdelay $0x1  }
0x4b: {  	[tilespmem:s29+$0xFFFFFE30] =	vst v3;
	v3 =	vld [tilespmem:s29+$0xFFFFFE40];
	_ =	sdelay $0x2  }
0x4c: {  	v50 =	vbroadcast v2, $0x1;
	_ =	sdelay $0x1  }
0x4d: {  	v3 =	vmul.f32 v3, v50;
	_ =	sdelay $0x1  }
0x4e: {  	[tilespmem:s29+$0xFFFFFE40] =	vst v3;
	v3 =	vld [tilespmem:s29+$0xFFFFFE50];
	_ =	sdelay $0x4  }
0x4f: {  	v3 =	vmul.f32 v3, v50;
	_ =	sdelay $0x1  }
0x50: {  	[tilespmem:s29+$0xFFFFFE50] =	vst v3;
	v3 =	vld [tilespmem:s29+$0xFFFFFE60];
	_ =	sdelay $0x4  }
0x51: {  	v3 =	vmul.f32 v3, v50;
	_ =	sdelay $0x1  }
0x52: {  	[tilespmem:s29+$0xFFFFFE60] =	vst v3;
	v3 =	vld [tilespmem:s29+$0xFFFFFE70];
	_ =	sdelay $0x4  }
0x53: {  	v3 =	vmul.f32 v3, v50;
	_ =	sdelay $0x1  }
0x54: {  	[tilespmem:s29+$0xFFFFFE70] =	vst v3;
	v3 =	vld [tilespmem:s29+$0xFFFFFE80];
	_ =	sdelay $0x2  }
0x55: {  	v51 =	vbroadcast v2, $0x2;
	_ =	sdelay $0x1  }
0x56: {  	v3 =	vmul.f32 v3, v51;
	_ =	sdelay $0x1  }
0x57: {  	[tilespmem:s29+$0xFFFFFE80] =	vst v3;
	v3 =	vld [tilespmem:s29+$0xFFFFFE90];
	_ =	sdelay $0x4  }
0x58: {  	v3 =	vmul.f32 v3, v51;
	_ =	sdelay $0x1  }
0x59: {  	[tilespmem:s29+$0xFFFFFE90] =	vst v3;
	v3 =	vld [tilespmem:s29+$0xFFFFFEA0];
	_ =	sdelay $0x4  }
0x5a: {  	v3 =	vmul.f32 v3, v51;
	_ =	sdelay $0x1  }
0x5b: {  	[tilespmem:s29+$0xFFFFFEA0] =	vst v3;
	v3 =	vld [tilespmem:s29+$0xFFFFFEB0];
	_ =	sdelay $0x4  }
0x5c: {  	v3 =	vmul.f32 v3, v51;
	_ =	sdelay $0x1  }
0x5d: {  	[tilespmem:s29+$0xFFFFFEB0] =	vst v3;
	v3 =	vld [tilespmem:s29+$0xFFFFFEC0];
	_ =	sdelay $0x2  }
0x5e: {  	v52 =	vbroadcast v2, $0x3;
	_ =	sdelay $0x1  }
0x5f: {  	v3 =	vmul.f32 v3, v52;
	_ =	sdelay $0x1  }
0x60: {  	[tilespmem:s29+$0xFFFFFEC0] =	vst v3;
	v3 =	vld [tilespmem:s29+$0xFFFFFED0];
	_ =	sdelay $0x4  }
0x61: {  	v3 =	vmul.f32 v3, v52;
	_ =	sdelay $0x1  }
0x62: {  	[tilespmem:s29+$0xFFFFFED0] =	vst v3;
	v3 =	vld [tilespmem:s29+$0xFFFFFEE0];
	_ =	sdelay $0x4  }
0x63: {  	v3 =	vmul.f32 v3, v52;
	_ =	sdelay $0x1  }
0x64: {  	[tilespmem:s29+$0xFFFFFEE0] =	vst v3;
	v3 =	vld [tilespmem:s29+$0xFFFFFEF0];
	_ =	sdelay $0x4  }
0x65: {  	v3 =	vmul.f32 v3, v52;
	_ =	sdelay $0x1  }
0x66: {  	[tilespmem:s29+$0xFFFFFEF0] =	vst v3;
	v3 =	vld [tilespmem:s29+$0xFFFFFF00];
	_ =	sdelay $0x2  }
0x67: {  	v53 =	vbroadcast v2, $0x4;
	_ =	sdelay $0x1  }
0x68: {  	v3 =	vmul.f32 v3, v53;
	_ =	sdelay $0x1  }
0x69: {  	[tilespmem:s29+$0xFFFFFF00] =	vst v3;
	v3 =	vld [tilespmem:s29+$0xFFFFFF10];
	_ =	sdelay $0x4  }
0x6a: {  	v3 =	vmul.f32 v3, v53;
	_ =	sdelay $0x1  }
0x6b: {  	[tilespmem:s29+$0xFFFFFF10] =	vst v3;
	v3 =	vld [tilespmem:s29+$0xFFFFFF20];
	_ =	sdelay $0x4  }
0x6c: {  	v3 =	vmul.f32 v3, v53;
	_ =	sdelay $0x1  }
0x6d: {  	[tilespmem:s29+$0xFFFFFF20] =	vst v3;
	v3 =	vld [tilespmem:s29+$0xFFFFFF30];
	_ =	sdelay $0x4  }
0x6e: {  	v3 =	vmul.f32 v3, v53;
	_ =	sdelay $0x1  }
0x6f: {  	[tilespmem:s29+$0xFFFFFF30] =	vst v3;
	v3 =	vld [tilespmem:s29+$0xFFFFFF40];
	_ =	sdelay $0x2  }
0x70: {  	v54 =	vbroadcast v2, $0x5;
	_ =	sdelay $0x1  }
0x71: {  	v3 =	vmul.f32 v3, v54;
	_ =	sdelay $0x1  }
0x72: {  	[tilespmem:s29+$0xFFFFFF40] =	vst v3;
	v3 =	vld [tilespmem:s29+$0xFFFFFF50];
	_ =	sdelay $0x4  }
0x73: {  	v3 =	vmul.f32 v3, v54;
	_ =	sdelay $0x1  }
0x74: {  	[tilespmem:s29+$0xFFFFFF50] =	vst v3;
	v3 =	vld [tilespmem:s29+$0xFFFFFF60];
	_ =	sdelay $0x4  }
0x75: {  	v3 =	vmul.f32 v3, v54;
	_ =	sdelay $0x1  }
0x76: {  	[tilespmem:s29+$0xFFFFFF60] =	vst v3;
	v3 =	vld [tilespmem:s29+$0xFFFFFF70];
	_ =	sdelay $0x4  }
0x77: {  	v3 =	vmul.f32 v3, v54;
	_ =	sdelay $0x1  }
0x78: {  	[tilespmem:s29+$0xFFFFFF70] =	vst v3;
	v3 =	vld [tilespmem:s29+$0xFFFFFF80];
	_ =	sdelay $0x2  }
0x79: {  	v55 =	vbroadcast v2, $0x6;
	_ =	sdelay $0x1  }
0x7a: {  	v3 =	vmul.f32 v3, v55;
	_ =	sdelay $0x1  }
0x7b: {  	[tilespmem:s29+$0xFFFFFF80] =	vst v3;
	v3 =	vld [tilespmem:s29+$0xFFFFFF90];
	_ =	sdelay $0x4  }
0x7c: {  	v3 =	vmul.f32 v3, v55;
	_ =	sdelay $0x1  }
0x7d: {  	[tilespmem:s29+$0xFFFFFF90] =	vst v3;
	v3 =	vld [tilespmem:s29+$0xFFFFFFA0];
	_ =	sdelay $0x4  }
0x7e: {  	v3 =	vmul.f32 v3, v55;
	_ =	sdelay $0x1  }
0x7f: {  	[tilespmem:s29+$0xFFFFFFA0] =	vst v3;
	v3 =	vld [tilespmem:s29+$0xFFFFFFB0];
	_ =	sdelay $0x4  }
0x80: {  	v3 =	vmul.f32 v3, v55;
	_ =	sdelay $0x1  }
0x81: {  	[tilespmem:s29+$0xFFFFFFB0] =	vst v3;
	v3 =	vld [tilespmem:s29+$0xFFFFFFC0];
	_ =	sdelay $0x2  }
0x82: {  	v56 =	vbroadcast v2, $0x7;
	_ =	sdelay $0x1  }
0x83: {  	v3 =	vmul.f32 v3, v56;
	_ =	sdelay $0x1  }
0x84: {  	[tilespmem:s29+$0xFFFFFFC0] =	vst v3;
	v3 =	vld [tilespmem:s29+$0xFFFFFFD0];
	_ =	sdelay $0x4  }
0x85: {  	v3 =	vmul.f32 v3, v56;
	_ =	sdelay $0x1  }
0x86: {  	[tilespmem:s29+$0xFFFFFFD0] =	vst v3;
	v3 =	vld [tilespmem:s29+$0xFFFFFFE0];
	_ =	sdelay $0x4  }
0x87: {  	v3 =	vmul.f32 v3, v56;
	_ =	sdelay $0x1  }
0x88: {  	[tilespmem:s29+$0xFFFFFFE0] =	vst v3;
	v3 =	vld [tilespmem:s29+$0xFFFFFFF0];
	_ =	sdelay $0x4  }
0x89: {  	v3 =	vmul.f32 v3, v56;
	_ =	sdelay $0x1  }
0x8a: {  	[tilespmem:s29+$0xFFFFFFF0] =	vst v3;
	v3 =	vld [tilespmem:s29+$0x0];
	_ =	sdelay $0x2  }
0x8b: {  	v57 =	vbroadcast v2, $0x8;
	_ =	sdelay $0x1  }
0x8c: {  	v3 =	vmul.f32 v3, v57;
	_ =	sdelay $0x1  }
0x8d: {  	[tilespmem:s29+$0x0] =	vst v3;
	v3 =	vld [tilespmem:s29+$0x10];
	_ =	sdelay $0x4  }
0x8e: {  	v3 =	vmul.f32 v3, v57;
	_ =	sdelay $0x1  }
0x8f: {  	[tilespmem:s29+$0x10] =	vst v3;
	v3 =	vld [tilespmem:s29+$0x20];
	_ =	sdelay $0x4  }
0x90: {  	v3 =	vmul.f32 v3, v57;
	_ =	sdelay $0x1  }
0x91: {  	[tilespmem:s29+$0x20] =	vst v3;
	v3 =	vld [tilespmem:s29+$0x30];
	_ =	sdelay $0x4  }
0x92: {  	v3 =	vmul.f32 v3, v57;
	_ =	sdelay $0x1  }
0x93: {  	[tilespmem:s29+$0x30] =	vst v3;
	v3 =	vld [tilespmem:s29+$0x40];
	_ =	sdelay $0x2  }
0x94: {  	v58 =	vbroadcast v2, $0x9;
	_ =	sdelay $0x1  }
0x95: {  	v3 =	vmul.f32 v3, v58;
	_ =	sdelay $0x1  }
0x96: {  	[tilespmem:s29+$0x40] =	vst v3;
	v3 =	vld [tilespmem:s29+$0x50];
	_ =	sdelay $0x4  }
0x97: {  	v3 =	vmul.f32 v3, v58;
	_ =	sdelay $0x1  }
0x98: {  	[tilespmem:s29+$0x50] =	vst v3;
	v3 =	vld [tilespmem:s29+$0x60];
	_ =	sdelay $0x4  }
0x99: {  	v3 =	vmul.f32 v3, v58;
	_ =	sdelay $0x1  }
0x9a: {  	[tilespmem:s29+$0x60] =	vst v3;
	v3 =	vld [tilespmem:s29+$0x70];
	_ =	sdelay $0x4  }
0x9b: {  	v3 =	vmul.f32 v3, v58;
	_ =	sdelay $0x1  }
0x9c: {  	[tilespmem:s29+$0x70] =	vst v3;
	v3 =	vld [tilespmem:s29+$0x80];
	_ =	sdelay $0x2  }
0x9d: {  	v59 =	vbroadcast v2, $0xA;
	_ =	sdelay $0x1  }
0x9e: {  	v3 =	vmul.f32 v3, v59;
	_ =	sdelay $0x1  }
0x9f: {  	[tilespmem:s29+$0x80] =	vst v3;
	v3 =	vld [tilespmem:s29+$0x90];
	_ =	sdelay $0x4  }
0xa0: {  	v3 =	vmul.f32 v3, v59;
	_ =	sdelay $0x1  }
0xa1: {  	[tilespmem:s29+$0x90] =	vst v3;
	v3 =	vld [tilespmem:s29+$0xA0];
	_ =	sdelay $0x4  }
0xa2: {  	v3 =	vmul.f32 v3, v59;
	_ =	sdelay $0x1  }
0xa3: {  	[tilespmem:s29+$0xA0] =	vst v3;
	v3 =	vld [tilespmem:s29+$0xB0];
	_ =	sdelay $0x4  }
0xa4: {  	v3 =	vmul.f32 v3, v59;
	_ =	sdelay $0x1  }
0xa5: {  	[tilespmem:s29+$0xB0] =	vst v3;
	v3 =	vld [tilespmem:s29+$0xC0];
	_ =	sdelay $0x2  }
0xa6: {  	v60 =	vbroadcast v2, $0xB;
	_ =	sdelay $0x1  }
0xa7: {  	v3 =	vmul.f32 v3, v60;
	_ =	sdelay $0x1  }
0xa8: {  	[tilespmem:s29+$0xC0] =	vst v3;
	v3 =	vld [tilespmem:s29+$0xD0];
	_ =	sdelay $0x4  }
0xa9: {  	v3 =	vmul.f32 v3, v60;
	_ =	sdelay $0x1  }
0xaa: {  	[tilespmem:s29+$0xD0] =	vst v3;
	v3 =	vld [tilespmem:s29+$0xE0];
	_ =	sdelay $0x4  }
0xab: {  	v3 =	vmul.f32 v3, v60;
	_ =	sdelay $0x1  }
0xac: {  	[tilespmem:s29+$0xE0] =	vst v3;
	v3 =	vld [tilespmem:s29+$0xF0];
	_ =	sdelay $0x4  }
0xad: {  	v3 =	vmul.f32 v3, v60;
	_ =	sdelay $0x1  }
0xae: {  	[tilespmem:s29+$0xF0] =	vst v3;
	v3 =	vld [tilespmem:s29+$0x100];
	_ =	sdelay $0x2  }
0xaf: {  	v61 =	vbroadcast v2, $0xC;
	_ =	sdelay $0x1  }
0xb0: {  	v3 =	vmul.f32 v3, v61;
	_ =	sdelay $0x1  }
0xb1: {  	[tilespmem:s29+$0x100] =	vst v3;
	v3 =	vld [tilespmem:s29+$0x110];
	_ =	sdelay $0x4  }
0xb2: {  	v3 =	vmul.f32 v3, v61;
	_ =	sdelay $0x1  }
0xb3: {  	[tilespmem:s29+$0x110] =	vst v3;
	v3 =	vld [tilespmem:s29+$0x120];
	_ =	sdelay $0x4  }
0xb4: {  	v3 =	vmul.f32 v3, v61;
	_ =	sdelay $0x1  }
0xb5: {  	[tilespmem:s29+$0x120] =	vst v3;
	v3 =	vld [tilespmem:s29+$0x130];
	_ =	sdelay $0x4  }
0xb6: {  	v3 =	vmul.f32 v3, v61;
	_ =	sdelay $0x1  }
0xb7: {  	[tilespmem:s29+$0x130] =	vst v3;
	v3 =	vld [tilespmem:s29+$0x140];
	_ =	sdelay $0x2  }
0xb8: {  	v62 =	vbroadcast v2, $0xD;
	_ =	sdelay $0x1  }
0xb9: {  	v3 =	vmul.f32 v3, v62;
	_ =	sdelay $0x1  }
0xba: {  	[tilespmem:s29+$0x140] =	vst v3;
	v3 =	vld [tilespmem:s29+$0x150];
	_ =	sdelay $0x4  }
0xbb: {  	v3 =	vmul.f32 v3, v62;
	_ =	sdelay $0x1  }
0xbc: {  	[tilespmem:s29+$0x150] =	vst v3;
	v3 =	vld [tilespmem:s29+$0x160];
	_ =	sdelay $0x4  }
0xbd: {  	v3 =	vmul.f32 v3, v62;
	_ =	sdelay $0x1  }
0xbe: {  	[tilespmem:s29+$0x160] =	vst v3;
	v3 =	vld [tilespmem:s29+$0x170];
	_ =	sdelay $0x4  }
0xbf: {  	v3 =	vmul.f32 v3, v62;
	_ =	sdelay $0x1  }
0xc0: {  	[tilespmem:s29+$0x170] =	vst v3;
	v3 =	vld [tilespmem:s29+$0x180];
	_ =	sdelay $0x2  }
0xc1: {  	v63 =	vbroadcast v2, $0xE;
	_ =	sdelay $0x1  }
0xc2: {  	v3 =	vmul.f32 v3, v63;
	_ =	sdelay $0x1  }
0xc3: {  	[tilespmem:s29+$0x180] =	vst v3;
	v3 =	vld [tilespmem:s29+$0x190];
	_ =	sdelay $0x4  }
0xc4: {  	v3 =	vmul.f32 v3, v63;
	_ =	sdelay $0x1  }
0xc5: {  	[tilespmem:s29+$0x190] =	vst v3;
	v3 =	vld [tilespmem:s29+$0x1A0];
	_ =	sdelay $0x4  }
0xc6: {  	v3 =	vmul.f32 v3, v63;
	_ =	sdelay $0x1  }
0xc7: {  	[tilespmem:s29+$0x1A0] =	vst v3;
	v3 =	vld [tilespmem:s29+$0x1B0];
	_ =	sdelay $0x4  }
0xc8: {  	v3 =	vmul.f32 v3, v63;
	_ =	sdelay $0x1  }
0xc9: {  	[tilespmem:s29+$0x1B0] =	vst v3;
	v3 =	vld [tilespmem:s29+$0x1C0];
	_ =	sdelay $0x2  }
0xca: {  	v2 =	vbroadcast v2, $0xF;
	_ =	sdelay $0x1  }
0xcb: {  	v3 =	vmul.f32 v3, v2;
	_ =	sdelay $0x1  }
0xcc: {  	[tilespmem:s29+$0x1C0] =	vst v3;
	v3 =	vld [tilespmem:s29+$0x1D0];
	_ =	sdelay $0x4  }
0xcd: {  	v3 =	vmul.f32 v3, v2;
	_ =	sdelay $0x1  }
0xce: {  	[tilespmem:s29+$0x1D0] =	vst v3;
	v3 =	vld [tilespmem:s29+$0x1E0];
	_ =	sdelay $0x4  }
0xcf: {  	v3 =	vmul.f32 v3, v2;
	_ =	sdelay $0x1  }
0xd0: {  	[tilespmem:s29+$0x1E0] =	vst v3;
	v3 =	vld [tilespmem:s29+$0x1F0];
	_ =	sdelay $0x1  }
0xd1: {  	p0 =	sne.s32 s30, $0x1C0  }
.Ltmp1:
0xd2: {  	_ = 	snop;
	(pc) =	sbr.rel @p0 .LBB2_5-.Ltmp1, $3  }
0xd3: {  	_ = 	snop  }
0xd4: {  	v2 =	vmul.f32 v3, v2;
	_ =	sdelay $0x1  }
0xd5: {  	s30 =	sadd.s32 $0x40, s30;
	[tilespmem:s29+$0x1F0] =	vst v2;
	s29 =	sadd.s32 $0x400, s29  }
0xd6: {  	s25 =	sadd.s32 $0x1, s25  }
0xd7: {  	p0 =	sne.s32 s25, $0x50  }
.Ltmp2:
0xd8: {  	_ = 	snop;
	(pc) =	sbr.rel @p0 .LBB2_4-.Ltmp2, $4  }
0xd9: {  	[spmem:s3] =	stream.indirect.scatter.add.f32 [tilespmem:s22], [sflag:$0x2], $0x40, s28, s21, $0xb8;
	[tilespmem:$0x15800] =	vst v63  }
0xda: {  	_ =	swait.ge [sflag:s17], $0x2000  }
0xdb: {  	[sflag:s17] =	ssyncset.done $0x0  }
0xdc: {  	s26 =	sadd.s32 $0x80, s26;
	[sflag:s17] =	ssyncadd.s32 $0xFFFFE000  }
0xdd: {  	s1 =	sshll.u32 s0, $0x6  }
0xde: {  	[bflag:$0x0] =	sbarrier.arrive $0xFFFF;
	s26 =	sshrl.u32 s9, $0x3;
	s25 =	sor.u32 $0x1C02, s1  }
0xdf: {  	[hbm:s14], [sflag:s25] =	dma.local [spmem:s26], $0x1400  }
0xe0: {  	_ =	swait.ge [sflag:s17], $0x1400  }
0xe1: {  	[sflag:s17] =	ssyncset.done $0x0  }
0xe2: {  	[sflag:s17] =	ssyncadd.s32 $0xFFFFEC00  }
0xe3: {  	[bflag:$0x0] =	sbarrier.arrive $0xFFFF  }
0xe4: {  	[spmem:s9] =	stream.linear.scatter [tilespmem:s20], [sflag:$0x2], $0x2000, $0x38;
	[tilespmem:$0x15800] =	vst v63  }
0xe5: {  	_ =	swait.ge [sflag:s17], $0x2000  }
0xe6: {  	[sflag:s17] =	ssyncset.done $0x0  }
0xe7: {  	[sflag:s17] =	ssyncadd.s32 $0xFFFFE000  }
0xe8: {  	[spmem:s10] =	stream.linear.scatter [tilespmem:s20], [sflag:$0x2], $0x2000, $0x38;
	[tilespmem:$0x15800] =	vst v63  }
0xe9: {  	_ =	swait.ge [sflag:s17], $0x2000  }
0xea: {  	[sflag:s17] =	ssyncset.done $0x0  }
0xeb: {  	[sflag:s17] =	ssyncadd.s32 $0xFFFFE000  }
0xec: {  	[spmem:s11] =	stream.linear.scatter [tilespmem:s20], [sflag:$0x2], $0x2000, $0x38;
	[tilespmem:$0x15800] =	vst v63  }
0xed: {  	_ =	swait.ge [sflag:s17], $0x2000  }
0xee: {  	[sflag:s17] =	ssyncset.done $0x0  }
0xef: {  	[sflag:s17] =	ssyncadd.s32 $0xFFFFE000  }
0xf0: {  	[spmem:s12] =	stream.linear.scatter [tilespmem:s20], [sflag:$0x2], $0x2000, $0x38;
	[tilespmem:$0x15800] =	vst v63  }
0xf1: {  	_ =	swait.ge [sflag:s17], $0x2000  }
0xf2: {  	[sflag:s17] =	ssyncset.done $0x0  }
0xf3: {  	[sflag:s17] =	ssyncadd.s32 $0xFFFFE000  }
0xf4: {  	[spmem:s13] =	stream.linear.scatter [tilespmem:s20], [sflag:$0x2], $0x2000, $0x38;
	[tilespmem:$0x15800] =	vst v63  }
0xf5: {  	_ =	swait.ge [sflag:s17], $0x2000  }
0xf6: {  	[sflag:s17] =	ssyncset.done $0x0  }
0xf7: {  	[sflag:s17] =	ssyncadd.s32 $0xFFFFE000  }
0xf8: {  	s28 =	simm.s32 $0x0;
	s29 =	simm.s32 $0x5000;
	[bflag:$0x0] =	sbarrier.arrive $0xFFFF  }
.LBB2_8:
0xf9: {  	s30 =	sshll.u32 s28, $0x7  }
0xfa: {  	s1 =	sadd.s32 $0x2800, s30  }
0xfb: {  	v1 =	vmov s29;
	[tilespmem:s22], [sflag:$0x1] =	stream.indirect.gather [hbm4b:s5+s21], $0x40, s1, s21, $0xb8;
	[tilespmem:$0x15800] =	vst v63  }
0xfc: {  	_ =	swait.ge [sflag:s23], $0x2000  }
0xfd: {  	[sflag:s23] =	ssyncset.done $0x0  }
0xfe: {  	s31 =	simm.s32 $0x7A00;
	s1 =	simm.s32 $0x0;
	[sflag:s23] =	ssyncadd.s32 $0xFFFFE000  }
.LBB2_9:
0xff: {  	s18 =	sshra.s32 s1, $0x2  }
0x100: {  	v2 =	vld.idx.msk [tilespmem:v1+s18+$0x0 ss:$0x1], $0xffff;
	_ =	sdelay $0x1  }
0x101: {  	v3 =	vld [tilespmem:s31+$0xFFFFFE00];
	_ =	sdelay $0x2  }
0x102: {  	v4 =	vbroadcast v2, $0x0;
	_ =	sdelay $0x1  }
0x103: {  	v3 =	vmul.f32 v4, v3;
	_ =	sdelay $0x1  }
0x104: {  	[tilespmem:s31+$0xFFFFFE00] =	vst v3;
	v3 =	vld [tilespmem:s31+$0xFFFFFE10];
	_ =	sdelay $0x4  }
0x105: {  	v3 =	vmul.f32 v3, v4;
	_ =	sdelay $0x1  }
0x106: {  	[tilespmem:s31+$0xFFFFFE10] =	vst v3;
	v3 =	vld [tilespmem:s31+$0xFFFFFE20];
	_ =	sdelay $0x4  }
0x107: {  	v3 =	vmul.f32 v3, v4;
	_ =	sdelay $0x1  }
0x108: {  	[tilespmem:s31+$0xFFFFFE20] =	vst v3;
	v3 =	vld [tilespmem:s31+$0xFFFFFE30];
	_ =	sdelay $0x4  }
0x109: {  	v3 =	vmul.f32 v3, v4;
	_ =	sdelay $0x1  }
0x10a: {  	[tilespmem:s31+$0xFFFFFE30] =	vst v3;
	v3 =	vld [tilespmem:s31+$0xFFFFFE40];
	_ =	sdelay $0x2  }
0x10b: {  	v50 =	vbroadcast v2, $0x1;
	_ =	sdelay $0x1  }
0x10c: {  	v3 =	vmul.f32 v3, v50;
	_ =	sdelay $0x1  }
0x10d: {  	[tilespmem:s31+$0xFFFFFE40] =	vst v3;
	v3 =	vld [tilespmem:s31+$0xFFFFFE50];
	_ =	sdelay $0x4  }
0x10e: {  	v3 =	vmul.f32 v3, v50;
	_ =	sdelay $0x1  }
0x10f: {  	[tilespmem:s31+$0xFFFFFE50] =	vst v3;
	v3 =	vld [tilespmem:s31+$0xFFFFFE60];
	_ =	sdelay $0x4  }
0x110: {  	v3 =	vmul.f32 v3, v50;
	_ =	sdelay $0x1  }
0x111: {  	[tilespmem:s31+$0xFFFFFE60] =	vst v3;
	v3 =	vld [tilespmem:s31+$0xFFFFFE70];
	_ =	sdelay $0x4  }
0x112: {  	v3 =	vmul.f32 v3, v50;
	_ =	sdelay $0x1  }
0x113: {  	[tilespmem:s31+$0xFFFFFE70] =	vst v3;
	v3 =	vld [tilespmem:s31+$0xFFFFFE80];
	_ =	sdelay $0x2  }
0x114: {  	v51 =	vbroadcast v2, $0x2;
	_ =	sdelay $0x1  }
0x115: {  	v3 =	vmul.f32 v3, v51;
	_ =	sdelay $0x1  }
0x116: {  	[tilespmem:s31+$0xFFFFFE80] =	vst v3;
	v3 =	vld [tilespmem:s31+$0xFFFFFE90];
	_ =	sdelay $0x4  }
0x117: {  	v3 =	vmul.f32 v3, v51;
	_ =	sdelay $0x1  }
0x118: {  	[tilespmem:s31+$0xFFFFFE90] =	vst v3;
	v3 =	vld [tilespmem:s31+$0xFFFFFEA0];
	_ =	sdelay $0x4  }
0x119: {  	v3 =	vmul.f32 v3, v51;
	_ =	sdelay $0x1  }
0x11a: {  	[tilespmem:s31+$0xFFFFFEA0] =	vst v3;
	v3 =	vld [tilespmem:s31+$0xFFFFFEB0];
	_ =	sdelay $0x4  }
0x11b: {  	v3 =	vmul.f32 v3, v51;
	_ =	sdelay $0x1  }
0x11c: {  	[tilespmem:s31+$0xFFFFFEB0] =	vst v3;
	v3 =	vld [tilespmem:s31+$0xFFFFFEC0];
	_ =	sdelay $0x2  }
0x11d: {  	v52 =	vbroadcast v2, $0x3;
	_ =	sdelay $0x1  }
0x11e: {  	v3 =	vmul.f32 v3, v52;
	_ =	sdelay $0x1  }
0x11f: {  	[tilespmem:s31+$0xFFFFFEC0] =	vst v3;
	v3 =	vld [tilespmem:s31+$0xFFFFFED0];
	_ =	sdelay $0x4  }
0x120: {  	v3 =	vmul.f32 v3, v52;
	_ =	sdelay $0x1  }
0x121: {  	[tilespmem:s31+$0xFFFFFED0] =	vst v3;
	v3 =	vld [tilespmem:s31+$0xFFFFFEE0];
	_ =	sdelay $0x4  }
0x122: {  	v3 =	vmul.f32 v3, v52;
	_ =	sdelay $0x1  }
0x123: {  	[tilespmem:s31+$0xFFFFFEE0] =	vst v3;
	v3 =	vld [tilespmem:s31+$0xFFFFFEF0];
	_ =	sdelay $0x4  }
0x124: {  	v3 =	vmul.f32 v3, v52;
	_ =	sdelay $0x1  }
0x125: {  	[tilespmem:s31+$0xFFFFFEF0] =	vst v3;
	v3 =	vld [tilespmem:s31+$0xFFFFFF00];
	_ =	sdelay $0x2  }
0x126: {  	v53 =	vbroadcast v2, $0x4;
	_ =	sdelay $0x1  }
0x127: {  	v3 =	vmul.f32 v3, v53;
	_ =	sdelay $0x1  }
0x128: {  	[tilespmem:s31+$0xFFFFFF00] =	vst v3;
	v3 =	vld [tilespmem:s31+$0xFFFFFF10];
	_ =	sdelay $0x4  }
0x129: {  	v3 =	vmul.f32 v3, v53;
	_ =	sdelay $0x1  }
0x12a: {  	[tilespmem:s31+$0xFFFFFF10] =	vst v3;
	v3 =	vld [tilespmem:s31+$0xFFFFFF20];
	_ =	sdelay $0x4  }
0x12b: {  	v3 =	vmul.f32 v3, v53;
	_ =	sdelay $0x1  }
0x12c: {  	[tilespmem:s31+$0xFFFFFF20] =	vst v3;
	v3 =	vld [tilespmem:s31+$0xFFFFFF30];
	_ =	sdelay $0x4  }
0x12d: {  	v3 =	vmul.f32 v3, v53;
	_ =	sdelay $0x1  }
0x12e: {  	[tilespmem:s31+$0xFFFFFF30] =	vst v3;
	v3 =	vld [tilespmem:s31+$0xFFFFFF40];
	_ =	sdelay $0x2  }
0x12f: {  	v54 =	vbroadcast v2, $0x5;
	_ =	sdelay $0x1  }
0x130: {  	v3 =	vmul.f32 v3, v54;
	_ =	sdelay $0x1  }
0x131: {  	[tilespmem:s31+$0xFFFFFF40] =	vst v3;
	v3 =	vld [tilespmem:s31+$0xFFFFFF50];
	_ =	sdelay $0x4  }
0x132: {  	v3 =	vmul.f32 v3, v54;
	_ =	sdelay $0x1  }
0x133: {  	[tilespmem:s31+$0xFFFFFF50] =	vst v3;
	v3 =	vld [tilespmem:s31+$0xFFFFFF60];
	_ =	sdelay $0x4  }
0x134: {  	v3 =	vmul.f32 v3, v54;
	_ =	sdelay $0x1  }
0x135: {  	[tilespmem:s31+$0xFFFFFF60] =	vst v3;
	v3 =	vld [tilespmem:s31+$0xFFFFFF70];
	_ =	sdelay $0x4  }
0x136: {  	v3 =	vmul.f32 v3, v54;
	_ =	sdelay $0x1  }
0x137: {  	[tilespmem:s31+$0xFFFFFF70] =	vst v3;
	v3 =	vld [tilespmem:s31+$0xFFFFFF80];
	_ =	sdelay $0x2  }
0x138: {  	v55 =	vbroadcast v2, $0x6;
	_ =	sdelay $0x1  }
0x139: {  	v3 =	vmul.f32 v3, v55;
	_ =	sdelay $0x1  }
0x13a: {  	[tilespmem:s31+$0xFFFFFF80] =	vst v3;
	v3 =	vld [tilespmem:s31+$0xFFFFFF90];
	_ =	sdelay $0x4  }
0x13b: {  	v3 =	vmul.f32 v3, v55;
	_ =	sdelay $0x1  }
0x13c: {  	[tilespmem:s31+$0xFFFFFF90] =	vst v3;
	v3 =	vld [tilespmem:s31+$0xFFFFFFA0];
	_ =	sdelay $0x4  }
0x13d: {  	v3 =	vmul.f32 v3, v55;
	_ =	sdelay $0x1  }
0x13e: {  	[tilespmem:s31+$0xFFFFFFA0] =	vst v3;
	v3 =	vld [tilespmem:s31+$0xFFFFFFB0];
	_ =	sdelay $0x4  }
0x13f: {  	v3 =	vmul.f32 v3, v55;
	_ =	sdelay $0x1  }
0x140: {  	[tilespmem:s31+$0xFFFFFFB0] =	vst v3;
	v3 =	vld [tilespmem:s31+$0xFFFFFFC0];
	_ =	sdelay $0x2  }
0x141: {  	v56 =	vbroadcast v2, $0x7;
	_ =	sdelay $0x1  }
0x142: {  	v3 =	vmul.f32 v3, v56;
	_ =	sdelay $0x1  }
0x143: {  	[tilespmem:s31+$0xFFFFFFC0] =	vst v3;
	v3 =	vld [tilespmem:s31+$0xFFFFFFD0];
	_ =	sdelay $0x4  }
0x144: {  	v3 =	vmul.f32 v3, v56;
	_ =	sdelay $0x1  }
0x145: {  	[tilespmem:s31+$0xFFFFFFD0] =	vst v3;
	v3 =	vld [tilespmem:s31+$0xFFFFFFE0];
	_ =	sdelay $0x4  }
0x146: {  	v3 =	vmul.f32 v3, v56;
	_ =	sdelay $0x1  }
0x147: {  	[tilespmem:s31+$0xFFFFFFE0] =	vst v3;
	v3 =	vld [tilespmem:s31+$0xFFFFFFF0];
	_ =	sdelay $0x4  }
0x148: {  	v3 =	vmul.f32 v3, v56;
	_ =	sdelay $0x1  }
0x149: {  	[tilespmem:s31+$0xFFFFFFF0] =	vst v3;
	v3 =	vld [tilespmem:s31+$0x0];
	_ =	sdelay $0x2  }
0x14a: {  	v57 =	vbroadcast v2, $0x8;
	_ =	sdelay $0x1  }
0x14b: {  	v3 =	vmul.f32 v3, v57;
	_ =	sdelay $0x1  }
0x14c: {  	[tilespmem:s31+$0x0] =	vst v3;
	v3 =	vld [tilespmem:s31+$0x10];
	_ =	sdelay $0x4  }
0x14d: {  	v3 =	vmul.f32 v3, v57;
	_ =	sdelay $0x1  }
0x14e: {  	[tilespmem:s31+$0x10] =	vst v3;
	v3 =	vld [tilespmem:s31+$0x20];
	_ =	sdelay $0x4  }
0x14f: {  	v3 =	vmul.f32 v3, v57;
	_ =	sdelay $0x1  }
0x150: {  	[tilespmem:s31+$0x20] =	vst v3;
	v3 =	vld [tilespmem:s31+$0x30];
	_ =	sdelay $0x4  }
0x151: {  	v3 =	vmul.f32 v3, v57;
	_ =	sdelay $0x1  }
0x152: {  	[tilespmem:s31+$0x30] =	vst v3;
	v3 =	vld [tilespmem:s31+$0x40];
	_ =	sdelay $0x2  }
0x153: {  	v58 =	vbroadcast v2, $0x9;
	_ =	sdelay $0x1  }
0x154: {  	v3 =	vmul.f32 v3, v58;
	_ =	sdelay $0x1  }
0x155: {  	[tilespmem:s31+$0x40] =	vst v3;
	v3 =	vld [tilespmem:s31+$0x50];
	_ =	sdelay $0x4  }
0x156: {  	v3 =	vmul.f32 v3, v58;
	_ =	sdelay $0x1  }
0x157: {  	[tilespmem:s31+$0x50] =	vst v3;
	v3 =	vld [tilespmem:s31+$0x60];
	_ =	sdelay $0x4  }
0x158: {  	v3 =	vmul.f32 v3, v58;
	_ =	sdelay $0x1  }
0x159: {  	[tilespmem:s31+$0x60] =	vst v3;
	v3 =	vld [tilespmem:s31+$0x70];
	_ =	sdelay $0x4  }
0x15a: {  	v3 =	vmul.f32 v3, v58;
	_ =	sdelay $0x1  }
0x15b: {  	[tilespmem:s31+$0x70] =	vst v3;
	v3 =	vld [tilespmem:s31+$0x80];
	_ =	sdelay $0x2  }
0x15c: {  	v59 =	vbroadcast v2, $0xA;
	_ =	sdelay $0x1  }
0x15d: {  	v3 =	vmul.f32 v3, v59;
	_ =	sdelay $0x1  }
0x15e: {  	[tilespmem:s31+$0x80] =	vst v3;
	v3 =	vld [tilespmem:s31+$0x90];
	_ =	sdelay $0x4  }
0x15f: {  	v3 =	vmul.f32 v3, v59;
	_ =	sdelay $0x1  }
0x160: {  	[tilespmem:s31+$0x90] =	vst v3;
	v3 =	vld [tilespmem:s31+$0xA0];
	_ =	sdelay $0x4  }
0x161: {  	v3 =	vmul.f32 v3, v59;
	_ =	sdelay $0x1  }
0x162: {  	[tilespmem:s31+$0xA0] =	vst v3;
	v3 =	vld [tilespmem:s31+$0xB0];
	_ =	sdelay $0x4  }
0x163: {  	v3 =	vmul.f32 v3, v59;
	_ =	sdelay $0x1  }
0x164: {  	[tilespmem:s31+$0xB0] =	vst v3;
	v3 =	vld [tilespmem:s31+$0xC0];
	_ =	sdelay $0x2  }
0x165: {  	v60 =	vbroadcast v2, $0xB;
	_ =	sdelay $0x1  }
0x166: {  	v3 =	vmul.f32 v3, v60;
	_ =	sdelay $0x1  }
0x167: {  	[tilespmem:s31+$0xC0] =	vst v3;
	v3 =	vld [tilespmem:s31+$0xD0];
	_ =	sdelay $0x4  }
0x168: {  	v3 =	vmul.f32 v3, v60;
	_ =	sdelay $0x1  }
0x169: {  	[tilespmem:s31+$0xD0] =	vst v3;
	v3 =	vld [tilespmem:s31+$0xE0];
	_ =	sdelay $0x4  }
0x16a: {  	v3 =	vmul.f32 v3, v60;
	_ =	sdelay $0x1  }
0x16b: {  	[tilespmem:s31+$0xE0] =	vst v3;
	v3 =	vld [tilespmem:s31+$0xF0];
	_ =	sdelay $0x4  }
0x16c: {  	v3 =	vmul.f32 v3, v60;
	_ =	sdelay $0x1  }
0x16d: {  	[tilespmem:s31+$0xF0] =	vst v3;
	v3 =	vld [tilespmem:s31+$0x100];
	_ =	sdelay $0x2  }
0x16e: {  	v61 =	vbroadcast v2, $0xC;
	_ =	sdelay $0x1  }
0x16f: {  	v3 =	vmul.f32 v3, v61;
	_ =	sdelay $0x1  }
0x170: {  	[tilespmem:s31+$0x100] =	vst v3;
	v3 =	vld [tilespmem:s31+$0x110];
	_ =	sdelay $0x4  }
0x171: {  	v3 =	vmul.f32 v3, v61;
	_ =	sdelay $0x1  }
0x172: {  	[tilespmem:s31+$0x110] =	vst v3;
	v3 =	vld [tilespmem:s31+$0x120];
	_ =	sdelay $0x4  }
0x173: {  	v3 =	vmul.f32 v3, v61;
	_ =	sdelay $0x1  }
0x174: {  	[tilespmem:s31+$0x120] =	vst v3;
	v3 =	vld [tilespmem:s31+$0x130];
	_ =	sdelay $0x4  }
0x175: {  	v3 =	vmul.f32 v3, v61;
	_ =	sdelay $0x1  }
0x176: {  	[tilespmem:s31+$0x130] =	vst v3;
	v3 =	vld [tilespmem:s31+$0x140];
	_ =	sdelay $0x2  }
0x177: {  	v62 =	vbroadcast v2, $0xD;
	_ =	sdelay $0x1  }
0x178: {  	v3 =	vmul.f32 v3, v62;
	_ =	sdelay $0x1  }
0x179: {  	[tilespmem:s31+$0x140] =	vst v3;
	v3 =	vld [tilespmem:s31+$0x150];
	_ =	sdelay $0x4  }
0x17a: {  	v3 =	vmul.f32 v3, v62;
	_ =	sdelay $0x1  }
0x17b: {  	[tilespmem:s31+$0x150] =	vst v3;
	v3 =	vld [tilespmem:s31+$0x160];
	_ =	sdelay $0x4  }
0x17c: {  	v3 =	vmul.f32 v3, v62;
	_ =	sdelay $0x1  }
0x17d: {  	[tilespmem:s31+$0x160] =	vst v3;
	v3 =	vld [tilespmem:s31+$0x170];
	_ =	sdelay $0x4  }
0x17e: {  	v3 =	vmul.f32 v3, v62;
	_ =	sdelay $0x1  }
0x17f: {  	[tilespmem:s31+$0x170] =	vst v3;
	v3 =	vld [tilespmem:s31+$0x180];
	_ =	sdelay $0x2  }
0x180: {  	v63 =	vbroadcast v2, $0xE;
	_ =	sdelay $0x1  }
0x181: {  	v3 =	vmul.f32 v3, v63;
	_ =	sdelay $0x1  }
0x182: {  	[tilespmem:s31+$0x180] =	vst v3;
	v3 =	vld [tilespmem:s31+$0x190];
	_ =	sdelay $0x4  }
0x183: {  	v3 =	vmul.f32 v3, v63;
	_ =	sdelay $0x1  }
0x184: {  	[tilespmem:s31+$0x190] =	vst v3;
	v3 =	vld [tilespmem:s31+$0x1A0];
	_ =	sdelay $0x4  }
0x185: {  	v3 =	vmul.f32 v3, v63;
	_ =	sdelay $0x1  }
0x186: {  	[tilespmem:s31+$0x1A0] =	vst v3;
	v3 =	vld [tilespmem:s31+$0x1B0];
	_ =	sdelay $0x4  }
0x187: {  	v3 =	vmul.f32 v3, v63;
	_ =	sdelay $0x1  }
0x188: {  	[tilespmem:s31+$0x1B0] =	vst v3;
	v3 =	vld [tilespmem:s31+$0x1C0];
	_ =	sdelay $0x2  }
0x189: {  	v2 =	vbroadcast v2, $0xF;
	_ =	sdelay $0x1  }
0x18a: {  	v3 =	vmul.f32 v3, v2;
	_ =	sdelay $0x1  }
0x18b: {  	[tilespmem:s31+$0x1C0] =	vst v3;
	v3 =	vld [tilespmem:s31+$0x1D0];
	_ =	sdelay $0x4  }
0x18c: {  	v3 =	vmul.f32 v3, v2;
	_ =	sdelay $0x1  }
0x18d: {  	[tilespmem:s31+$0x1D0] =	vst v3;
	v3 =	vld [tilespmem:s31+$0x1E0];
	_ =	sdelay $0x4  }
0x18e: {  	v3 =	vmul.f32 v3, v2;
	_ =	sdelay $0x1  }
0x18f: {  	[tilespmem:s31+$0x1E0] =	vst v3;
	v3 =	vld [tilespmem:s31+$0x1F0];
	_ =	sdelay $0x1  }
0x190: {  	p0 =	sne.s32 s1, $0x1C0  }
.Ltmp3:
0x191: {  	_ = 	snop;
	(pc) =	sbr.rel @p0 .LBB2_9-.Ltmp3, $3  }
0x192: {  	_ = 	snop  }
0x193: {  	v2 =	vmul.f32 v3, v2;
	_ =	sdelay $0x1  }
0x194: {  	s1 =	sadd.s32 $0x40, s1;
	[tilespmem:s31+$0x1F0] =	vst v2;
	s31 =	sadd.s32 $0x400, s31  }
0x195: {  	s28 =	sadd.s32 $0x1, s28  }
0x196: {  	p0 =	sne.s32 s28, $0x50  }
.Ltmp4:
0x197: {  	_ = 	snop;
	(pc) =	sbr.rel @p0 .LBB2_8-.Ltmp4, $4  }
0x198: {  	[spmem:s3] =	stream.indirect.scatter.add.f32 [tilespmem:s22], [sflag:$0x2], $0x40, s30, s21, $0xb8;
	[tilespmem:$0x15800] =	vst v63  }
0x199: {  	_ =	swait.ge [sflag:s17], $0x2000  }
0x19a: {  	[sflag:s17] =	ssyncset.done $0x0  }
0x19b: {  	s29 =	sadd.s32 $0x80, s29;
	[sflag:s17] =	ssyncadd.s32 $0xFFFFE000  }
0x19c: {  	[bflag:$0x0] =	sbarrier.arrive $0xFFFF;
	s24 =	sadd.s32 $0x1, s24  }
0x19d: {  	[hbm:s15], [sflag:s25] =	dma.local [spmem:s26], $0x1400  }
0x19e: {  	p0 =	sne.s32 s24, s16  }
.Ltmp5:
0x19f: {  	_ =	swait.ge [sflag:s17], $0x1400;
	(pc) =	sbr.rel @p0 .LBB2_1-.Ltmp5, $3  }
0x1a0: {  	[sflag:s17] =	ssyncset.done $0x0  }
0x1a1: {  	[sflag:s17] =	ssyncadd.s32 $0xFFFFEC00  }
0x1a2: {  	[bflag:$0x0] =	sbarrier.arrive $0xFFFF;
	_ =	sdelay $0x1  }
0x1a3: {  	_ =	sfence.sel $0x180000  }
0x1a4: {  	[bflag:$0x0] =	sbarrier.arrive $0xFFFF  }
0x1a5: {  	_ =	strace $0x90000047  }
0x1a6: {  	[bflag:$0x2] =	sbarrier.arrive $0xFFFF  }
0x1a7: {  	p0 =	sne.s32 s0, $0x0;
	s0 =	rddreg [dreg:$0x3]  }
0x1a8: {  	s0 =	sadd.s32 @!p0 $0x100000, s0  }
0x1a9: {  	[sflag:s0] =	ssyncadd.tile.s32 @!p0 $0x1;
	_ =	shalt  }
.Lfunc_end2:
_tile_overlayer_lowered:
.L_overlay_start_2:
0x1aa: {  	(tag) =	ssettag $0x2  }
0x1ab: {  	s0 =	rddreg [dreg:$0x0];
	s2 =	stileid.u32  }
0x1ac: {  	s1 =	rddreg [dreg:$0x1];
	p0 =	sne.s32 s2, $0x0  }
0x1ad: {  	s3 =	rddreg [dreg:$0x2];
	[bflag:$0x3] =	sbarrier.arrive $0xFFFF;
	s2 =	simm.s32 @!p0 $0x1C02  }
0x1ae: {  	[timem:s3], [sflag:s2] =	dma.local @!p0 [hbm:s0], s1  }
0x1af: {  	s0 =	simm.s32 @!p0 $0x2  }
0x1b0: {  	_ =	swait.ge @!p0 [sflag:s0], s1  }
0x1b1: {  	s1 =	ssub.s32 @!p0 $0x0, s1;
	[sflag:s0] =	ssyncset.done @!p0 $0x0  }
0x1b2: {  	[sflag:s0] =	ssyncadd.s32 @!p0 s1  }
0x1b3: {  	[bflag:$0x3] =	sbarrier.arrive $0xFFFF  }
0x1b4: {  	_ =	shalt  }

</sc_bundles>
